<compile_context>
chip_gen: v7x
topology: tpu7x:2x2x1
jax: 0.10.2.dev20260603
libtpu: 0.0.44.dev20260713+nightly
codegen_flags: <defaults>
</compile_context>

<pallas_src>
import math

import jax
import jax.numpy as jnp
from jax import lax
from jax.experimental import pallas as pl
from jax.experimental.pallas import tpu as pltpu
from jax.experimental.pallas import tpu_sc as plsc

N = 50000
D = 512
E = 800000
G = 512
OUT = 7
_BN_SCALE = 1.0 / math.sqrt(1.0 + 1e-05)

NB = 32
NP = 50176
Q = NP // 4
R4 = Q // NB
CHW = 192
CH = 264
IB = 12
NBUF = 4
NSL = CH // IB
EPT = CH * CHW
EP = EPT * 16
RPT = NP // 16


def _pre_body(xa_ref, xb_ref, xc_ref, xd_ref, wa_ref, ba_ref, wb_ref, bb_ref,
              out_ref):
    i = pl.program_id(0)

    def mlp(xblk):
        t = jnp.maximum(
            jnp.dot(xblk, wa_ref[...], preferred_element_type=jnp.float32)
            + ba_ref[...], 0.0)
        return jnp.maximum(
            jnp.dot(t, wb_ref[...], preferred_element_type=jnp.float32)
            + bb_ref[...], 0.0)

    nxa = mlp(xa_ref[...])
    nxb = mlp(xb_ref[...])
    nxc = mlp(xc_ref[...])
    nxd = mlp(xd_ref[...])
    rows = lax.broadcasted_iota(jnp.int32, (R4, 64), 0) + i * R4
    nxd = jnp.where(rows < N - 3 * Q, nxd, 0.0)
    out_ref[0] = jnp.concatenate(
        [nxa[:, :32], nxb[:, :32], nxc[:, :32], nxd[:, :32]], axis=1)
    out_ref[1] = jnp.concatenate(
        [nxa[:, 32:], nxb[:, 32:], nxc[:, 32:], nxd[:, 32:]], axis=1)


def _pre_call(x, wa, ba, wb, bb):
    return pl.pallas_call(
        _pre_body,
        grid=(NB,),
        in_specs=[
            pl.BlockSpec((R4, D), lambda i: (i, 0)),
            pl.BlockSpec((R4, D), lambda i: (i + NB, 0)),
            pl.BlockSpec((R4, D), lambda i: (i + 2 * NB, 0)),
            pl.BlockSpec((R4, D), lambda i: (i + 3 * NB, 0)),
            pl.BlockSpec((D, 32), lambda i: (0, 0)),
            pl.BlockSpec((1, 32), lambda i: (0, 0)),
            pl.BlockSpec((32, 64), lambda i: (0, 0)),
            pl.BlockSpec((1, 64), lambda i: (0, 0)),
        ],
        out_specs=pl.BlockSpec((2, R4, 128), lambda i: (0, i, 0)),
        out_shape=jax.ShapeDtypeStruct((2, Q, 128), jnp.float32),
    )(x, x, x, x, wa, ba, wb, bb)


def _seg_body(table_hbm, srcidx_hbm, dstidx_hbm, zeros_hbm, out_hbm,
              src_v, dst_v, r0, r1, r2, r3, acc_sh, g0, g1, g2, g3,
              s0, s1, s2, s3):
    c = lax.axis_index("c")
    s = lax.axis_index("s")
    w = c * 16 + s
    rows = (r0, r1, r2, r3)
    gsem = (g0, g1, g2, g3)
    ssem = (s0, s1, s2, s3)
    ngrp = IB // NBUF

    def _gath(j, b, sem):
        return pltpu.make_async_copy(table_hbm.at[src_v.at[j]], rows[b], sem)

    def _scat(j, b, sem):
        return pltpu.make_async_copy(rows[b], acc_sh.at[dst_v.at[j]], sem)

    base = s * RPT
    pltpu.sync_copy(zeros_hbm, acc_sh.at[pl.ds(base, RPT)])
    plsc.subcore_barrier()

    def _slab(st, carry):
        pltpu.sync_copy(srcidx_hbm.at[w * NSL + st], src_v)
        pltpu.sync_copy(dstidx_hbm.at[s * NSL + st], dst_v)
        for b in range(NBUF - 1):
            _gath(b, b, gsem[b]).start()

        def _grp(g, carry2):
            for b in range(NBUF):
                j = g * NBUF + b
                bo = (b + NBUF - 1) % NBUF
                _gath(j, b, gsem[b]).wait()
                pltpu.async_copy(rows[b], acc_sh.at[dst_v.at[j]], ssem[b],
                                 add=True)

                @pl.when(j >= 1)
                def _():
                    _scat(j - 1, bo, ssem[bo]).wait()

                @pl.when(j + NBUF - 1 < IB)
                def _():
                    _gath(j + NBUF - 1, bo, gsem[bo]).start()
            return carry2

        lax.fori_loop(0, ngrp, _grp, 0)
        _scat(0, (IB - 1) % NBUF, ssem[(IB - 1) % NBUF]).wait()
        return carry

    lax.fori_loop(0, NSL, _slab, 0)
    plsc.subcore_barrier()

    pltpu.sync_copy(acc_sh.at[pl.ds(base, RPT)],
                    out_hbm.at[pl.ds(c * NP + base, RPT)])


def _seg_call(table3, srcidx, dstidx, zeros):
    table_flat = table3.reshape(2 * NP, 32)
    mesh = plsc.VectorSubcoreMesh(core_axis_name="c", subcore_axis_name="s",
                                  num_cores=2, num_subcores=16)
    out = pl.kernel(
        _seg_body,
        out_type=jax.ShapeDtypeStruct((2 * NP, 32), jnp.float32),
        mesh=mesh,
        scratch_types=(
            [pltpu.VMEM((IB, CHW), jnp.int32),
             pltpu.VMEM((IB, CHW), jnp.int32)]
            + [pltpu.VMEM((CHW, 32), jnp.float32) for _ in range(NBUF)]
            + [pltpu.VMEM_SHARED((NP, 32), jnp.float32)]
            + [pltpu.SemaphoreType.DMA for _ in range(2 * NBUF)]
        ),
        name="segsum_sc",
        compiler_params=pltpu.CompilerParams(use_tc_tiling_on_sc=False),
    )(table_flat, srcidx, dstidx, zeros)
    return out.reshape(2, Q, 128)


def _gin_core(lob, hib, alo, ahi, w1lo_ref, w1hi_ref, a4_ref, c4_ref,
              w2lo_ref, w2hi_ref, b2lo_ref, b2hi_ref):
    hlo = lob + alo
    hhi = hib + ahi
    t4 = jnp.maximum(
        (jnp.dot(hlo, w1lo_ref[...], preferred_element_type=jnp.float32)
         + jnp.dot(hhi, w1hi_ref[...], preferred_element_type=jnp.float32))
        * a4_ref[...] + c4_ref[...], 0.0)
    glo = (jnp.dot(t4, w2lo_ref[...], preferred_element_type=jnp.float32)
           + b2lo_ref[...] + lob)
    ghi = (jnp.dot(t4, w2hi_ref[...], preferred_element_type=jnp.float32)
           + b2hi_ref[...] + hib)
    return glo, ghi


def _gin0_body(nx_ref, agg_ref, w1lo_ref, w1hi_ref, a4_ref, c4_ref,
               w2lo_ref, w2hi_ref, b2lo_ref, b2hi_ref, out_ref):
    glo, ghi = _gin_core(nx_ref[0], nx_ref[1], agg_ref[0], agg_ref[1],
                         w1lo_ref, w1hi_ref, a4_ref, c4_ref,
                         w2lo_ref, w2hi_ref, b2lo_ref, b2hi_ref)
    out_ref[0] = glo
    out_ref[1] = ghi


def _w_specs():
    wf = lambda r, c: pl.BlockSpec((r, c), lambda i: (0, 0))
    return [wf(128, 256), wf(128, 256), wf(1, 256), wf(1, 256),
            wf(256, 128), wf(256, 128), wf(1, 128), wf(1, 128)]


def _gin0_call(nx3, agg3, wpack):
    spec3 = pl.BlockSpec((2, R4, 128), lambda i: (0, i, 0))
    return pl.pallas_call(
        _gin0_body,
        grid=(NB,),
        in_specs=[spec3, spec3] + _w_specs(),
        out_specs=spec3,
        out_shape=jax.ShapeDtypeStruct((2, Q, 128), jnp.float32),
    )(nx3, agg3, *wpack)


def _fin_body(nx_ref, g0_ref, agg_ref, b0_ref, b1_ref, b2_ref, b3_ref,
              w1lo_ref, w1hi_ref, a4_ref, c4_ref, w2lo_ref, w2hi_ref,
              b2lo_ref, b2hi_ref, wp1_ref, bp1_ref, wp2_ref, bp2_ref,
              out_ref, acc_ref):
    i = pl.program_id(0)
    glo, ghi = _gin_core(g0_ref[0], g0_ref[1], agg_ref[0], agg_ref[1],
                         w1lo_ref, w1hi_ref, a4_ref, c4_ref,
                         w2lo_ref, w2hi_ref, b2lo_ref, b2hi_ref)
    g1lo = glo + nx_ref[0]
    g1hi = ghi + nx_ref[1]

    ones_col = jnp.ones((R4, 1), jnp.float32)
    zpad = jnp.zeros((R4, 63), jnp.float32)
    iot = lax.broadcasted_iota(jnp.int32, (G, R4), 0)
    contrib = jnp.zeros((G, 128), jnp.float32)
    for q, b_ref in enumerate((b0_ref, b1_ref, b2_ref, b3_ref)):
        oh = (iot == b_ref[0]).astype(jnp.float32)
        gq = jnp.concatenate(
            [g1lo[:, 32 * q:32 * q + 32], g1hi[:, 32 * q:32 * q + 32],
             ones_col, zpad], axis=1)
        contrib = contrib + jnp.dot(oh, gq,
                                    preferred_element_type=jnp.float32)

    @pl.when(i == 0)
    def _():
        acc_ref[...] = jnp.zeros((G, 128), jnp.float32)

    acc_ref[...] += contrib

    @pl.when(i == NB - 1)
    def _():
        a = acc_ref[...]
        mean = a[:, :64] / jnp.maximum(a[:, 64:65], 1.0)
        t2 = jnp.maximum(
            jnp.dot(mean, wp1_ref[...], preferred_element_type=jnp.float32)
            + bp1_ref[...], 0.0)
        o = (jnp.dot(t2, wp2_ref[...], preferred_element_type=jnp.float32)
             + bp2_ref[...])
        m = jnp.max(o, axis=1, keepdims=True)
        lse = m + jnp.log(jnp.sum(jnp.exp(o - m), axis=1, keepdims=True))
        out_ref[...] = o - lse


def _fin_call(nx3, g03, agg3, bqs, wpack, wp1, bp1, wp2, bp2):
    spec3 = pl.BlockSpec((2, R4, 128), lambda i: (0, i, 0))
    bspec = pl.BlockSpec((1, 1, R4), lambda i: (i, 0, 0))
    wf = lambda r, c: pl.BlockSpec((r, c), lambda i: (0, 0))
    return pl.pallas_call(
        _fin_body,
        grid=(NB,),
        in_specs=([spec3, spec3, spec3] + [bspec] * 4 + _w_specs()
                  + [wf(64, 32), wf(1, 32), wf(32, OUT), wf(1, OUT)]),
        out_specs=pl.BlockSpec((G, OUT), lambda i: (0, 0)),
        out_shape=jax.ShapeDtypeStruct((G, OUT), jnp.float32),
        scratch_shapes=[pltpu.VMEM((G, 128), jnp.float32)],
    )(nx3, g03, agg3, *bqs, *wpack, wp1, bp1, wp2, bp2)


def kernel(x, edge_index, batch,
           W_pre1, b_pre1, W_pre2, b_pre2, W_pre3, b_pre3, W_pre4, b_pre4,
           gin0_W1, gin0_b1, gin0_g, gin0_bb, gin0_W2, gin0_b2, bn0_g, bn0_b,
           gin1_W1, gin1_b1, gin1_g, gin1_bb, gin1_W2, gin1_b2, bn1_g, bn1_b,
           W_post1, b_post1, W_post2, b_post2):
    f32 = jnp.float32
    s = _BN_SCALE

    wa = jnp.zeros((D, 32), f32)
    wa = wa.at[:D - 2, :16].set(W_pre3).at[D - 2:, 16:].set(W_pre1)
    ba = jnp.concatenate([b_pre3, b_pre1]).reshape(1, 32)
    wb = jnp.zeros((32, 64), f32)
    wb = wb.at[:16, :32].set(W_pre4).at[16:, 32:].set(W_pre2)
    bb = jnp.concatenate([b_pre4, b_pre2]).reshape(1, 64)

    def blkdiag4(m):
        return jax.scipy.linalg.block_diag(m, m, m, m)

    def fold(gW1, gb1, gg, gbb, gW2, gb2, bng, bnb):
        a1 = gg * s
        c1 = gb1 * gg * s + gbb
        sc2 = bng * s
        w2 = gW2 * sc2[None, :]
        b2 = gb2 * sc2 + bnb
        return (blkdiag4(gW1[:32, :]), blkdiag4(gW1[32:, :]),
                jnp.tile(a1, 4).reshape(1, 256),
                jnp.tile(c1, 4).reshape(1, 256),
                blkdiag4(w2[:, :32]), blkdiag4(w2[:, 32:]),
                jnp.tile(b2[:32], 4).reshape(1, 128),
                jnp.tile(b2[32:], 4).reshape(1, 128))

    wpack0 = fold(gin0_W1, gin0_b1, gin0_g, gin0_bb, gin0_W2, gin0_b2,
                  bn0_g, bn0_b)
    wpack1 = fold(gin1_W1, gin1_b1, gin1_g, gin1_bb, gin1_W2, gin1_b2,
                  bn1_g, bn1_b)

    src = edge_index[0]
    dst = edge_index[1]
    pad = EP - E
    src_p = jnp.concatenate([src, jnp.zeros((pad,), jnp.int32)])
    dst_p = jnp.concatenate([dst, jnp.full((pad,), N, jnp.int32)])
    srow = 4 * (src_p % Q) + src_p // Q
    drow = 4 * (dst_p % Q) + dst_p // Q
    src2 = srow.reshape(16, NSL, IB, CHW)
    srcidx = jnp.concatenate([src2, src2 + NP], axis=0).reshape(
        32 * NSL, IB, CHW)
    dstidx = drow.reshape(16 * NSL, IB, CHW)

    bpad = jnp.concatenate(
        [batch.astype(jnp.int32), jnp.full((NP - N,), G, jnp.int32)])
    bqs = [bpad[qi * Q:(qi + 1) * Q].reshape(NB, 1, R4) for qi in range(4)]

    zeros = jnp.zeros((RPT, 32), f32)
    nx3 = _pre_call(x, wa, ba, wb, bb)
    agg0 = _seg_call(nx3, srcidx, dstidx, zeros)
    g03 = _gin0_call(nx3, agg0, wpack0)
    agg1 = _seg_call(g03, srcidx, dstidx, zeros)
    return _fin_call(nx3, g03, agg1, bqs, wpack1,
                     W_post1, b_post1.reshape(1, 32), W_post2,
                     b_post2.reshape(1, OUT))

# --- scband reference (transcript-rebuilt; emitter-appended) ---
"""Pipeline reference for scband-struc-fea-gnn-21010980012045 (READ-ONLY COPY).

The authoritative reference and input builder live on the scoring server;
editing this copy changes nothing except your own understanding.
"""

import jax, jax.numpy as jnp
import numpy as np

N = 50000
E = 800000
D = 512
CF = 2
G = 512
OUT = 7
_BN_SCALE = 1.0 / np.sqrt(1.0 + 1e-05)


def _bn(x, g, b):
    # BatchNorm1d in eval mode with fresh running stats (mean=0, var=1)
    return x * g * _BN_SCALE + b


def setup_inputs(seed: int = 0) -> dict:
    key = jax.random.key(seed)
    ks = iter([jax.random.fold_in(key, i) for i in range(64)])

    def w(shape):
        return jax.random.normal(next(ks), shape, dtype=jnp.float32) * 0.05

    inp = {}
    inp["x"] = jax.random.normal(next(ks), (N, D), dtype=jnp.float32)
    inp["edge_index"] = jax.random.randint(next(ks), (2, E), 0, N)
    inp["batch"] = jnp.sort(jax.random.randint(next(ks), (N,), 0, G))
    inp["W_pre1"] = w((CF, 16)); inp["b_pre1"] = w((16,))
    inp["W_pre2"] = w((16, 32)); inp["b_pre2"] = w((32,))
    inp["W_pre3"] = w((D - CF, 16)); inp["b_pre3"] = w((16,))
    inp["W_pre4"] = w((16, 32)); inp["b_pre4"] = w((32,))
    for i in range(2):
        inp[f"gin{i}_W1"] = w((64, 64)); inp[f"gin{i}_b1"] = w((64,))
        inp[f"gin{i}_g"] = 1.0 + w((64,)); inp[f"gin{i}_bb"] = w((64,))
        inp[f"gin{i}_W2"] = w((64, 64)); inp[f"gin{i}_b2"] = w((64,))
        inp[f"bn{i}_g"] = 1.0 + w((64,)); inp[f"bn{i}_b"] = w((64,))
    inp["W_post1"] = w((64, 32)); inp["b_post1"] = w((32,))
    inp["W_post2"] = w((32, OUT)); inp["b_post2"] = w((OUT,))
    return inp


def _gin(x, src, dst, W1, b1, g, bb, W2, b2):
    # GINConv with eps=0: mlp(x + sum_{j in N(i)} x_j); mlp = Lin -> BN -> ReLU -> Lin
    agg = jax.ops.segment_sum(x[src], dst, num_segments=N)
    h = x + agg
    h = jax.nn.relu(_bn(h @ W1 + b1, g, bb))
    return h @ W2 + b2


def reference(x, edge_index, batch,
              W_pre1, b_pre1, W_pre2, b_pre2, W_pre3, b_pre3, W_pre4, b_pre4,
              gin0_W1, gin0_b1, gin0_g, gin0_bb, gin0_W2, gin0_b2, bn0_g, bn0_b,
              gin1_W1, gin1_b1, gin1_g, gin1_bb, gin1_W2, gin1_b2, bn1_g, bn1_b,
              W_post1, b_post1, W_post2, b_post2):
    src = edge_index[0]
    dst = edge_index[1]
    ident = x[:, :D - CF]
    struc = x[:, D - CF:]
    h = jax.nn.relu(struc @ W_pre1 + b_pre1)
    h = jax.nn.relu(h @ W_pre2 + b_pre2)
    init = jax.nn.relu(ident @ W_pre3 + b_pre3)
    init = jax.nn.relu(init @ W_pre4 + b_pre4)
    new_x = jnp.concatenate([init, h], axis=1)
    g0 = _bn(_gin(new_x, src, dst, gin0_W1, gin0_b1, gin0_g, gin0_bb, gin0_W2, gin0_b2), bn0_g, bn0_b)
    g0 = g0 + new_x  # dropout is identity in eval mode
    g1 = _bn(_gin(g0, src, dst, gin1_W1, gin1_b1, gin1_g, gin1_bb, gin1_W2, gin1_b2), bn1_g, bn1_b)
    g1 = g1 + g0 + new_x
    sums = jax.ops.segment_sum(g1, batch, num_segments=G)
    cnt = jax.ops.segment_sum(jnp.ones((N, 1), dtype=g1.dtype), batch, num_segments=G)
    tmp = sums / jnp.clip(cnt, 1.0, None)
    out = jax.nn.relu(tmp @ W_post1 + b_post1)
    out = out @ W_post2 + b_post2
    return jax.nn.log_softmax(out, axis=1)

if __name__ == "__main__":
    import jax
    _d = setup_inputs()
    print(jax.jit(kernel)(*tuple(_d.values())))

</pallas_src>

<mosaic_0001>
#map = affine_map<(d0, d1) -> (0, 0)>
#map1 = affine_map<(d0, d1) -> (0, 0, 0)>
module attributes {stable_mosaic.version = 14 : i64} {
  func.func @segsum_sc(%arg0: i32, %arg1: i32, %arg2: memref<100352x32xf32, #tpu.memory_space<hbm>>, %arg3: memref<704x12x192xi32, #tpu.memory_space<hbm>>, %arg4: memref<352x12x192xi32, #tpu.memory_space<hbm>>, %arg5: memref<3136x32xf32, #tpu.memory_space<hbm>>, %arg6: memref<100352x32xf32, #tpu.memory_space<hbm>>, %arg7: memref<12x192xi32, #tpu.memory_space<vmem>>, %arg8: memref<12x192xi32, #tpu.memory_space<vmem>>, %arg9: memref<192x32xf32, #tpu.memory_space<vmem>>, %arg10: memref<192x32xf32, #tpu.memory_space<vmem>>, %arg11: memref<192x32xf32, #tpu.memory_space<vmem>>, %arg12: memref<192x32xf32, #tpu.memory_space<vmem>>, %arg13: memref<50176x32xf32, #tpu.memory_space<vmem_shared>>, %arg14: memref<!tpu.dma_semaphore, #tpu.memory_space<semaphore_mem>>, %arg15: memref<!tpu.dma_semaphore, #tpu.memory_space<semaphore_mem>>, %arg16: memref<!tpu.dma_semaphore, #tpu.memory_space<semaphore_mem>>, %arg17: memref<!tpu.dma_semaphore, #tpu.memory_space<semaphore_mem>>, %arg18: memref<!tpu.dma_semaphore, #tpu.memory_space<semaphore_mem>>, %arg19: memref<!tpu.dma_semaphore, #tpu.memory_space<semaphore_mem>>, %arg20: memref<!tpu.dma_semaphore, #tpu.memory_space<semaphore_mem>>, %arg21: memref<!tpu.dma_semaphore, #tpu.memory_space<semaphore_mem>>) attributes {dimension_semantics = [#tpu.dimension_semantics<core_parallel>, #tpu.dimension_semantics<subcore_parallel>], iteration_bounds = array<i64: 2, 16>, scalar_prefetch = 0 : i64, scratch_operands = 15 : i64, tpu.core_type = #tpu.core_type<sc_vector_subcore>, window_params = [{transform_indices = #map}, {transform_indices = #map1}, {transform_indices = #map1}, {transform_indices = #map}, {transform_indices = #map}]} {
    %mul3A = arith.constant 16 : i32
    %mul3A_0 = arith.muli %arg0, %mul3A : i32
    %add3A = arith.addi %mul3A_0, %arg1 : i32
    %mul3A_1 = arith.constant 3136 : i32
    %mul3A_2 = arith.muli %arg1, %mul3A_1 : i32
    "tpu.region"() ({
      %run_scoped3A = tpu.sem_alloc : memref<!tpu.dma_semaphore, #tpu.memory_space<semaphore_mem>>
      %dma_start3A = arith.constant 0 : i32
      %dma_start3A_12 = tpu.memref_slice %arg13[%mul3A_2, %dma_start3A] : memref<50176x32xf32, #tpu.memory_space<vmem_shared>> -> memref<3136x32xf32, #tpu.memory_space<vmem_shared>>
      tpu.enqueue_dma source(%arg5 : memref<3136x32xf32, #tpu.memory_space<hbm>>) target(%dma_start3A_12 : memref<3136x32xf32, #tpu.memory_space<vmem_shared>>) target_semaphore(%run_scoped3A : memref<!tpu.dma_semaphore, #tpu.memory_space<semaphore_mem>>)
      %dma_wait3A = arith.constant 0 : i32
      %dma_wait3A_13 = tpu.memref_slice %arg13[%mul3A_2, %dma_wait3A] : memref<50176x32xf32, #tpu.memory_space<vmem_shared>> -> memref<3136x32xf32, #tpu.memory_space<vmem_shared>>
      tpu.wait_dma2 semaphore(%run_scoped3A : memref<!tpu.dma_semaphore, #tpu.memory_space<semaphore_mem>>) src(%arg5 : memref<3136x32xf32, #tpu.memory_space<hbm>>) dst(%dma_wait3A_13 : memref<3136x32xf32, #tpu.memory_space<vmem_shared>>)
      tpu.yield
    }) : () -> ()
    %barrier3A = arith.constant 0 : index
    tpu.barrier barrier_id(%barrier3A)
    %scan3A = arith.constant 0 : i32
    %scan3A_3 = arith.constant 0 : i32
    %scan3A_4 = arith.constant 22 : i32
    %scan3A_5 = arith.addi %scan3A_3, %scan3A_4 : i32
    %scan3A_6 = arith.constant 1 : i32
    scf.for %scan3A_12 = %scan3A_3 to %scan3A_5 step %scan3A_6  : i32 {
      %mul3A_13 = arith.constant 22 : i32
      %mul3A_14 = arith.muli %add3A, %mul3A_13 : i32
      %add3A_15 = arith.addi %mul3A_14, %scan3A_12 : i32
      "tpu.region"() ({
        %run_scoped3A = tpu.sem_alloc : memref<!tpu.dma_semaphore, #tpu.memory_space<semaphore_mem>>
        %dma_start3A_51 = arith.constant 0 : i32
        %dma_start3A_52 = arith.constant 0 : i32
        %dma_start3A_53 = tpu.memref_slice %arg3[%add3A_15, %dma_start3A_51, %dma_start3A_52] : memref<704x12x192xi32, #tpu.memory_space<hbm>> -> memref<1x12x192xi32, #tpu.memory_space<hbm>>
        %dma_start3A_54 = tpu.memref_squeeze %dma_start3A_53 : memref<1x12x192xi32, #tpu.memory_space<hbm>> -> memref<12x192xi32, #tpu.memory_space<hbm>>
        %dma_start3A_55 = arith.constant 0 : i32
        %dma_start3A_56 = arith.constant 0 : i32
        %dma_start3A_57 = tpu.memref_slice %arg3[%add3A_15, %dma_start3A_55, %dma_start3A_56] : memref<704x12x192xi32, #tpu.memory_space<hbm>> -> memref<1x12x192xi32, #tpu.memory_space<hbm>>
        %dma_start3A_58 = tpu.memref_squeeze %dma_start3A_57 : memref<1x12x192xi32, #tpu.memory_space<hbm>> -> memref<12x192xi32, #tpu.memory_space<hbm>>
        tpu.enqueue_dma source(%dma_start3A_58 : memref<12x192xi32, #tpu.memory_space<hbm>>) target(%arg7 : memref<12x192xi32, #tpu.memory_space<vmem>>) target_semaphore(%run_scoped3A : memref<!tpu.dma_semaphore, #tpu.memory_space<semaphore_mem>>)
        %dma_wait3A_59 = arith.constant 0 : i32
        %dma_wait3A_60 = arith.constant 0 : i32
        %dma_wait3A_61 = tpu.memref_slice %arg3[%add3A_15, %dma_wait3A_59, %dma_wait3A_60] : memref<704x12x192xi32, #tpu.memory_space<hbm>> -> memref<1x12x192xi32, #tpu.memory_space<hbm>>
        %dma_wait3A_62 = tpu.memref_squeeze %dma_wait3A_61 : memref<1x12x192xi32, #tpu.memory_space<hbm>> -> memref<12x192xi32, #tpu.memory_space<hbm>>
        %dma_wait3A_63 = arith.constant 0 : i32
        %dma_wait3A_64 = arith.constant 0 : i32
        %dma_wait3A_65 = tpu.memref_slice %arg3[%add3A_15, %dma_wait3A_63, %dma_wait3A_64] : memref<704x12x192xi32, #tpu.memory_space<hbm>> -> memref<1x12x192xi32, #tpu.memory_space<hbm>>
        %dma_wait3A_66 = tpu.memref_squeeze %dma_wait3A_65 : memref<1x12x192xi32, #tpu.memory_space<hbm>> -> memref<12x192xi32, #tpu.memory_space<hbm>>
        tpu.wait_dma2 semaphore(%run_scoped3A : memref<!tpu.dma_semaphore, #tpu.memory_space<semaphore_mem>>) src(%dma_wait3A_66 : memref<12x192xi32, #tpu.memory_space<hbm>>) dst(%arg7 : memref<12x192xi32, #tpu.memory_space<vmem>>)
        tpu.yield
      }) : () -> ()
      %mul3A_16 = arith.constant 22 : i32
      %mul3A_17 = arith.muli %arg1, %mul3A_16 : i32
      %add3A_18 = arith.addi %mul3A_17, %scan3A_12 : i32
      "tpu.region"() ({
        %run_scoped3A = tpu.sem_alloc : memref<!tpu.dma_semaphore, #tpu.memory_space<semaphore_mem>>
        %dma_start3A_51 = arith.constant 0 : i32
        %dma_start3A_52 = arith.constant 0 : i32
        %dma_start3A_53 = tpu.memref_slice %arg4[%add3A_18, %dma_start3A_51, %dma_start3A_52] : memref<352x12x192xi32, #tpu.memory_space<hbm>> -> memref<1x12x192xi32, #tpu.memory_space<hbm>>
        %dma_start3A_54 = tpu.memref_squeeze %dma_start3A_53 : memref<1x12x192xi32, #tpu.memory_space<hbm>> -> memref<12x192xi32, #tpu.memory_space<hbm>>
        %dma_start3A_55 = arith.constant 0 : i32
        %dma_start3A_56 = arith.constant 0 : i32
        %dma_start3A_57 = tpu.memref_slice %arg4[%add3A_18, %dma_start3A_55, %dma_start3A_56] : memref<352x12x192xi32, #tpu.memory_space<hbm>> -> memref<1x12x192xi32, #tpu.memory_space<hbm>>
        %dma_start3A_58 = tpu.memref_squeeze %dma_start3A_57 : memref<1x12x192xi32, #tpu.memory_space<hbm>> -> memref<12x192xi32, #tpu.memory_space<hbm>>
        tpu.enqueue_dma source(%dma_start3A_58 : memref<12x192xi32, #tpu.memory_space<hbm>>) target(%arg8 : memref<12x192xi32, #tpu.memory_space<vmem>>) target_semaphore(%run_scoped3A : memref<!tpu.dma_semaphore, #tpu.memory_space<semaphore_mem>>)
        %dma_wait3A_59 = arith.constant 0 : i32
        %dma_wait3A_60 = arith.constant 0 : i32
        %dma_wait3A_61 = tpu.memref_slice %arg4[%add3A_18, %dma_wait3A_59, %dma_wait3A_60] : memref<352x12x192xi32, #tpu.memory_space<hbm>> -> memref<1x12x192xi32, #tpu.memory_space<hbm>>
        %dma_wait3A_62 = tpu.memref_squeeze %dma_wait3A_61 : memref<1x12x192xi32, #tpu.memory_space<hbm>> -> memref<12x192xi32, #tpu.memory_space<hbm>>
        %dma_wait3A_63 = arith.constant 0 : i32
        %dma_wait3A_64 = arith.constant 0 : i32
        %dma_wait3A_65 = tpu.memref_slice %arg4[%add3A_18, %dma_wait3A_63, %dma_wait3A_64] : memref<352x12x192xi32, #tpu.memory_space<hbm>> -> memref<1x12x192xi32, #tpu.memory_space<hbm>>
        %dma_wait3A_66 = tpu.memref_squeeze %dma_wait3A_65 : memref<1x12x192xi32, #tpu.memory_space<hbm>> -> memref<12x192xi32, #tpu.memory_space<hbm>>
        tpu.wait_dma2 semaphore(%run_scoped3A : memref<!tpu.dma_semaphore, #tpu.memory_space<semaphore_mem>>) src(%dma_wait3A_66 : memref<12x192xi32, #tpu.memory_space<hbm>>) dst(%arg8 : memref<12x192xi32, #tpu.memory_space<vmem>>)
        tpu.yield
      }) : () -> ()
      %dma_start3A = arith.constant 0 : i32
      %dma_start3A_19 = arith.constant 0 : i32
      %dma_start3A_20 = tpu.memref_slice %arg7[%dma_start3A, %dma_start3A_19] : memref<12x192xi32, #tpu.memory_space<vmem>> -> memref<1x192xi32, #tpu.memory_space<vmem>>
      %dma_start3A_21 = tpu.memref_squeeze %dma_start3A_20 : memref<1x192xi32, #tpu.memory_space<vmem>> -> memref<192xi32, #tpu.memory_space<vmem>>
      %dma_start3A_22 = arith.constant 0 : i32
      %dma_start3A_23 = arith.constant 0 : i32
      %dma_start3A_24 = tpu.memref_slice %arg2[%dma_start3A_22, %dma_start3A_23] : memref<100352x32xf32, #tpu.memory_space<hbm>> -> memref<100352x32xf32, #tpu.memory_space<hbm>>
      tpu.enqueue_indirect_dma source(%dma_start3A_24 : memref<100352x32xf32, #tpu.memory_space<hbm>>) target(%arg9 : memref<192x32xf32, #tpu.memory_space<vmem>>) offsets(%dma_start3A_21 : memref<192xi32, #tpu.memory_space<vmem>>) semaphore(%arg14 : memref<!tpu.dma_semaphore, #tpu.memory_space<semaphore_mem>>)
      %dma_start3A_25 = arith.constant 1 : i32
      %dma_start3A_26 = arith.constant 0 : i32
      %dma_start3A_27 = tpu.memref_slice %arg7[%dma_start3A_25, %dma_start3A_26] : memref<12x192xi32, #tpu.memory_space<vmem>> -> memref<1x192xi32, #tpu.memory_space<vmem>>
      %dma_start3A_28 = tpu.memref_squeeze %dma_start3A_27 : memref<1x192xi32, #tpu.memory_space<vmem>> -> memref<192xi32, #tpu.memory_space<vmem>>
      %dma_start3A_29 = arith.constant 0 : i32
      %dma_start3A_30 = arith.constant 0 : i32
      %dma_start3A_31 = tpu.memref_slice %arg2[%dma_start3A_29, %dma_start3A_30] : memref<100352x32xf32, #tpu.memory_space<hbm>> -> memref<100352x32xf32, #tpu.memory_space<hbm>>
      tpu.enqueue_indirect_dma source(%dma_start3A_31 : memref<100352x32xf32, #tpu.memory_space<hbm>>) target(%arg10 : memref<192x32xf32, #tpu.memory_space<vmem>>) offsets(%dma_start3A_28 : memref<192xi32, #tpu.memory_space<vmem>>) semaphore(%arg15 : memref<!tpu.dma_semaphore, #tpu.memory_space<semaphore_mem>>)
      %dma_start3A_32 = arith.constant 2 : i32
      %dma_start3A_33 = arith.constant 0 : i32
      %dma_start3A_34 = tpu.memref_slice %arg7[%dma_start3A_32, %dma_start3A_33] : memref<12x192xi32, #tpu.memory_space<vmem>> -> memref<1x192xi32, #tpu.memory_space<vmem>>
      %dma_start3A_35 = tpu.memref_squeeze %dma_start3A_34 : memref<1x192xi32, #tpu.memory_space<vmem>> -> memref<192xi32, #tpu.memory_space<vmem>>
      %dma_start3A_36 = arith.constant 0 : i32
      %dma_start3A_37 = arith.constant 0 : i32
      %dma_start3A_38 = tpu.memref_slice %arg2[%dma_start3A_36, %dma_start3A_37] : memref<100352x32xf32, #tpu.memory_space<hbm>> -> memref<100352x32xf32, #tpu.memory_space<hbm>>
      tpu.enqueue_indirect_dma source(%dma_start3A_38 : memref<100352x32xf32, #tpu.memory_space<hbm>>) target(%arg11 : memref<192x32xf32, #tpu.memory_space<vmem>>) offsets(%dma_start3A_35 : memref<192xi32, #tpu.memory_space<vmem>>) semaphore(%arg16 : memref<!tpu.dma_semaphore, #tpu.memory_space<semaphore_mem>>)
      %scan3A_39 = arith.constant 0 : i32
      %scan3A_40 = arith.constant 0 : i32
      %scan3A_41 = arith.constant 3 : i32
      %scan3A_42 = arith.addi %scan3A_40, %scan3A_41 : i32
      %scan3A_43 = arith.constant 1 : i32
      scf.for %scan3A_51 = %scan3A_40 to %scan3A_42 step %scan3A_43  : i32 {
        %mul3A_52 = arith.constant 4 : i32
        %mul3A_53 = arith.muli %scan3A_51, %mul3A_52 : i32
        %add3A_54 = arith.constant 0 : i32
        %add3A_55 = arith.addi %mul3A_53, %add3A_54 : i32
        %dma_wait3A_56 = arith.constant 0 : i32
        %dma_wait3A_57 = tpu.memref_slice %arg7[%add3A_55, %dma_wait3A_56] : memref<12x192xi32, #tpu.memory_space<vmem>> -> memref<1x192xi32, #tpu.memory_space<vmem>>
        %dma_wait3A_58 = tpu.memref_squeeze %dma_wait3A_57 : memref<1x192xi32, #tpu.memory_space<vmem>> -> memref<192xi32, #tpu.memory_space<vmem>>
        %dma_wait3A_59 = arith.constant 0 : i32
        %dma_wait3A_60 = arith.constant 0 : i32
        %dma_wait3A_61 = tpu.memref_slice %arg2[%dma_wait3A_59, %dma_wait3A_60] : memref<100352x32xf32, #tpu.memory_space<hbm>> -> memref<100352x32xf32, #tpu.memory_space<hbm>>
        tpu.wait_indirect_dma semaphore(%arg14 : memref<!tpu.dma_semaphore, #tpu.memory_space<semaphore_mem>>) src(%dma_wait3A_61 : memref<100352x32xf32, #tpu.memory_space<hbm>>) dst(%arg9 : memref<192x32xf32, #tpu.memory_space<vmem>>)
        %dma_start3A_62 = arith.constant 0 : i32
        %dma_start3A_63 = tpu.memref_slice %arg8[%add3A_55, %dma_start3A_62] : memref<12x192xi32, #tpu.memory_space<vmem>> -> memref<1x192xi32, #tpu.memory_space<vmem>>
        %dma_start3A_64 = tpu.memref_squeeze %dma_start3A_63 : memref<1x192xi32, #tpu.memory_space<vmem>> -> memref<192xi32, #tpu.memory_space<vmem>>
        %dma_start3A_65 = arith.constant 0 : i32
        %dma_start3A_66 = arith.constant 0 : i32
        %dma_start3A_67 = tpu.memref_slice %arg13[%dma_start3A_65, %dma_start3A_66] : memref<50176x32xf32, #tpu.memory_space<vmem_shared>> -> memref<50176x32xf32, #tpu.memory_space<vmem_shared>>
        tpu.enqueue_indirect_dma source(%arg9 : memref<192x32xf32, #tpu.memory_space<vmem>>) target(%dma_start3A_67 : memref<50176x32xf32, #tpu.memory_space<vmem_shared>>) offsets(%dma_start3A_64 : memref<192xi32, #tpu.memory_space<vmem>>) semaphore(%arg18 : memref<!tpu.dma_semaphore, #tpu.memory_space<semaphore_mem>>) {add = true}
        %ge3A = arith.constant 1 : i32
        %ge3A_68 = arith.cmpi sge, %add3A_55, %ge3A : i32
        %convert_element_type3A = arith.extui %ge3A_68 : i1 to i32
        %cond3A = arith.constant 0 : i32
        %cond3A_69 = arith.cmpi ne, %convert_element_type3A, %cond3A : i32
        scf.if %cond3A_69 {
          %sub3A_167 = arith.constant 1 : i32
          %sub3A_168 = arith.subi %add3A_55, %sub3A_167 : i32
          %dma_wait3A_169 = arith.constant 0 : i32
          %dma_wait3A_170 = tpu.memref_slice %arg8[%sub3A_168, %dma_wait3A_169] : memref<12x192xi32, #tpu.memory_space<vmem>> -> memref<1x192xi32, #tpu.memory_space<vmem>>
          %dma_wait3A_171 = tpu.memref_squeeze %dma_wait3A_170 : memref<1x192xi32, #tpu.memory_space<vmem>> -> memref<192xi32, #tpu.memory_space<vmem>>
          %dma_wait3A_172 = arith.constant 0 : i32
          %dma_wait3A_173 = arith.constant 0 : i32
          %dma_wait3A_174 = tpu.memref_slice %arg13[%dma_wait3A_172, %dma_wait3A_173] : memref<50176x32xf32, #tpu.memory_space<vmem_shared>> -> memref<50176x32xf32, #tpu.memory_space<vmem_shared>>
          tpu.wait_indirect_dma semaphore(%arg21 : memref<!tpu.dma_semaphore, #tpu.memory_space<semaphore_mem>>) src(%arg12 : memref<192x32xf32, #tpu.memory_space<vmem>>) dst(%dma_wait3A_174 : memref<50176x32xf32, #tpu.memory_space<vmem_shared>>)
        } else {
        }
        %add3A_70 = arith.constant 4 : i32
        %add3A_71 = arith.addi %add3A_55, %add3A_70 : i32
        %sub3A = arith.constant 1 : i32
        %sub3A_72 = arith.subi %add3A_71, %sub3A : i32
        %lt3A = arith.constant 12 : i32
        %lt3A_73 = arith.cmpi slt, %sub3A_72, %lt3A : i32
        %convert_element_type3A_74 = arith.extui %lt3A_73 : i1 to i32
        %cond3A_75 = arith.constant 0 : i32
        %cond3A_76 = arith.cmpi ne, %convert_element_type3A_74, %cond3A_75 : i32
        scf.if %cond3A_76 {
          %add3A_167 = arith.constant 4 : i32
          %add3A_168 = arith.addi %add3A_55, %add3A_167 : i32
          %sub3A_169 = arith.constant 1 : i32
          %sub3A_170 = arith.subi %add3A_168, %sub3A_169 : i32
          %dma_start3A_171 = arith.constant 0 : i32
          %dma_start3A_172 = tpu.memref_slice %arg7[%sub3A_170, %dma_start3A_171] : memref<12x192xi32, #tpu.memory_space<vmem>> -> memref<1x192xi32, #tpu.memory_space<vmem>>
          %dma_start3A_173 = tpu.memref_squeeze %dma_start3A_172 : memref<1x192xi32, #tpu.memory_space<vmem>> -> memref<192xi32, #tpu.memory_space<vmem>>
          %dma_start3A_174 = arith.constant 0 : i32
          %dma_start3A_175 = arith.constant 0 : i32
          %dma_start3A_176 = tpu.memref_slice %arg2[%dma_start3A_174, %dma_start3A_175] : memref<100352x32xf32, #tpu.memory_space<hbm>> -> memref<100352x32xf32, #tpu.memory_space<hbm>>
          tpu.enqueue_indirect_dma source(%dma_start3A_176 : memref<100352x32xf32, #tpu.memory_space<hbm>>) target(%arg12 : memref<192x32xf32, #tpu.memory_space<vmem>>) offsets(%dma_start3A_173 : memref<192xi32, #tpu.memory_space<vmem>>) semaphore(%arg17 : memref<!tpu.dma_semaphore, #tpu.memory_space<semaphore_mem>>)
        } else {
        }
        %mul3A_77 = arith.constant 4 : i32
        %mul3A_78 = arith.muli %scan3A_51, %mul3A_77 : i32
        %add3A_79 = arith.constant 1 : i32
        %add3A_80 = arith.addi %mul3A_78, %add3A_79 : i32
        %dma_wait3A_81 = arith.constant 0 : i32
        %dma_wait3A_82 = tpu.memref_slice %arg7[%add3A_80, %dma_wait3A_81] : memref<12x192xi32, #tpu.memory_space<vmem>> -> memref<1x192xi32, #tpu.memory_space<vmem>>
        %dma_wait3A_83 = tpu.memref_squeeze %dma_wait3A_82 : memref<1x192xi32, #tpu.memory_space<vmem>> -> memref<192xi32, #tpu.memory_space<vmem>>
        %dma_wait3A_84 = arith.constant 0 : i32
        %dma_wait3A_85 = arith.constant 0 : i32
        %dma_wait3A_86 = tpu.memref_slice %arg2[%dma_wait3A_84, %dma_wait3A_85] : memref<100352x32xf32, #tpu.memory_space<hbm>> -> memref<100352x32xf32, #tpu.memory_space<hbm>>
        tpu.wait_indirect_dma semaphore(%arg15 : memref<!tpu.dma_semaphore, #tpu.memory_space<semaphore_mem>>) src(%dma_wait3A_86 : memref<100352x32xf32, #tpu.memory_space<hbm>>) dst(%arg10 : memref<192x32xf32, #tpu.memory_space<vmem>>)
        %dma_start3A_87 = arith.constant 0 : i32
        %dma_start3A_88 = tpu.memref_slice %arg8[%add3A_80, %dma_start3A_87] : memref<12x192xi32, #tpu.memory_space<vmem>> -> memref<1x192xi32, #tpu.memory_space<vmem>>
        %dma_start3A_89 = tpu.memref_squeeze %dma_start3A_88 : memref<1x192xi32, #tpu.memory_space<vmem>> -> memref<192xi32, #tpu.memory_space<vmem>>
        %dma_start3A_90 = arith.constant 0 : i32
        %dma_start3A_91 = arith.constant 0 : i32
        %dma_start3A_92 = tpu.memref_slice %arg13[%dma_start3A_90, %dma_start3A_91] : memref<50176x32xf32, #tpu.memory_space<vmem_shared>> -> memref<50176x32xf32, #tpu.memory_space<vmem_shared>>
        tpu.enqueue_indirect_dma source(%arg10 : memref<192x32xf32, #tpu.memory_space<vmem>>) target(%dma_start3A_92 : memref<50176x32xf32, #tpu.memory_space<vmem_shared>>) offsets(%dma_start3A_89 : memref<192xi32, #tpu.memory_space<vmem>>) semaphore(%arg19 : memref<!tpu.dma_semaphore, #tpu.memory_space<semaphore_mem>>) {add = true}
        %ge3A_93 = arith.constant 1 : i32
        %ge3A_94 = arith.cmpi sge, %add3A_80, %ge3A_93 : i32
        %convert_element_type3A_95 = arith.extui %ge3A_94 : i1 to i32
        %cond3A_96 = arith.constant 0 : i32
        %cond3A_97 = arith.cmpi ne, %convert_element_type3A_95, %cond3A_96 : i32
        scf.if %cond3A_97 {
          %sub3A_167 = arith.constant 1 : i32
          %sub3A_168 = arith.subi %add3A_80, %sub3A_167 : i32
          %dma_wait3A_169 = arith.constant 0 : i32
          %dma_wait3A_170 = tpu.memref_slice %arg8[%sub3A_168, %dma_wait3A_169] : memref<12x192xi32, #tpu.memory_space<vmem>> -> memref<1x192xi32, #tpu.memory_space<vmem>>
          %dma_wait3A_171 = tpu.memref_squeeze %dma_wait3A_170 : memref<1x192xi32, #tpu.memory_space<vmem>> -> memref<192xi32, #tpu.memory_space<vmem>>
          %dma_wait3A_172 = arith.constant 0 : i32
          %dma_wait3A_173 = arith.constant 0 : i32
          %dma_wait3A_174 = tpu.memref_slice %arg13[%dma_wait3A_172, %dma_wait3A_173] : memref<50176x32xf32, #tpu.memory_space<vmem_shared>> -> memref<50176x32xf32, #tpu.memory_space<vmem_shared>>
          tpu.wait_indirect_dma semaphore(%arg18 : memref<!tpu.dma_semaphore, #tpu.memory_space<semaphore_mem>>) src(%arg9 : memref<192x32xf32, #tpu.memory_space<vmem>>) dst(%dma_wait3A_174 : memref<50176x32xf32, #tpu.memory_space<vmem_shared>>)
        } else {
        }
        %add3A_98 = arith.constant 4 : i32
        %add3A_99 = arith.addi %add3A_80, %add3A_98 : i32
        %sub3A_100 = arith.constant 1 : i32
        %sub3A_101 = arith.subi %add3A_99, %sub3A_100 : i32
        %lt3A_102 = arith.constant 12 : i32
        %lt3A_103 = arith.cmpi slt, %sub3A_101, %lt3A_102 : i32
        %convert_element_type3A_104 = arith.extui %lt3A_103 : i1 to i32
        %cond3A_105 = arith.constant 0 : i32
        %cond3A_106 = arith.cmpi ne, %convert_element_type3A_104, %cond3A_105 : i32
        scf.if %cond3A_106 {
          %add3A_167 = arith.constant 4 : i32
          %add3A_168 = arith.addi %add3A_80, %add3A_167 : i32
          %sub3A_169 = arith.constant 1 : i32
          %sub3A_170 = arith.subi %add3A_168, %sub3A_169 : i32
          %dma_start3A_171 = arith.constant 0 : i32
          %dma_start3A_172 = tpu.memref_slice %arg7[%sub3A_170, %dma_start3A_171] : memref<12x192xi32, #tpu.memory_space<vmem>> -> memref<1x192xi32, #tpu.memory_space<vmem>>
          %dma_start3A_173 = tpu.memref_squeeze %dma_start3A_172 : memref<1x192xi32, #tpu.memory_space<vmem>> -> memref<192xi32, #tpu.memory_space<vmem>>
          %dma_start3A_174 = arith.constant 0 : i32
          %dma_start3A_175 = arith.constant 0 : i32
          %dma_start3A_176 = tpu.memref_slice %arg2[%dma_start3A_174, %dma_start3A_175] : memref<100352x32xf32, #tpu.memory_space<hbm>> -> memref<100352x32xf32, #tpu.memory_space<hbm>>
          tpu.enqueue_indirect_dma source(%dma_start3A_176 : memref<100352x32xf32, #tpu.memory_space<hbm>>) target(%arg9 : memref<192x32xf32, #tpu.memory_space<vmem>>) offsets(%dma_start3A_173 : memref<192xi32, #tpu.memory_space<vmem>>) semaphore(%arg14 : memref<!tpu.dma_semaphore, #tpu.memory_space<semaphore_mem>>)
        } else {
        }
        %mul3A_107 = arith.constant 4 : i32
        %mul3A_108 = arith.muli %scan3A_51, %mul3A_107 : i32
        %add3A_109 = arith.constant 2 : i32
        %add3A_110 = arith.addi %mul3A_108, %add3A_109 : i32
        %dma_wait3A_111 = arith.constant 0 : i32
        %dma_wait3A_112 = tpu.memref_slice %arg7[%add3A_110, %dma_wait3A_111] : memref<12x192xi32, #tpu.memory_space<vmem>> -> memref<1x192xi32, #tpu.memory_space<vmem>>
        %dma_wait3A_113 = tpu.memref_squeeze %dma_wait3A_112 : memref<1x192xi32, #tpu.memory_space<vmem>> -> memref<192xi32, #tpu.memory_space<vmem>>
        %dma_wait3A_114 = arith.constant 0 : i32
        %dma_wait3A_115 = arith.constant 0 : i32
        %dma_wait3A_116 = tpu.memref_slice %arg2[%dma_wait3A_114, %dma_wait3A_115] : memref<100352x32xf32, #tpu.memory_space<hbm>> -> memref<100352x32xf32, #tpu.memory_space<hbm>>
        tpu.wait_indirect_dma semaphore(%arg16 : memref<!tpu.dma_semaphore, #tpu.memory_space<semaphore_mem>>) src(%dma_wait3A_116 : memref<100352x32xf32, #tpu.memory_space<hbm>>) dst(%arg11 : memref<192x32xf32, #tpu.memory_space<vmem>>)
        %dma_start3A_117 = arith.constant 0 : i32
        %dma_start3A_118 = tpu.memref_slice %arg8[%add3A_110, %dma_start3A_117] : memref<12x192xi32, #tpu.memory_space<vmem>> -> memref<1x192xi32, #tpu.memory_space<vmem>>
        %dma_start3A_119 = tpu.memref_squeeze %dma_start3A_118 : memref<1x192xi32, #tpu.memory_space<vmem>> -> memref<192xi32, #tpu.memory_space<vmem>>
        %dma_start3A_120 = arith.constant 0 : i32
        %dma_start3A_121 = arith.constant 0 : i32
        %dma_start3A_122 = tpu.memref_slice %arg13[%dma_start3A_120, %dma_start3A_121] : memref<50176x32xf32, #tpu.memory_space<vmem_shared>> -> memref<50176x32xf32, #tpu.memory_space<vmem_shared>>
        tpu.enqueue_indirect_dma source(%arg11 : memref<192x32xf32, #tpu.memory_space<vmem>>) target(%dma_start3A_122 : memref<50176x32xf32, #tpu.memory_space<vmem_shared>>) offsets(%dma_start3A_119 : memref<192xi32, #tpu.memory_space<vmem>>) semaphore(%arg20 : memref<!tpu.dma_semaphore, #tpu.memory_space<semaphore_mem>>) {add = true}
        %ge3A_123 = arith.constant 1 : i32
        %ge3A_124 = arith.cmpi sge, %add3A_110, %ge3A_123 : i32
        %convert_element_type3A_125 = arith.extui %ge3A_124 : i1 to i32
        %cond3A_126 = arith.constant 0 : i32
        %cond3A_127 = arith.cmpi ne, %convert_element_type3A_125, %cond3A_126 : i32
        scf.if %cond3A_127 {
          %sub3A_167 = arith.constant 1 : i32
          %sub3A_168 = arith.subi %add3A_110, %sub3A_167 : i32
          %dma_wait3A_169 = arith.constant 0 : i32
          %dma_wait3A_170 = tpu.memref_slice %arg8[%sub3A_168, %dma_wait3A_169] : memref<12x192xi32, #tpu.memory_space<vmem>> -> memref<1x192xi32, #tpu.memory_space<vmem>>
          %dma_wait3A_171 = tpu.memref_squeeze %dma_wait3A_170 : memref<1x192xi32, #tpu.memory_space<vmem>> -> memref<192xi32, #tpu.memory_space<vmem>>
          %dma_wait3A_172 = arith.constant 0 : i32
          %dma_wait3A_173 = arith.constant 0 : i32
          %dma_wait3A_174 = tpu.memref_slice %arg13[%dma_wait3A_172, %dma_wait3A_173] : memref<50176x32xf32, #tpu.memory_space<vmem_shared>> -> memref<50176x32xf32, #tpu.memory_space<vmem_shared>>
          tpu.wait_indirect_dma semaphore(%arg19 : memref<!tpu.dma_semaphore, #tpu.memory_space<semaphore_mem>>) src(%arg10 : memref<192x32xf32, #tpu.memory_space<vmem>>) dst(%dma_wait3A_174 : memref<50176x32xf32, #tpu.memory_space<vmem_shared>>)
        } else {
        }
        %add3A_128 = arith.constant 4 : i32
        %add3A_129 = arith.addi %add3A_110, %add3A_128 : i32
        %sub3A_130 = arith.constant 1 : i32
        %sub3A_131 = arith.subi %add3A_129, %sub3A_130 : i32
        %lt3A_132 = arith.constant 12 : i32
        %lt3A_133 = arith.cmpi slt, %sub3A_131, %lt3A_132 : i32
        %convert_element_type3A_134 = arith.extui %lt3A_133 : i1 to i32
        %cond3A_135 = arith.constant 0 : i32
        %cond3A_136 = arith.cmpi ne, %convert_element_type3A_134, %cond3A_135 : i32
        scf.if %cond3A_136 {
          %add3A_167 = arith.constant 4 : i32
          %add3A_168 = arith.addi %add3A_110, %add3A_167 : i32
          %sub3A_169 = arith.constant 1 : i32
          %sub3A_170 = arith.subi %add3A_168, %sub3A_169 : i32
          %dma_start3A_171 = arith.constant 0 : i32
          %dma_start3A_172 = tpu.memref_slice %arg7[%sub3A_170, %dma_start3A_171] : memref<12x192xi32, #tpu.memory_space<vmem>> -> memref<1x192xi32, #tpu.memory_space<vmem>>
          %dma_start3A_173 = tpu.memref_squeeze %dma_start3A_172 : memref<1x192xi32, #tpu.memory_space<vmem>> -> memref<192xi32, #tpu.memory_space<vmem>>
          %dma_start3A_174 = arith.constant 0 : i32
          %dma_start3A_175 = arith.constant 0 : i32
          %dma_start3A_176 = tpu.memref_slice %arg2[%dma_start3A_174, %dma_start3A_175] : memref<100352x32xf32, #tpu.memory_space<hbm>> -> memref<100352x32xf32, #tpu.memory_space<hbm>>
          tpu.enqueue_indirect_dma source(%dma_start3A_176 : memref<100352x32xf32, #tpu.memory_space<hbm>>) target(%arg10 : memref<192x32xf32, #tpu.memory_space<vmem>>) offsets(%dma_start3A_173 : memref<192xi32, #tpu.memory_space<vmem>>) semaphore(%arg15 : memref<!tpu.dma_semaphore, #tpu.memory_space<semaphore_mem>>)
        } else {
        }
        %mul3A_137 = arith.constant 4 : i32
        %mul3A_138 = arith.muli %scan3A_51, %mul3A_137 : i32
        %add3A_139 = arith.constant 3 : i32
        %add3A_140 = arith.addi %mul3A_138, %add3A_139 : i32
        %dma_wait3A_141 = arith.constant 0 : i32
        %dma_wait3A_142 = tpu.memref_slice %arg7[%add3A_140, %dma_wait3A_141] : memref<12x192xi32, #tpu.memory_space<vmem>> -> memref<1x192xi32, #tpu.memory_space<vmem>>
        %dma_wait3A_143 = tpu.memref_squeeze %dma_wait3A_142 : memref<1x192xi32, #tpu.memory_space<vmem>> -> memref<192xi32, #tpu.memory_space<vmem>>
        %dma_wait3A_144 = arith.constant 0 : i32
        %dma_wait3A_145 = arith.constant 0 : i32
        %dma_wait3A_146 = tpu.memref_slice %arg2[%dma_wait3A_144, %dma_wait3A_145] : memref<100352x32xf32, #tpu.memory_space<hbm>> -> memref<100352x32xf32, #tpu.memory_space<hbm>>
        tpu.wait_indirect_dma semaphore(%arg17 : memref<!tpu.dma_semaphore, #tpu.memory_space<semaphore_mem>>) src(%dma_wait3A_146 : memref<100352x32xf32, #tpu.memory_space<hbm>>) dst(%arg12 : memref<192x32xf32, #tpu.memory_space<vmem>>)
        %dma_start3A_147 = arith.constant 0 : i32
        %dma_start3A_148 = tpu.memref_slice %arg8[%add3A_140, %dma_start3A_147] : memref<12x192xi32, #tpu.memory_space<vmem>> -> memref<1x192xi32, #tpu.memory_space<vmem>>
        %dma_start3A_149 = tpu.memref_squeeze %dma_start3A_148 : memref<1x192xi32, #tpu.memory_space<vmem>> -> memref<192xi32, #tpu.memory_space<vmem>>
        %dma_start3A_150 = arith.constant 0 : i32
        %dma_start3A_151 = arith.constant 0 : i32
        %dma_start3A_152 = tpu.memref_slice %arg13[%dma_start3A_150, %dma_start3A_151] : memref<50176x32xf32, #tpu.memory_space<vmem_shared>> -> memref<50176x32xf32, #tpu.memory_space<vmem_shared>>
        tpu.enqueue_indirect_dma source(%arg12 : memref<192x32xf32, #tpu.memory_space<vmem>>) target(%dma_start3A_152 : memref<50176x32xf32, #tpu.memory_space<vmem_shared>>) offsets(%dma_start3A_149 : memref<192xi32, #tpu.memory_space<vmem>>) semaphore(%arg21 : memref<!tpu.dma_semaphore, #tpu.memory_space<semaphore_mem>>) {add = true}
        %ge3A_153 = arith.constant 1 : i32
        %ge3A_154 = arith.cmpi sge, %add3A_140, %ge3A_153 : i32
        %convert_element_type3A_155 = arith.extui %ge3A_154 : i1 to i32
        %cond3A_156 = arith.constant 0 : i32
        %cond3A_157 = arith.cmpi ne, %convert_element_type3A_155, %cond3A_156 : i32
        scf.if %cond3A_157 {
          %sub3A_167 = arith.constant 1 : i32
          %sub3A_168 = arith.subi %add3A_140, %sub3A_167 : i32
          %dma_wait3A_169 = arith.constant 0 : i32
          %dma_wait3A_170 = tpu.memref_slice %arg8[%sub3A_168, %dma_wait3A_169] : memref<12x192xi32, #tpu.memory_space<vmem>> -> memref<1x192xi32, #tpu.memory_space<vmem>>
          %dma_wait3A_171 = tpu.memref_squeeze %dma_wait3A_170 : memref<1x192xi32, #tpu.memory_space<vmem>> -> memref<192xi32, #tpu.memory_space<vmem>>
          %dma_wait3A_172 = arith.constant 0 : i32
          %dma_wait3A_173 = arith.constant 0 : i32
          %dma_wait3A_174 = tpu.memref_slice %arg13[%dma_wait3A_172, %dma_wait3A_173] : memref<50176x32xf32, #tpu.memory_space<vmem_shared>> -> memref<50176x32xf32, #tpu.memory_space<vmem_shared>>
          tpu.wait_indirect_dma semaphore(%arg20 : memref<!tpu.dma_semaphore, #tpu.memory_space<semaphore_mem>>) src(%arg11 : memref<192x32xf32, #tpu.memory_space<vmem>>) dst(%dma_wait3A_174 : memref<50176x32xf32, #tpu.memory_space<vmem_shared>>)
        } else {
        }
        %add3A_158 = arith.constant 4 : i32
        %add3A_159 = arith.addi %add3A_140, %add3A_158 : i32
        %sub3A_160 = arith.constant 1 : i32
        %sub3A_161 = arith.subi %add3A_159, %sub3A_160 : i32
        %lt3A_162 = arith.constant 12 : i32
        %lt3A_163 = arith.cmpi slt, %sub3A_161, %lt3A_162 : i32
        %convert_element_type3A_164 = arith.extui %lt3A_163 : i1 to i32
        %cond3A_165 = arith.constant 0 : i32
        %cond3A_166 = arith.cmpi ne, %convert_element_type3A_164, %cond3A_165 : i32
        scf.if %cond3A_166 {
          %add3A_167 = arith.constant 4 : i32
          %add3A_168 = arith.addi %add3A_140, %add3A_167 : i32
          %sub3A_169 = arith.constant 1 : i32
          %sub3A_170 = arith.subi %add3A_168, %sub3A_169 : i32
          %dma_start3A_171 = arith.constant 0 : i32
          %dma_start3A_172 = tpu.memref_slice %arg7[%sub3A_170, %dma_start3A_171] : memref<12x192xi32, #tpu.memory_space<vmem>> -> memref<1x192xi32, #tpu.memory_space<vmem>>
          %dma_start3A_173 = tpu.memref_squeeze %dma_start3A_172 : memref<1x192xi32, #tpu.memory_space<vmem>> -> memref<192xi32, #tpu.memory_space<vmem>>
          %dma_start3A_174 = arith.constant 0 : i32
          %dma_start3A_175 = arith.constant 0 : i32
          %dma_start3A_176 = tpu.memref_slice %arg2[%dma_start3A_174, %dma_start3A_175] : memref<100352x32xf32, #tpu.memory_space<hbm>> -> memref<100352x32xf32, #tpu.memory_space<hbm>>
          tpu.enqueue_indirect_dma source(%dma_start3A_176 : memref<100352x32xf32, #tpu.memory_space<hbm>>) target(%arg11 : memref<192x32xf32, #tpu.memory_space<vmem>>) offsets(%dma_start3A_173 : memref<192xi32, #tpu.memory_space<vmem>>) semaphore(%arg16 : memref<!tpu.dma_semaphore, #tpu.memory_space<semaphore_mem>>)
        } else {
        }
      }
      %scan3A_44 = arith.constant 3 : i32
      %dma_wait3A = arith.constant 0 : i32
      %dma_wait3A_45 = arith.constant 0 : i32
      %dma_wait3A_46 = tpu.memref_slice %arg8[%dma_wait3A, %dma_wait3A_45] : memref<12x192xi32, #tpu.memory_space<vmem>> -> memref<1x192xi32, #tpu.memory_space<vmem>>
      %dma_wait3A_47 = tpu.memref_squeeze %dma_wait3A_46 : memref<1x192xi32, #tpu.memory_space<vmem>> -> memref<192xi32, #tpu.memory_space<vmem>>
      %dma_wait3A_48 = arith.constant 0 : i32
      %dma_wait3A_49 = arith.constant 0 : i32
      %dma_wait3A_50 = tpu.memref_slice %arg13[%dma_wait3A_48, %dma_wait3A_49] : memref<50176x32xf32, #tpu.memory_space<vmem_shared>> -> memref<50176x32xf32, #tpu.memory_space<vmem_shared>>
      tpu.wait_indirect_dma semaphore(%arg21 : memref<!tpu.dma_semaphore, #tpu.memory_space<semaphore_mem>>) src(%arg12 : memref<192x32xf32, #tpu.memory_space<vmem>>) dst(%dma_wait3A_50 : memref<50176x32xf32, #tpu.memory_space<vmem_shared>>)
    }
    %scan3A_7 = arith.constant 22 : i32
    %barrier3A_8 = arith.constant 0 : index
    tpu.barrier barrier_id(%barrier3A_8)
    %mul3A_9 = arith.constant 50176 : i32
    %mul3A_10 = arith.muli %arg0, %mul3A_9 : i32
    %add3A_11 = arith.addi %mul3A_10, %mul3A_2 : i32
    "tpu.region"() ({
      %run_scoped3A = tpu.sem_alloc : memref<!tpu.dma_semaphore, #tpu.memory_space<semaphore_mem>>
      %dma_start3A = arith.constant 0 : i32
      %dma_start3A_12 = tpu.memref_slice %arg6[%add3A_11, %dma_start3A] : memref<100352x32xf32, #tpu.memory_space<hbm>> -> memref<3136x32xf32, #tpu.memory_space<hbm>>
      %dma_start3A_13 = arith.constant 0 : i32
      %dma_start3A_14 = tpu.memref_slice %arg13[%mul3A_2, %dma_start3A_13] : memref<50176x32xf32, #tpu.memory_space<vmem_shared>> -> memref<3136x32xf32, #tpu.memory_space<vmem_shared>>
      tpu.enqueue_dma source(%dma_start3A_14 : memref<3136x32xf32, #tpu.memory_space<vmem_shared>>) target(%dma_start3A_12 : memref<3136x32xf32, #tpu.memory_space<hbm>>) target_semaphore(%run_scoped3A : memref<!tpu.dma_semaphore, #tpu.memory_space<semaphore_mem>>)
      %dma_wait3A = arith.constant 0 : i32
      %dma_wait3A_15 = tpu.memref_slice %arg6[%add3A_11, %dma_wait3A] : memref<100352x32xf32, #tpu.memory_space<hbm>> -> memref<3136x32xf32, #tpu.memory_space<hbm>>
      %dma_wait3A_16 = arith.constant 0 : i32
      %dma_wait3A_17 = tpu.memref_slice %arg13[%mul3A_2, %dma_wait3A_16] : memref<50176x32xf32, #tpu.memory_space<vmem_shared>> -> memref<3136x32xf32, #tpu.memory_space<vmem_shared>>
      tpu.wait_dma2 semaphore(%run_scoped3A : memref<!tpu.dma_semaphore, #tpu.memory_space<semaphore_mem>>) src(%dma_wait3A_17 : memref<3136x32xf32, #tpu.memory_space<vmem_shared>>) dst(%dma_wait3A_15 : memref<3136x32xf32, #tpu.memory_space<hbm>>)
      tpu.yield
    }) : () -> ()
    return
  }
}

#map = affine_map<(d0, d1) -> (0, 0)>
#map1 = affine_map<(d0, d1) -> (0, 0, 0)>
module attributes {stable_mosaic.version = 14 : i64} {
  func.func @segsum_sc(%arg0: i32, %arg1: i32, %arg2: memref<100352x32xf32, #tpu.memory_space<hbm>>, %arg3: memref<704x12x192xi32, #tpu.memory_space<hbm>>, %arg4: memref<352x12x192xi32, #tpu.memory_space<hbm>>, %arg5: memref<3136x32xf32, #tpu.memory_space<hbm>>, %arg6: memref<100352x32xf32, #tpu.memory_space<hbm>>, %arg7: memref<12x192xi32, #tpu.memory_space<vmem>>, %arg8: memref<12x192xi32, #tpu.memory_space<vmem>>, %arg9: memref<192x32xf32, #tpu.memory_space<vmem>>, %arg10: memref<192x32xf32, #tpu.memory_space<vmem>>, %arg11: memref<192x32xf32, #tpu.memory_space<vmem>>, %arg12: memref<192x32xf32, #tpu.memory_space<vmem>>, %arg13: memref<50176x32xf32, #tpu.memory_space<vmem_shared>>, %arg14: memref<!tpu.dma_semaphore, #tpu.memory_space<semaphore_mem>>, %arg15: memref<!tpu.dma_semaphore, #tpu.memory_space<semaphore_mem>>, %arg16: memref<!tpu.dma_semaphore, #tpu.memory_space<semaphore_mem>>, %arg17: memref<!tpu.dma_semaphore, #tpu.memory_space<semaphore_mem>>, %arg18: memref<!tpu.dma_semaphore, #tpu.memory_space<semaphore_mem>>, %arg19: memref<!tpu.dma_semaphore, #tpu.memory_space<semaphore_mem>>, %arg20: memref<!tpu.dma_semaphore, #tpu.memory_space<semaphore_mem>>, %arg21: memref<!tpu.dma_semaphore, #tpu.memory_space<semaphore_mem>>) attributes {dimension_semantics = [#tpu.dimension_semantics<core_parallel>, #tpu.dimension_semantics<subcore_parallel>], iteration_bounds = array<i64: 2, 16>, scalar_prefetch = 0 : i64, scratch_operands = 15 : i64, tpu.core_type = #tpu.core_type<sc_vector_subcore>, window_params = [{transform_indices = #map}, {transform_indices = #map1}, {transform_indices = #map1}, {transform_indices = #map}, {transform_indices = #map}]} {
    %mul3A = arith.constant 16 : i32
    %mul3A_0 = arith.muli %arg0, %mul3A : i32
    %add3A = arith.addi %mul3A_0, %arg1 : i32
    %mul3A_1 = arith.constant 3136 : i32
    %mul3A_2 = arith.muli %arg1, %mul3A_1 : i32
    "tpu.region"() ({
      %run_scoped3A = tpu.sem_alloc : memref<!tpu.dma_semaphore, #tpu.memory_space<semaphore_mem>>
      %dma_start3A = arith.constant 0 : i32
      %dma_start3A_12 = tpu.memref_slice %arg13[%mul3A_2, %dma_start3A] : memref<50176x32xf32, #tpu.memory_space<vmem_shared>> -> memref<3136x32xf32, #tpu.memory_space<vmem_shared>>
      tpu.enqueue_dma source(%arg5 : memref<3136x32xf32, #tpu.memory_space<hbm>>) target(%dma_start3A_12 : memref<3136x32xf32, #tpu.memory_space<vmem_shared>>) target_semaphore(%run_scoped3A : memref<!tpu.dma_semaphore, #tpu.memory_space<semaphore_mem>>)
      %dma_wait3A = arith.constant 0 : i32
      %dma_wait3A_13 = tpu.memref_slice %arg13[%mul3A_2, %dma_wait3A] : memref<50176x32xf32, #tpu.memory_space<vmem_shared>> -> memref<3136x32xf32, #tpu.memory_space<vmem_shared>>
      tpu.wait_dma2 semaphore(%run_scoped3A : memref<!tpu.dma_semaphore, #tpu.memory_space<semaphore_mem>>) src(%arg5 : memref<3136x32xf32, #tpu.memory_space<hbm>>) dst(%dma_wait3A_13 : memref<3136x32xf32, #tpu.memory_space<vmem_shared>>)
      tpu.yield
    }) : () -> ()
    %barrier3A = arith.constant 0 : index
    tpu.barrier barrier_id(%barrier3A)
    %scan3A = arith.constant 0 : i32
    %scan3A_3 = arith.constant 0 : i32
    %scan3A_4 = arith.constant 22 : i32
    %scan3A_5 = arith.addi %scan3A_3, %scan3A_4 : i32
    %scan3A_6 = arith.constant 1 : i32
    scf.for %scan3A_12 = %scan3A_3 to %scan3A_5 step %scan3A_6  : i32 {
      %mul3A_13 = arith.constant 22 : i32
      %mul3A_14 = arith.muli %add3A, %mul3A_13 : i32
      %add3A_15 = arith.addi %mul3A_14, %scan3A_12 : i32
      "tpu.region"() ({
        %run_scoped3A = tpu.sem_alloc : memref<!tpu.dma_semaphore, #tpu.memory_space<semaphore_mem>>
        %dma_start3A_51 = arith.constant 0 : i32
        %dma_start3A_52 = arith.constant 0 : i32
        %dma_start3A_53 = tpu.memref_slice %arg3[%add3A_15, %dma_start3A_51, %dma_start3A_52] : memref<704x12x192xi32, #tpu.memory_space<hbm>> -> memref<1x12x192xi32, #tpu.memory_space<hbm>>
        %dma_start3A_54 = tpu.memref_squeeze %dma_start3A_53 : memref<1x12x192xi32, #tpu.memory_space<hbm>> -> memref<12x192xi32, #tpu.memory_space<hbm>>
        %dma_start3A_55 = arith.constant 0 : i32
        %dma_start3A_56 = arith.constant 0 : i32
        %dma_start3A_57 = tpu.memref_slice %arg3[%add3A_15, %dma_start3A_55, %dma_start3A_56] : memref<704x12x192xi32, #tpu.memory_space<hbm>> -> memref<1x12x192xi32, #tpu.memory_space<hbm>>
        %dma_start3A_58 = tpu.memref_squeeze %dma_start3A_57 : memref<1x12x192xi32, #tpu.memory_space<hbm>> -> memref<12x192xi32, #tpu.memory_space<hbm>>
        tpu.enqueue_dma source(%dma_start3A_58 : memref<12x192xi32, #tpu.memory_space<hbm>>) target(%arg7 : memref<12x192xi32, #tpu.memory_space<vmem>>) target_semaphore(%run_scoped3A : memref<!tpu.dma_semaphore, #tpu.memory_space<semaphore_mem>>)
        %dma_wait3A_59 = arith.constant 0 : i32
        %dma_wait3A_60 = arith.constant 0 : i32
        %dma_wait3A_61 = tpu.memref_slice %arg3[%add3A_15, %dma_wait3A_59, %dma_wait3A_60] : memref<704x12x192xi32, #tpu.memory_space<hbm>> -> memref<1x12x192xi32, #tpu.memory_space<hbm>>
        %dma_wait3A_62 = tpu.memref_squeeze %dma_wait3A_61 : memref<1x12x192xi32, #tpu.memory_space<hbm>> -> memref<12x192xi32, #tpu.memory_space<hbm>>
        %dma_wait3A_63 = arith.constant 0 : i32
        %dma_wait3A_64 = arith.constant 0 : i32
        %dma_wait3A_65 = tpu.memref_slice %arg3[%add3A_15, %dma_wait3A_63, %dma_wait3A_64] : memref<704x12x192xi32, #tpu.memory_space<hbm>> -> memref<1x12x192xi32, #tpu.memory_space<hbm>>
        %dma_wait3A_66 = tpu.memref_squeeze %dma_wait3A_65 : memref<1x12x192xi32, #tpu.memory_space<hbm>> -> memref<12x192xi32, #tpu.memory_space<hbm>>
        tpu.wait_dma2 semaphore(%run_scoped3A : memref<!tpu.dma_semaphore, #tpu.memory_space<semaphore_mem>>) src(%dma_wait3A_66 : memref<12x192xi32, #tpu.memory_space<hbm>>) dst(%arg7 : memref<12x192xi32, #tpu.memory_space<vmem>>)
        tpu.yield
      }) : () -> ()
      %mul3A_16 = arith.constant 22 : i32
      %mul3A_17 = arith.muli %arg1, %mul3A_16 : i32
      %add3A_18 = arith.addi %mul3A_17, %scan3A_12 : i32
      "tpu.region"() ({
        %run_scoped3A = tpu.sem_alloc : memref<!tpu.dma_semaphore, #tpu.memory_space<semaphore_mem>>
        %dma_start3A_51 = arith.constant 0 : i32
        %dma_start3A_52 = arith.constant 0 : i32
        %dma_start3A_53 = tpu.memref_slice %arg4[%add3A_18, %dma_start3A_51, %dma_start3A_52] : memref<352x12x192xi32, #tpu.memory_space<hbm>> -> memref<1x12x192xi32, #tpu.memory_space<hbm>>
        %dma_start3A_54 = tpu.memref_squeeze %dma_start3A_53 : memref<1x12x192xi32, #tpu.memory_space<hbm>> -> memref<12x192xi32, #tpu.memory_space<hbm>>
        %dma_start3A_55 = arith.constant 0 : i32
        %dma_start3A_56 = arith.constant 0 : i32
        %dma_start3A_57 = tpu.memref_slice %arg4[%add3A_18, %dma_start3A_55, %dma_start3A_56] : memref<352x12x192xi32, #tpu.memory_space<hbm>> -> memref<1x12x192xi32, #tpu.memory_space<hbm>>
        %dma_start3A_58 = tpu.memref_squeeze %dma_start3A_57 : memref<1x12x192xi32, #tpu.memory_space<hbm>> -> memref<12x192xi32, #tpu.memory_space<hbm>>
        tpu.enqueue_dma source(%dma_start3A_58 : memref<12x192xi32, #tpu.memory_space<hbm>>) target(%arg8 : memref<12x192xi32, #tpu.memory_space<vmem>>) target_semaphore(%run_scoped3A : memref<!tpu.dma_semaphore, #tpu.memory_space<semaphore_mem>>)
        %dma_wait3A_59 = arith.constant 0 : i32
        %dma_wait3A_60 = arith.constant 0 : i32
        %dma_wait3A_61 = tpu.memref_slice %arg4[%add3A_18, %dma_wait3A_59, %dma_wait3A_60] : memref<352x12x192xi32, #tpu.memory_space<hbm>> -> memref<1x12x192xi32, #tpu.memory_space<hbm>>
        %dma_wait3A_62 = tpu.memref_squeeze %dma_wait3A_61 : memref<1x12x192xi32, #tpu.memory_space<hbm>> -> memref<12x192xi32, #tpu.memory_space<hbm>>
        %dma_wait3A_63 = arith.constant 0 : i32
        %dma_wait3A_64 = arith.constant 0 : i32
        %dma_wait3A_65 = tpu.memref_slice %arg4[%add3A_18, %dma_wait3A_63, %dma_wait3A_64] : memref<352x12x192xi32, #tpu.memory_space<hbm>> -> memref<1x12x192xi32, #tpu.memory_space<hbm>>
        %dma_wait3A_66 = tpu.memref_squeeze %dma_wait3A_65 : memref<1x12x192xi32, #tpu.memory_space<hbm>> -> memref<12x192xi32, #tpu.memory_space<hbm>>
        tpu.wait_dma2 semaphore(%run_scoped3A : memref<!tpu.dma_semaphore, #tpu.memory_space<semaphore_mem>>) src(%dma_wait3A_66 : memref<12x192xi32, #tpu.memory_space<hbm>>) dst(%arg8 : memref<12x192xi32, #tpu.memory_space<vmem>>)
        tpu.yield
      }) : () -> ()
      %dma_start3A = arith.constant 0 : i32
      %dma_start3A_19 = arith.constant 0 : i32
      %dma_start3A_20 = tpu.memref_slice %arg7[%dma_start3A, %dma_start3A_19] : memref<12x192xi32, #tpu.memory_space<vmem>> -> memref<1x192xi32, #tpu.memory_space<vmem>>
      %dma_start3A_21 = tpu.memref_squeeze %dma_start3A_20 : memref<1x192xi32, #tpu.memory_space<vmem>> -> memref<192xi32, #tpu.memory_space<vmem>>
      %dma_start3A_22 = arith.constant 0 : i32
      %dma_start3A_23 = arith.constant 0 : i32
      %dma_start3A_24 = tpu.memref_slice %arg2[%dma_start3A_22, %dma_start3A_23] : memref<100352x32xf32, #tpu.memory_space<hbm>> -> memref<100352x32xf32, #tpu.memory_space<hbm>>
      tpu.enqueue_indirect_dma source(%dma_start3A_24 : memref<100352x32xf32, #tpu.memory_space<hbm>>) target(%arg9 : memref<192x32xf32, #tpu.memory_space<vmem>>) offsets(%dma_start3A_21 : memref<192xi32, #tpu.memory_space<vmem>>) semaphore(%arg14 : memref<!tpu.dma_semaphore, #tpu.memory_space<semaphore_mem>>)
      %dma_start3A_25 = arith.constant 1 : i32
      %dma_start3A_26 = arith.constant 0 : i32
      %dma_start3A_27 = tpu.memref_slice %arg7[%dma_start3A_25, %dma_start3A_26] : memref<12x192xi32, #tpu.memory_space<vmem>> -> memref<1x192xi32, #tpu.memory_space<vmem>>
      %dma_start3A_28 = tpu.memref_squeeze %dma_start3A_27 : memref<1x192xi32, #tpu.memory_space<vmem>> -> memref<192xi32, #tpu.memory_space<vmem>>
      %dma_start3A_29 = arith.constant 0 : i32
      %dma_start3A_30 = arith.constant 0 : i32
      %dma_start3A_31 = tpu.memref_slice %arg2[%dma_start3A_29, %dma_start3A_30] : memref<100352x32xf32, #tpu.memory_space<hbm>> -> memref<100352x32xf32, #tpu.memory_space<hbm>>
      tpu.enqueue_indirect_dma source(%dma_start3A_31 : memref<100352x32xf32, #tpu.memory_space<hbm>>) target(%arg10 : memref<192x32xf32, #tpu.memory_space<vmem>>) offsets(%dma_start3A_28 : memref<192xi32, #tpu.memory_space<vmem>>) semaphore(%arg15 : memref<!tpu.dma_semaphore, #tpu.memory_space<semaphore_mem>>)
      %dma_start3A_32 = arith.constant 2 : i32
      %dma_start3A_33 = arith.constant 0 : i32
      %dma_start3A_34 = tpu.memref_slice %arg7[%dma_start3A_32, %dma_start3A_33] : memref<12x192xi32, #tpu.memory_space<vmem>> -> memref<1x192xi32, #tpu.memory_space<vmem>>
      %dma_start3A_35 = tpu.memref_squeeze %dma_start3A_34 : memref<1x192xi32, #tpu.memory_space<vmem>> -> memref<192xi32, #tpu.memory_space<vmem>>
      %dma_start3A_36 = arith.constant 0 : i32
      %dma_start3A_37 = arith.constant 0 : i32
      %dma_start3A_38 = tpu.memref_slice %arg2[%dma_start3A_36, %dma_start3A_37] : memref<100352x32xf32, #tpu.memory_space<hbm>> -> memref<100352x32xf32, #tpu.memory_space<hbm>>
      tpu.enqueue_indirect_dma source(%dma_start3A_38 : memref<100352x32xf32, #tpu.memory_space<hbm>>) target(%arg11 : memref<192x32xf32, #tpu.memory_space<vmem>>) offsets(%dma_start3A_35 : memref<192xi32, #tpu.memory_space<vmem>>) semaphore(%arg16 : memref<!tpu.dma_semaphore, #tpu.memory_space<semaphore_mem>>)
      %scan3A_39 = arith.constant 0 : i32
      %scan3A_40 = arith.constant 0 : i32
      %scan3A_41 = arith.constant 3 : i32
      %scan3A_42 = arith.addi %scan3A_40, %scan3A_41 : i32
      %scan3A_43 = arith.constant 1 : i32
      scf.for %scan3A_51 = %scan3A_40 to %scan3A_42 step %scan3A_43  : i32 {
        %mul3A_52 = arith.constant 4 : i32
        %mul3A_53 = arith.muli %scan3A_51, %mul3A_52 : i32
        %add3A_54 = arith.constant 0 : i32
        %add3A_55 = arith.addi %mul3A_53, %add3A_54 : i32
        %dma_wait3A_56 = arith.constant 0 : i32
        %dma_wait3A_57 = tpu.memref_slice %arg7[%add3A_55, %dma_wait3A_56] : memref<12x192xi32, #tpu.memory_space<vmem>> -> memref<1x192xi32, #tpu.memory_space<vmem>>
        %dma_wait3A_58 = tpu.memref_squeeze %dma_wait3A_57 : memref<1x192xi32, #tpu.memory_space<vmem>> -> memref<192xi32, #tpu.memory_space<vmem>>
        %dma_wait3A_59 = arith.constant 0 : i32
        %dma_wait3A_60 = arith.constant 0 : i32
        %dma_wait3A_61 = tpu.memref_slice %arg2[%dma_wait3A_59, %dma_wait3A_60] : memref<100352x32xf32, #tpu.memory_space<hbm>> -> memref<100352x32xf32, #tpu.memory_space<hbm>>
        tpu.wait_indirect_dma semaphore(%arg14 : memref<!tpu.dma_semaphore, #tpu.memory_space<semaphore_mem>>) src(%dma_wait3A_61 : memref<100352x32xf32, #tpu.memory_space<hbm>>) dst(%arg9 : memref<192x32xf32, #tpu.memory_space<vmem>>)
        %dma_start3A_62 = arith.constant 0 : i32
        %dma_start3A_63 = tpu.memref_slice %arg8[%add3A_55, %dma_start3A_62] : memref<12x192xi32, #tpu.memory_space<vmem>> -> memref<1x192xi32, #tpu.memory_space<vmem>>
        %dma_start3A_64 = tpu.memref_squeeze %dma_start3A_63 : memref<1x192xi32, #tpu.memory_space<vmem>> -> memref<192xi32, #tpu.memory_space<vmem>>
        %dma_start3A_65 = arith.constant 0 : i32
        %dma_start3A_66 = arith.constant 0 : i32
        %dma_start3A_67 = tpu.memref_slice %arg13[%dma_start3A_65, %dma_start3A_66] : memref<50176x32xf32, #tpu.memory_space<vmem_shared>> -> memref<50176x32xf32, #tpu.memory_space<vmem_shared>>
        tpu.enqueue_indirect_dma source(%arg9 : memref<192x32xf32, #tpu.memory_space<vmem>>) target(%dma_start3A_67 : memref<50176x32xf32, #tpu.memory_space<vmem_shared>>) offsets(%dma_start3A_64 : memref<192xi32, #tpu.memory_space<vmem>>) semaphore(%arg18 : memref<!tpu.dma_semaphore, #tpu.memory_space<semaphore_mem>>) {add = true}
        %ge3A = arith.constant 1 : i32
        %ge3A_68 = arith.cmpi sge, %add3A_55, %ge3A : i32
        %convert_element_type3A = arith.extui %ge3A_68 : i1 to i32
        %cond3A = arith.constant 0 : i32
        %cond3A_69 = arith.cmpi ne, %convert_element_type3A, %cond3A : i32
        scf.if %cond3A_69 {
          %sub3A_167 = arith.constant 1 : i32
          %sub3A_168 = arith.subi %add3A_55, %sub3A_167 : i32
          %dma_wait3A_169 = arith.constant 0 : i32
          %dma_wait3A_170 = tpu.memref_slice %arg8[%sub3A_168, %dma_wait3A_169] : memref<12x192xi32, #tpu.memory_space<vmem>> -> memref<1x192xi32, #tpu.memory_space<vmem>>
          %dma_wait3A_171 = tpu.memref_squeeze %dma_wait3A_170 : memref<1x192xi32, #tpu.memory_space<vmem>> -> memref<192xi32, #tpu.memory_space<vmem>>
          %dma_wait3A_172 = arith.constant 0 : i32
          %dma_wait3A_173 = arith.constant 0 : i32
          %dma_wait3A_174 = tpu.memref_slice %arg13[%dma_wait3A_172, %dma_wait3A_173] : memref<50176x32xf32, #tpu.memory_space<vmem_shared>> -> memref<50176x32xf32, #tpu.memory_space<vmem_shared>>
          tpu.wait_indirect_dma semaphore(%arg21 : memref<!tpu.dma_semaphore, #tpu.memory_space<semaphore_mem>>) src(%arg12 : memref<192x32xf32, #tpu.memory_space<vmem>>) dst(%dma_wait3A_174 : memref<50176x32xf32, #tpu.memory_space<vmem_shared>>)
        } else {
        }
        %add3A_70 = arith.constant 4 : i32
        %add3A_71 = arith.addi %add3A_55, %add3A_70 : i32
        %sub3A = arith.constant 1 : i32
        %sub3A_72 = arith.subi %add3A_71, %sub3A : i32
        %lt3A = arith.constant 12 : i32
        %lt3A_73 = arith.cmpi slt, %sub3A_72, %lt3A : i32
        %convert_element_type3A_74 = arith.extui %lt3A_73 : i1 to i32
        %cond3A_75 = arith.constant 0 : i32
        %cond3A_76 = arith.cmpi ne, %convert_element_type3A_74, %cond3A_75 : i32
        scf.if %cond3A_76 {
          %add3A_167 = arith.constant 4 : i32
          %add3A_168 = arith.addi %add3A_55, %add3A_167 : i32
          %sub3A_169 = arith.constant 1 : i32
          %sub3A_170 = arith.subi %add3A_168, %sub3A_169 : i32
          %dma_start3A_171 = arith.constant 0 : i32
          %dma_start3A_172 = tpu.memref_slice %arg7[%sub3A_170, %dma_start3A_171] : memref<12x192xi32, #tpu.memory_space<vmem>> -> memref<1x192xi32, #tpu.memory_space<vmem>>
          %dma_start3A_173 = tpu.memref_squeeze %dma_start3A_172 : memref<1x192xi32, #tpu.memory_space<vmem>> -> memref<192xi32, #tpu.memory_space<vmem>>
          %dma_start3A_174 = arith.constant 0 : i32
          %dma_start3A_175 = arith.constant 0 : i32
          %dma_start3A_176 = tpu.memref_slice %arg2[%dma_start3A_174, %dma_start3A_175] : memref<100352x32xf32, #tpu.memory_space<hbm>> -> memref<100352x32xf32, #tpu.memory_space<hbm>>
          tpu.enqueue_indirect_dma source(%dma_start3A_176 : memref<100352x32xf32, #tpu.memory_space<hbm>>) target(%arg12 : memref<192x32xf32, #tpu.memory_space<vmem>>) offsets(%dma_start3A_173 : memref<192xi32, #tpu.memory_space<vmem>>) semaphore(%arg17 : memref<!tpu.dma_semaphore, #tpu.memory_space<semaphore_mem>>)
        } else {
        }
        %mul3A_77 = arith.constant 4 : i32
        %mul3A_78 = arith.muli %scan3A_51, %mul3A_77 : i32
        %add3A_79 = arith.constant 1 : i32
        %add3A_80 = arith.addi %mul3A_78, %add3A_79 : i32
        %dma_wait3A_81 = arith.constant 0 : i32
        %dma_wait3A_82 = tpu.memref_slice %arg7[%add3A_80, %dma_wait3A_81] : memref<12x192xi32, #tpu.memory_space<vmem>> -> memref<1x192xi32, #tpu.memory_space<vmem>>
        %dma_wait3A_83 = tpu.memref_squeeze %dma_wait3A_82 : memref<1x192xi32, #tpu.memory_space<vmem>> -> memref<192xi32, #tpu.memory_space<vmem>>
        %dma_wait3A_84 = arith.constant 0 : i32
        %dma_wait3A_85 = arith.constant 0 : i32
        %dma_wait3A_86 = tpu.memref_slice %arg2[%dma_wait3A_84, %dma_wait3A_85] : memref<100352x32xf32, #tpu.memory_space<hbm>> -> memref<100352x32xf32, #tpu.memory_space<hbm>>
        tpu.wait_indirect_dma semaphore(%arg15 : memref<!tpu.dma_semaphore, #tpu.memory_space<semaphore_mem>>) src(%dma_wait3A_86 : memref<100352x32xf32, #tpu.memory_space<hbm>>) dst(%arg10 : memref<192x32xf32, #tpu.memory_space<vmem>>)
        %dma_start3A_87 = arith.constant 0 : i32
        %dma_start3A_88 = tpu.memref_slice %arg8[%add3A_80, %dma_start3A_87] : memref<12x192xi32, #tpu.memory_space<vmem>> -> memref<1x192xi32, #tpu.memory_space<vmem>>
        %dma_start3A_89 = tpu.memref_squeeze %dma_start3A_88 : memref<1x192xi32, #tpu.memory_space<vmem>> -> memref<192xi32, #tpu.memory_space<vmem>>
        %dma_start3A_90 = arith.constant 0 : i32
        %dma_start3A_91 = arith.constant 0 : i32
        %dma_start3A_92 = tpu.memref_slice %arg13[%dma_start3A_90, %dma_start3A_91] : memref<50176x32xf32, #tpu.memory_space<vmem_shared>> -> memref<50176x32xf32, #tpu.memory_space<vmem_shared>>
        tpu.enqueue_indirect_dma source(%arg10 : memref<192x32xf32, #tpu.memory_space<vmem>>) target(%dma_start3A_92 : memref<50176x32xf32, #tpu.memory_space<vmem_shared>>) offsets(%dma_start3A_89 : memref<192xi32, #tpu.memory_space<vmem>>) semaphore(%arg19 : memref<!tpu.dma_semaphore, #tpu.memory_space<semaphore_mem>>) {add = true}
        %ge3A_93 = arith.constant 1 : i32
        %ge3A_94 = arith.cmpi sge, %add3A_80, %ge3A_93 : i32
        %convert_element_type3A_95 = arith.extui %ge3A_94 : i1 to i32
        %cond3A_96 = arith.constant 0 : i32
        %cond3A_97 = arith.cmpi ne, %convert_element_type3A_95, %cond3A_96 : i32
        scf.if %cond3A_97 {
          %sub3A_167 = arith.constant 1 : i32
          %sub3A_168 = arith.subi %add3A_80, %sub3A_167 : i32
          %dma_wait3A_169 = arith.constant 0 : i32
          %dma_wait3A_170 = tpu.memref_slice %arg8[%sub3A_168, %dma_wait3A_169] : memref<12x192xi32, #tpu.memory_space<vmem>> -> memref<1x192xi32, #tpu.memory_space<vmem>>
          %dma_wait3A_171 = tpu.memref_squeeze %dma_wait3A_170 : memref<1x192xi32, #tpu.memory_space<vmem>> -> memref<192xi32, #tpu.memory_space<vmem>>
          %dma_wait3A_172 = arith.constant 0 : i32
          %dma_wait3A_173 = arith.constant 0 : i32
          %dma_wait3A_174 = tpu.memref_slice %arg13[%dma_wait3A_172, %dma_wait3A_173] : memref<50176x32xf32, #tpu.memory_space<vmem_shared>> -> memref<50176x32xf32, #tpu.memory_space<vmem_shared>>
          tpu.wait_indirect_dma semaphore(%arg18 : memref<!tpu.dma_semaphore, #tpu.memory_space<semaphore_mem>>) src(%arg9 : memref<192x32xf32, #tpu.memory_space<vmem>>) dst(%dma_wait3A_174 : memref<50176x32xf32, #tpu.memory_space<vmem_shared>>)
        } else {
        }
        %add3A_98 = arith.constant 4 : i32
        %add3A_99 = arith.addi %add3A_80, %add3A_98 : i32
        %sub3A_100 = arith.constant 1 : i32
        %sub3A_101 = arith.subi %add3A_99, %sub3A_100 : i32
        %lt3A_102 = arith.constant 12 : i32
        %lt3A_103 = arith.cmpi slt, %sub3A_101, %lt3A_102 : i32
        %convert_element_type3A_104 = arith.extui %lt3A_103 : i1 to i32
        %cond3A_105 = arith.constant 0 : i32
        %cond3A_106 = arith.cmpi ne, %convert_element_type3A_104, %cond3A_105 : i32
        scf.if %cond3A_106 {
          %add3A_167 = arith.constant 4 : i32
          %add3A_168 = arith.addi %add3A_80, %add3A_167 : i32
          %sub3A_169 = arith.constant 1 : i32
          %sub3A_170 = arith.subi %add3A_168, %sub3A_169 : i32
          %dma_start3A_171 = arith.constant 0 : i32
          %dma_start3A_172 = tpu.memref_slice %arg7[%sub3A_170, %dma_start3A_171] : memref<12x192xi32, #tpu.memory_space<vmem>> -> memref<1x192xi32, #tpu.memory_space<vmem>>
          %dma_start3A_173 = tpu.memref_squeeze %dma_start3A_172 : memref<1x192xi32, #tpu.memory_space<vmem>> -> memref<192xi32, #tpu.memory_space<vmem>>
          %dma_start3A_174 = arith.constant 0 : i32
          %dma_start3A_175 = arith.constant 0 : i32
          %dma_start3A_176 = tpu.memref_slice %arg2[%dma_start3A_174, %dma_start3A_175] : memref<100352x32xf32, #tpu.memory_space<hbm>> -> memref<100352x32xf32, #tpu.memory_space<hbm>>
          tpu.enqueue_indirect_dma source(%dma_start3A_176 : memref<100352x32xf32, #tpu.memory_space<hbm>>) target(%arg9 : memref<192x32xf32, #tpu.memory_space<vmem>>) offsets(%dma_start3A_173 : memref<192xi32, #tpu.memory_space<vmem>>) semaphore(%arg14 : memref<!tpu.dma_semaphore, #tpu.memory_space<semaphore_mem>>)
        } else {
        }
        %mul3A_107 = arith.constant 4 : i32
        %mul3A_108 = arith.muli %scan3A_51, %mul3A_107 : i32
        %add3A_109 = arith.constant 2 : i32
        %add3A_110 = arith.addi %mul3A_108, %add3A_109 : i32
        %dma_wait3A_111 = arith.constant 0 : i32
        %dma_wait3A_112 = tpu.memref_slice %arg7[%add3A_110, %dma_wait3A_111] : memref<12x192xi32, #tpu.memory_space<vmem>> -> memref<1x192xi32, #tpu.memory_space<vmem>>
        %dma_wait3A_113 = tpu.memref_squeeze %dma_wait3A_112 : memref<1x192xi32, #tpu.memory_space<vmem>> -> memref<192xi32, #tpu.memory_space<vmem>>
        %dma_wait3A_114 = arith.constant 0 : i32
        %dma_wait3A_115 = arith.constant 0 : i32
        %dma_wait3A_116 = tpu.memref_slice %arg2[%dma_wait3A_114, %dma_wait3A_115] : memref<100352x32xf32, #tpu.memory_space<hbm>> -> memref<100352x32xf32, #tpu.memory_space<hbm>>
        tpu.wait_indirect_dma semaphore(%arg16 : memref<!tpu.dma_semaphore, #tpu.memory_space<semaphore_mem>>) src(%dma_wait3A_116 : memref<100352x32xf32, #tpu.memory_space<hbm>>) dst(%arg11 : memref<192x32xf32, #tpu.memory_space<vmem>>)
        %dma_start3A_117 = arith.constant 0 : i32
        %dma_start3A_118 = tpu.memref_slice %arg8[%add3A_110, %dma_start3A_117] : memref<12x192xi32, #tpu.memory_space<vmem>> -> memref<1x192xi32, #tpu.memory_space<vmem>>
        %dma_start3A_119 = tpu.memref_squeeze %dma_start3A_118 : memref<1x192xi32, #tpu.memory_space<vmem>> -> memref<192xi32, #tpu.memory_space<vmem>>
        %dma_start3A_120 = arith.constant 0 : i32
        %dma_start3A_121 = arith.constant 0 : i32
        %dma_start3A_122 = tpu.memref_slice %arg13[%dma_start3A_120, %dma_start3A_121] : memref<50176x32xf32, #tpu.memory_space<vmem_shared>> -> memref<50176x32xf32, #tpu.memory_space<vmem_shared>>
        tpu.enqueue_indirect_dma source(%arg11 : memref<192x32xf32, #tpu.memory_space<vmem>>) target(%dma_start3A_122 : memref<50176x32xf32, #tpu.memory_space<vmem_shared>>) offsets(%dma_start3A_119 : memref<192xi32, #tpu.memory_space<vmem>>) semaphore(%arg20 : memref<!tpu.dma_semaphore, #tpu.memory_space<semaphore_mem>>) {add = true}
        %ge3A_123 = arith.constant 1 : i32
        %ge3A_124 = arith.cmpi sge, %add3A_110, %ge3A_123 : i32
        %convert_element_type3A_125 = arith.extui %ge3A_124 : i1 to i32
        %cond3A_126 = arith.constant 0 : i32
        %cond3A_127 = arith.cmpi ne, %convert_element_type3A_125, %cond3A_126 : i32
        scf.if %cond3A_127 {
          %sub3A_167 = arith.constant 1 : i32
          %sub3A_168 = arith.subi %add3A_110, %sub3A_167 : i32
          %dma_wait3A_169 = arith.constant 0 : i32
          %dma_wait3A_170 = tpu.memref_slice %arg8[%sub3A_168, %dma_wait3A_169] : memref<12x192xi32, #tpu.memory_space<vmem>> -> memref<1x192xi32, #tpu.memory_space<vmem>>
          %dma_wait3A_171 = tpu.memref_squeeze %dma_wait3A_170 : memref<1x192xi32, #tpu.memory_space<vmem>> -> memref<192xi32, #tpu.memory_space<vmem>>
          %dma_wait3A_172 = arith.constant 0 : i32
          %dma_wait3A_173 = arith.constant 0 : i32
          %dma_wait3A_174 = tpu.memref_slice %arg13[%dma_wait3A_172, %dma_wait3A_173] : memref<50176x32xf32, #tpu.memory_space<vmem_shared>> -> memref<50176x32xf32, #tpu.memory_space<vmem_shared>>
          tpu.wait_indirect_dma semaphore(%arg19 : memref<!tpu.dma_semaphore, #tpu.memory_space<semaphore_mem>>) src(%arg10 : memref<192x32xf32, #tpu.memory_space<vmem>>) dst(%dma_wait3A_174 : memref<50176x32xf32, #tpu.memory_space<vmem_shared>>)
        } else {
        }
        %add3A_128 = arith.constant 4 : i32
        %add3A_129 = arith.addi %add3A_110, %add3A_128 : i32
        %sub3A_130 = arith.constant 1 : i32
        %sub3A_131 = arith.subi %add3A_129, %sub3A_130 : i32
        %lt3A_132 = arith.constant 12 : i32
        %lt3A_133 = arith.cmpi slt, %sub3A_131, %lt3A_132 : i32
        %convert_element_type3A_134 = arith.extui %lt3A_133 : i1 to i32
        %cond3A_135 = arith.constant 0 : i32
        %cond3A_136 = arith.cmpi ne, %convert_element_type3A_134, %cond3A_135 : i32
        scf.if %cond3A_136 {
          %add3A_167 = arith.constant 4 : i32
          %add3A_168 = arith.addi %add3A_110, %add3A_167 : i32
          %sub3A_169 = arith.constant 1 : i32
          %sub3A_170 = arith.subi %add3A_168, %sub3A_169 : i32
          %dma_start3A_171 = arith.constant 0 : i32
          %dma_start3A_172 = tpu.memref_slice %arg7[%sub3A_170, %dma_start3A_171] : memref<12x192xi32, #tpu.memory_space<vmem>> -> memref<1x192xi32, #tpu.memory_space<vmem>>
          %dma_start3A_173 = tpu.memref_squeeze %dma_start3A_172 : memref<1x192xi32, #tpu.memory_space<vmem>> -> memref<192xi32, #tpu.memory_space<vmem>>
          %dma_start3A_174 = arith.constant 0 : i32
          %dma_start3A_175 = arith.constant 0 : i32
          %dma_start3A_176 = tpu.memref_slice %arg2[%dma_start3A_174, %dma_start3A_175] : memref<100352x32xf32, #tpu.memory_space<hbm>> -> memref<100352x32xf32, #tpu.memory_space<hbm>>
          tpu.enqueue_indirect_dma source(%dma_start3A_176 : memref<100352x32xf32, #tpu.memory_space<hbm>>) target(%arg10 : memref<192x32xf32, #tpu.memory_space<vmem>>) offsets(%dma_start3A_173 : memref<192xi32, #tpu.memory_space<vmem>>) semaphore(%arg15 : memref<!tpu.dma_semaphore, #tpu.memory_space<semaphore_mem>>)
        } else {
        }
        %mul3A_137 = arith.constant 4 : i32
        %mul3A_138 = arith.muli %scan3A_51, %mul3A_137 : i32
        %add3A_139 = arith.constant 3 : i32
        %add3A_140 = arith.addi %mul3A_138, %add3A_139 : i32
        %dma_wait3A_141 = arith.constant 0 : i32
        %dma_wait3A_142 = tpu.memref_slice %arg7[%add3A_140, %dma_wait3A_141] : memref<12x192xi32, #tpu.memory_space<vmem>> -> memref<1x192xi32, #tpu.memory_space<vmem>>
        %dma_wait3A_143 = tpu.memref_squeeze %dma_wait3A_142 : memref<1x192xi32, #tpu.memory_space<vmem>> -> memref<192xi32, #tpu.memory_space<vmem>>
        %dma_wait3A_144 = arith.constant 0 : i32
        %dma_wait3A_145 = arith.constant 0 : i32
        %dma_wait3A_146 = tpu.memref_slice %arg2[%dma_wait3A_144, %dma_wait3A_145] : memref<100352x32xf32, #tpu.memory_space<hbm>> -> memref<100352x32xf32, #tpu.memory_space<hbm>>
        tpu.wait_indirect_dma semaphore(%arg17 : memref<!tpu.dma_semaphore, #tpu.memory_space<semaphore_mem>>) src(%dma_wait3A_146 : memref<100352x32xf32, #tpu.memory_space<hbm>>) dst(%arg12 : memref<192x32xf32, #tpu.memory_space<vmem>>)
        %dma_start3A_147 = arith.constant 0 : i32
        %dma_start3A_148 = tpu.memref_slice %arg8[%add3A_140, %dma_start3A_147] : memref<12x192xi32, #tpu.memory_space<vmem>> -> memref<1x192xi32, #tpu.memory_space<vmem>>
        %dma_start3A_149 = tpu.memref_squeeze %dma_start3A_148 : memref<1x192xi32, #tpu.memory_space<vmem>> -> memref<192xi32, #tpu.memory_space<vmem>>
        %dma_start3A_150 = arith.constant 0 : i32
        %dma_start3A_151 = arith.constant 0 : i32
        %dma_start3A_152 = tpu.memref_slice %arg13[%dma_start3A_150, %dma_start3A_151] : memref<50176x32xf32, #tpu.memory_space<vmem_shared>> -> memref<50176x32xf32, #tpu.memory_space<vmem_shared>>
        tpu.enqueue_indirect_dma source(%arg12 : memref<192x32xf32, #tpu.memory_space<vmem>>) target(%dma_start3A_152 : memref<50176x32xf32, #tpu.memory_space<vmem_shared>>) offsets(%dma_start3A_149 : memref<192xi32, #tpu.memory_space<vmem>>) semaphore(%arg21 : memref<!tpu.dma_semaphore, #tpu.memory_space<semaphore_mem>>) {add = true}
        %ge3A_153 = arith.constant 1 : i32
        %ge3A_154 = arith.cmpi sge, %add3A_140, %ge3A_153 : i32
        %convert_element_type3A_155 = arith.extui %ge3A_154 : i1 to i32
        %cond3A_156 = arith.constant 0 : i32
        %cond3A_157 = arith.cmpi ne, %convert_element_type3A_155, %cond3A_156 : i32
        scf.if %cond3A_157 {
          %sub3A_167 = arith.constant 1 : i32
          %sub3A_168 = arith.subi %add3A_140, %sub3A_167 : i32
          %dma_wait3A_169 = arith.constant 0 : i32
          %dma_wait3A_170 = tpu.memref_slice %arg8[%sub3A_168, %dma_wait3A_169] : memref<12x192xi32, #tpu.memory_space<vmem>> -> memref<1x192xi32, #tpu.memory_space<vmem>>
          %dma_wait3A_171 = tpu.memref_squeeze %dma_wait3A_170 : memref<1x192xi32, #tpu.memory_space<vmem>> -> memref<192xi32, #tpu.memory_space<vmem>>
          %dma_wait3A_172 = arith.constant 0 : i32
          %dma_wait3A_173 = arith.constant 0 : i32
          %dma_wait3A_174 = tpu.memref_slice %arg13[%dma_wait3A_172, %dma_wait3A_173] : memref<50176x32xf32, #tpu.memory_space<vmem_shared>> -> memref<50176x32xf32, #tpu.memory_space<vmem_shared>>
          tpu.wait_indirect_dma semaphore(%arg20 : memref<!tpu.dma_semaphore, #tpu.memory_space<semaphore_mem>>) src(%arg11 : memref<192x32xf32, #tpu.memory_space<vmem>>) dst(%dma_wait3A_174 : memref<50176x32xf32, #tpu.memory_space<vmem_shared>>)
        } else {
        }
        %add3A_158 = arith.constant 4 : i32
        %add3A_159 = arith.addi %add3A_140, %add3A_158 : i32
        %sub3A_160 = arith.constant 1 : i32
        %sub3A_161 = arith.subi %add3A_159, %sub3A_160 : i32
        %lt3A_162 = arith.constant 12 : i32
        %lt3A_163 = arith.cmpi slt, %sub3A_161, %lt3A_162 : i32
        %convert_element_type3A_164 = arith.extui %lt3A_163 : i1 to i32
        %cond3A_165 = arith.constant 0 : i32
        %cond3A_166 = arith.cmpi ne, %convert_element_type3A_164, %cond3A_165 : i32
        scf.if %cond3A_166 {
          %add3A_167 = arith.constant 4 : i32
          %add3A_168 = arith.addi %add3A_140, %add3A_167 : i32
          %sub3A_169 = arith.constant 1 : i32
          %sub3A_170 = arith.subi %add3A_168, %sub3A_169 : i32
          %dma_start3A_171 = arith.constant 0 : i32
          %dma_start3A_172 = tpu.memref_slice %arg7[%sub3A_170, %dma_start3A_171] : memref<12x192xi32, #tpu.memory_space<vmem>> -> memref<1x192xi32, #tpu.memory_space<vmem>>
          %dma_start3A_173 = tpu.memref_squeeze %dma_start3A_172 : memref<1x192xi32, #tpu.memory_space<vmem>> -> memref<192xi32, #tpu.memory_space<vmem>>
          %dma_start3A_174 = arith.constant 0 : i32
          %dma_start3A_175 = arith.constant 0 : i32
          %dma_start3A_176 = tpu.memref_slice %arg2[%dma_start3A_174, %dma_start3A_175] : memref<100352x32xf32, #tpu.memory_space<hbm>> -> memref<100352x32xf32, #tpu.memory_space<hbm>>
          tpu.enqueue_indirect_dma source(%dma_start3A_176 : memref<100352x32xf32, #tpu.memory_space<hbm>>) target(%arg11 : memref<192x32xf32, #tpu.memory_space<vmem>>) offsets(%dma_start3A_173 : memref<192xi32, #tpu.memory_space<vmem>>) semaphore(%arg16 : memref<!tpu.dma_semaphore, #tpu.memory_space<semaphore_mem>>)
        } else {
        }
      }
      %scan3A_44 = arith.constant 3 : i32
      %dma_wait3A = arith.constant 0 : i32
      %dma_wait3A_45 = arith.constant 0 : i32
      %dma_wait3A_46 = tpu.memref_slice %arg8[%dma_wait3A, %dma_wait3A_45] : memref<12x192xi32, #tpu.memory_space<vmem>> -> memref<1x192xi32, #tpu.memory_space<vmem>>
      %dma_wait3A_47 = tpu.memref_squeeze %dma_wait3A_46 : memref<1x192xi32, #tpu.memory_space<vmem>> -> memref<192xi32, #tpu.memory_space<vmem>>
      %dma_wait3A_48 = arith.constant 0 : i32
      %dma_wait3A_49 = arith.constant 0 : i32
      %dma_wait3A_50 = tpu.memref_slice %arg13[%dma_wait3A_48, %dma_wait3A_49] : memref<50176x32xf32, #tpu.memory_space<vmem_shared>> -> memref<50176x32xf32, #tpu.memory_space<vmem_shared>>
      tpu.wait_indirect_dma semaphore(%arg21 : memref<!tpu.dma_semaphore, #tpu.memory_space<semaphore_mem>>) src(%arg12 : memref<192x32xf32, #tpu.memory_space<vmem>>) dst(%dma_wait3A_50 : memref<50176x32xf32, #tpu.memory_space<vmem_shared>>)
    }
    %scan3A_7 = arith.constant 22 : i32
    %barrier3A_8 = arith.constant 0 : index
    tpu.barrier barrier_id(%barrier3A_8)
    %mul3A_9 = arith.constant 50176 : i32
    %mul3A_10 = arith.muli %arg0, %mul3A_9 : i32
    %add3A_11 = arith.addi %mul3A_10, %mul3A_2 : i32
    "tpu.region"() ({
      %run_scoped3A = tpu.sem_alloc : memref<!tpu.dma_semaphore, #tpu.memory_space<semaphore_mem>>
      %dma_start3A = arith.constant 0 : i32
      %dma_start3A_12 = tpu.memref_slice %arg6[%add3A_11, %dma_start3A] : memref<100352x32xf32, #tpu.memory_space<hbm>> -> memref<3136x32xf32, #tpu.memory_space<hbm>>
      %dma_start3A_13 = arith.constant 0 : i32
      %dma_start3A_14 = tpu.memref_slice %arg13[%mul3A_2, %dma_start3A_13] : memref<50176x32xf32, #tpu.memory_space<vmem_shared>> -> memref<3136x32xf32, #tpu.memory_space<vmem_shared>>
      tpu.enqueue_dma source(%dma_start3A_14 : memref<3136x32xf32, #tpu.memory_space<vmem_shared>>) target(%dma_start3A_12 : memref<3136x32xf32, #tpu.memory_space<hbm>>) target_semaphore(%run_scoped3A : memref<!tpu.dma_semaphore, #tpu.memory_space<semaphore_mem>>)
      %dma_wait3A = arith.constant 0 : i32
      %dma_wait3A_15 = tpu.memref_slice %arg6[%add3A_11, %dma_wait3A] : memref<100352x32xf32, #tpu.memory_space<hbm>> -> memref<3136x32xf32, #tpu.memory_space<hbm>>
      %dma_wait3A_16 = arith.constant 0 : i32
      %dma_wait3A_17 = tpu.memref_slice %arg13[%mul3A_2, %dma_wait3A_16] : memref<50176x32xf32, #tpu.memory_space<vmem_shared>> -> memref<3136x32xf32, #tpu.memory_space<vmem_shared>>
      tpu.wait_dma2 semaphore(%run_scoped3A : memref<!tpu.dma_semaphore, #tpu.memory_space<semaphore_mem>>) src(%dma_wait3A_17 : memref<3136x32xf32, #tpu.memory_space<vmem_shared>>) dst(%dma_wait3A_15 : memref<3136x32xf32, #tpu.memory_space<hbm>>)
      tpu.yield
    }) : () -> ()
    return
  }
}

module attributes {stable_mosaic.version = 14 : i64} {
  func.func @_pre_body(%arg0: i32, %arg1: memref<392x512xf32, #tpu.memory_space<vmem>>, %arg2: memref<392x512xf32, #tpu.memory_space<vmem>>, %arg3: memref<392x512xf32, #tpu.memory_space<vmem>>, %arg4: memref<392x512xf32, #tpu.memory_space<vmem>>, %arg5: memref<512x32xf32, #tpu.memory_space<vmem>>, %arg6: memref<1x32xf32, #tpu.memory_space<vmem>>, %arg7: memref<32x64xf32, #tpu.memory_space<vmem>>, %arg8: memref<1x64xf32, #tpu.memory_space<vmem>>, %arg9: memref<2x392x128xf32, #tpu.memory_space<vmem>>) attributes {dimension_semantics = [#tpu.dimension_semantics<arbitrary>], iteration_bounds = array<i64: 32>, scalar_prefetch = 0 : i64, scratch_operands = 0 : i64, tpu.core_type = #tpu.core_type<tc>, window_params = [{transform_indices = @transform_0, window_bounds = array<i64: 392, 512>}, {transform_indices = @transform_1, window_bounds = array<i64: 392, 512>}, {transform_indices = @transform_2, window_bounds = array<i64: 392, 512>}, {transform_indices = @transform_3, window_bounds = array<i64: 392, 512>}, {pipeline_mode = #tpu.pipeline_mode<synchronous>, transform_indices = @transform_4, window_bounds = array<i64: 512, 32>}, {pipeline_mode = #tpu.pipeline_mode<synchronous>, transform_indices = @transform_5, window_bounds = array<i64: 1, 32>}, {pipeline_mode = #tpu.pipeline_mode<synchronous>, transform_indices = @transform_6, window_bounds = array<i64: 32, 64>}, {pipeline_mode = #tpu.pipeline_mode<synchronous>, transform_indices = @transform_7, window_bounds = array<i64: 1, 64>}, {transform_indices = @transform_8, window_bounds = array<i64: 2, 392, 128>}]} {
    %get3A = arith.constant 0 : index
    %get3A_0 = arith.constant 0 : index
    %get3A_1 = vector.load %arg1[%get3A, %get3A_0] : memref<392x512xf32, #tpu.memory_space<vmem>>, vector<392x512xf32>
    %get3A_2 = arith.constant 0 : index
    %get3A_3 = arith.constant 0 : index
    %get3A_4 = vector.load %arg5[%get3A_2, %get3A_3] : memref<512x32xf32, #tpu.memory_space<vmem>>, vector<512x32xf32>
    %dot_general3A = arith.constant dense<0.000000e+00> : vector<392x32xf32>
    %dot_general3A_5 = tpu.matmul %get3A_1, %get3A_4, %dot_general3A {dimension_numbers = #tpu.dot_dimension_numbers<[1], [0], [0], [1], [0, 0, 1, 1], [], []>, transpose_lhs_hint = false} : vector<392x512xf32>, vector<512x32xf32>, vector<392x32xf32> -> vector<392x32xf32>
    %get3A_6 = arith.constant 0 : index
    %get3A_7 = arith.constant 0 : index
    %get3A_8 = vector.load %arg6[%get3A_6, %get3A_7] : memref<1x32xf32, #tpu.memory_space<vmem>>, vector<1x32xf32>
    %add3A = vector.broadcast %get3A_8 : vector<1x32xf32> to vector<392x32xf32>
    %add3A_9 = arith.addf %dot_general3A_5, %add3A : vector<392x32xf32>
    %max3A = arith.constant 0.000000e+00 : f32
    %max3A_10 = vector.broadcast %max3A : f32 to vector<392x32xf32>
    %max3A_11 = arith.maximumf %add3A_9, %max3A_10 : vector<392x32xf32>
    %get3A_12 = arith.constant 0 : index
    %get3A_13 = arith.constant 0 : index
    %get3A_14 = vector.load %arg7[%get3A_12, %get3A_13] : memref<32x64xf32, #tpu.memory_space<vmem>>, vector<32x64xf32>
    %dot_general3A_15 = arith.constant dense<0.000000e+00> : vector<392x64xf32>
    %dot_general3A_16 = tpu.matmul %max3A_11, %get3A_14, %dot_general3A_15 {dimension_numbers = #tpu.dot_dimension_numbers<[1], [0], [0], [1], [0, 0, 1, 1], [], []>, transpose_lhs_hint = false} : vector<392x32xf32>, vector<32x64xf32>, vector<392x64xf32> -> vector<392x64xf32>
    %get3A_17 = arith.constant 0 : index
    %get3A_18 = arith.constant 0 : index
    %get3A_19 = vector.load %arg8[%get3A_17, %get3A_18] : memref<1x64xf32, #tpu.memory_space<vmem>>, vector<1x64xf32>
    %add3A_20 = vector.broadcast %get3A_19 : vector<1x64xf32> to vector<392x64xf32>
    %add3A_21 = arith.addf %dot_general3A_16, %add3A_20 : vector<392x64xf32>
    %max3A_22 = arith.constant 0.000000e+00 : f32
    %max3A_23 = vector.broadcast %max3A_22 : f32 to vector<392x64xf32>
    %max3A_24 = arith.maximumf %add3A_21, %max3A_23 : vector<392x64xf32>
    %get3A_25 = arith.constant 0 : index
    %get3A_26 = arith.constant 0 : index
    %get3A_27 = vector.load %arg2[%get3A_25, %get3A_26] : memref<392x512xf32, #tpu.memory_space<vmem>>, vector<392x512xf32>
    %get3A_28 = arith.constant 0 : index
    %get3A_29 = arith.constant 0 : index
    %get3A_30 = vector.load %arg5[%get3A_28, %get3A_29] : memref<512x32xf32, #tpu.memory_space<vmem>>, vector<512x32xf32>
    %dot_general3A_31 = arith.constant dense<0.000000e+00> : vector<392x32xf32>
    %dot_general3A_32 = tpu.matmul %get3A_27, %get3A_30, %dot_general3A_31 {dimension_numbers = #tpu.dot_dimension_numbers<[1], [0], [0], [1], [0, 0, 1, 1], [], []>, transpose_lhs_hint = false} : vector<392x512xf32>, vector<512x32xf32>, vector<392x32xf32> -> vector<392x32xf32>
    %get3A_33 = arith.constant 0 : index
    %get3A_34 = arith.constant 0 : index
    %get3A_35 = vector.load %arg6[%get3A_33, %get3A_34] : memref<1x32xf32, #tpu.memory_space<vmem>>, vector<1x32xf32>
    %add3A_36 = vector.broadcast %get3A_35 : vector<1x32xf32> to vector<392x32xf32>
    %add3A_37 = arith.addf %dot_general3A_32, %add3A_36 : vector<392x32xf32>
    %max3A_38 = arith.constant 0.000000e+00 : f32
    %max3A_39 = vector.broadcast %max3A_38 : f32 to vector<392x32xf32>
    %max3A_40 = arith.maximumf %add3A_37, %max3A_39 : vector<392x32xf32>
    %get3A_41 = arith.constant 0 : index
    %get3A_42 = arith.constant 0 : index
    %get3A_43 = vector.load %arg7[%get3A_41, %get3A_42] : memref<32x64xf32, #tpu.memory_space<vmem>>, vector<32x64xf32>
    %dot_general3A_44 = arith.constant dense<0.000000e+00> : vector<392x64xf32>
    %dot_general3A_45 = tpu.matmul %max3A_40, %get3A_43, %dot_general3A_44 {dimension_numbers = #tpu.dot_dimension_numbers<[1], [0], [0], [1], [0, 0, 1, 1], [], []>, transpose_lhs_hint = false} : vector<392x32xf32>, vector<32x64xf32>, vector<392x64xf32> -> vector<392x64xf32>
    %get3A_46 = arith.constant 0 : index
    %get3A_47 = arith.constant 0 : index
    %get3A_48 = vector.load %arg8[%get3A_46, %get3A_47] : memref<1x64xf32, #tpu.memory_space<vmem>>, vector<1x64xf32>
    %add3A_49 = vector.broadcast %get3A_48 : vector<1x64xf32> to vector<392x64xf32>
    %add3A_50 = arith.addf %dot_general3A_45, %add3A_49 : vector<392x64xf32>
    %max3A_51 = arith.constant 0.000000e+00 : f32
    %max3A_52 = vector.broadcast %max3A_51 : f32 to vector<392x64xf32>
    %max3A_53 = arith.maximumf %add3A_50, %max3A_52 : vector<392x64xf32>
    %get3A_54 = arith.constant 0 : index
    %get3A_55 = arith.constant 0 : index
    %get3A_56 = vector.load %arg3[%get3A_54, %get3A_55] : memref<392x512xf32, #tpu.memory_space<vmem>>, vector<392x512xf32>
    %get3A_57 = arith.constant 0 : index
    %get3A_58 = arith.constant 0 : index
    %get3A_59 = vector.load %arg5[%get3A_57, %get3A_58] : memref<512x32xf32, #tpu.memory_space<vmem>>, vector<512x32xf32>
    %dot_general3A_60 = arith.constant dense<0.000000e+00> : vector<392x32xf32>
    %dot_general3A_61 = tpu.matmul %get3A_56, %get3A_59, %dot_general3A_60 {dimension_numbers = #tpu.dot_dimension_numbers<[1], [0], [0], [1], [0, 0, 1, 1], [], []>, transpose_lhs_hint = false} : vector<392x512xf32>, vector<512x32xf32>, vector<392x32xf32> -> vector<392x32xf32>
    %get3A_62 = arith.constant 0 : index
    %get3A_63 = arith.constant 0 : index
    %get3A_64 = vector.load %arg6[%get3A_62, %get3A_63] : memref<1x32xf32, #tpu.memory_space<vmem>>, vector<1x32xf32>
    %add3A_65 = vector.broadcast %get3A_64 : vector<1x32xf32> to vector<392x32xf32>
    %add3A_66 = arith.addf %dot_general3A_61, %add3A_65 : vector<392x32xf32>
    %max3A_67 = arith.constant 0.000000e+00 : f32
    %max3A_68 = vector.broadcast %max3A_67 : f32 to vector<392x32xf32>
    %max3A_69 = arith.maximumf %add3A_66, %max3A_68 : vector<392x32xf32>
    %get3A_70 = arith.constant 0 : index
    %get3A_71 = arith.constant 0 : index
    %get3A_72 = vector.load %arg7[%get3A_70, %get3A_71] : memref<32x64xf32, #tpu.memory_space<vmem>>, vector<32x64xf32>
    %dot_general3A_73 = arith.constant dense<0.000000e+00> : vector<392x64xf32>
    %dot_general3A_74 = tpu.matmul %max3A_69, %get3A_72, %dot_general3A_73 {dimension_numbers = #tpu.dot_dimension_numbers<[1], [0], [0], [1], [0, 0, 1, 1], [], []>, transpose_lhs_hint = false} : vector<392x32xf32>, vector<32x64xf32>, vector<392x64xf32> -> vector<392x64xf32>
    %get3A_75 = arith.constant 0 : index
    %get3A_76 = arith.constant 0 : index
    %get3A_77 = vector.load %arg8[%get3A_75, %get3A_76] : memref<1x64xf32, #tpu.memory_space<vmem>>, vector<1x64xf32>
    %add3A_78 = vector.broadcast %get3A_77 : vector<1x64xf32> to vector<392x64xf32>
    %add3A_79 = arith.addf %dot_general3A_74, %add3A_78 : vector<392x64xf32>
    %max3A_80 = arith.constant 0.000000e+00 : f32
    %max3A_81 = vector.broadcast %max3A_80 : f32 to vector<392x64xf32>
    %max3A_82 = arith.maximumf %add3A_79, %max3A_81 : vector<392x64xf32>
    %get3A_83 = arith.constant 0 : index
    %get3A_84 = arith.constant 0 : index
    %get3A_85 = vector.load %arg4[%get3A_83, %get3A_84] : memref<392x512xf32, #tpu.memory_space<vmem>>, vector<392x512xf32>
    %get3A_86 = arith.constant 0 : index
    %get3A_87 = arith.constant 0 : index
    %get3A_88 = vector.load %arg5[%get3A_86, %get3A_87] : memref<512x32xf32, #tpu.memory_space<vmem>>, vector<512x32xf32>
    %dot_general3A_89 = arith.constant dense<0.000000e+00> : vector<392x32xf32>
    %dot_general3A_90 = tpu.matmul %get3A_85, %get3A_88, %dot_general3A_89 {dimension_numbers = #tpu.dot_dimension_numbers<[1], [0], [0], [1], [0, 0, 1, 1], [], []>, transpose_lhs_hint = false} : vector<392x512xf32>, vector<512x32xf32>, vector<392x32xf32> -> vector<392x32xf32>
    %get3A_91 = arith.constant 0 : index
    %get3A_92 = arith.constant 0 : index
    %get3A_93 = vector.load %arg6[%get3A_91, %get3A_92] : memref<1x32xf32, #tpu.memory_space<vmem>>, vector<1x32xf32>
    %add3A_94 = vector.broadcast %get3A_93 : vector<1x32xf32> to vector<392x32xf32>
    %add3A_95 = arith.addf %dot_general3A_90, %add3A_94 : vector<392x32xf32>
    %max3A_96 = arith.constant 0.000000e+00 : f32
    %max3A_97 = vector.broadcast %max3A_96 : f32 to vector<392x32xf32>
    %max3A_98 = arith.maximumf %add3A_95, %max3A_97 : vector<392x32xf32>
    %get3A_99 = arith.constant 0 : index
    %get3A_100 = arith.constant 0 : index
    %get3A_101 = vector.load %arg7[%get3A_99, %get3A_100] : memref<32x64xf32, #tpu.memory_space<vmem>>, vector<32x64xf32>
    %dot_general3A_102 = arith.constant dense<0.000000e+00> : vector<392x64xf32>
    %dot_general3A_103 = tpu.matmul %max3A_98, %get3A_101, %dot_general3A_102 {dimension_numbers = #tpu.dot_dimension_numbers<[1], [0], [0], [1], [0, 0, 1, 1], [], []>, transpose_lhs_hint = false} : vector<392x32xf32>, vector<32x64xf32>, vector<392x64xf32> -> vector<392x64xf32>
    %get3A_104 = arith.constant 0 : index
    %get3A_105 = arith.constant 0 : index
    %get3A_106 = vector.load %arg8[%get3A_104, %get3A_105] : memref<1x64xf32, #tpu.memory_space<vmem>>, vector<1x64xf32>
    %add3A_107 = vector.broadcast %get3A_106 : vector<1x64xf32> to vector<392x64xf32>
    %add3A_108 = arith.addf %dot_general3A_103, %add3A_107 : vector<392x64xf32>
    %max3A_109 = arith.constant 0.000000e+00 : f32
    %max3A_110 = vector.broadcast %max3A_109 : f32 to vector<392x64xf32>
    %max3A_111 = arith.maximumf %add3A_108, %max3A_110 : vector<392x64xf32>
    %iota3A = tpu.iota {dimensions = array<i32: 0>} : vector<392x64xi32>
    %mul3A = arith.constant 392 : i32
    %mul3A_112 = arith.muli %arg0, %mul3A : i32
    %add3A_113 = vector.broadcast %mul3A_112 : i32 to vector<392x64xi32>
    %add3A_114 = arith.addi %iota3A, %add3A_113 : vector<392x64xi32>
    %lt3A = arith.constant 12368 : i32
    %lt3A_115 = vector.broadcast %lt3A : i32 to vector<392x64xi32>
    %lt3A_116 = arith.cmpi slt, %add3A_114, %lt3A_115 : vector<392x64xi32>
    %jit3A = arith.constant 0.000000e+00 : f32
    %broadcast_in_dim3A = vector.broadcast %jit3A : f32 to vector<392x64xf32>
    %select_n3A = arith.select %lt3A_116, %max3A_111, %broadcast_in_dim3A : vector<392x64xi1>, vector<392x64xf32>
    %slice3A = vector.extract_strided_slice %max3A_24 {offsets = [0, 0], sizes = [392, 32], strides = [1, 1]} : vector<392x64xf32> to vector<392x32xf32>
    %slice3A_117 = vector.extract_strided_slice %max3A_53 {offsets = [0, 0], sizes = [392, 32], strides = [1, 1]} : vector<392x64xf32> to vector<392x32xf32>
    %slice3A_118 = vector.extract_strided_slice %max3A_82 {offsets = [0, 0], sizes = [392, 32], strides = [1, 1]} : vector<392x64xf32> to vector<392x32xf32>
    %slice3A_119 = vector.extract_strided_slice %select_n3A {offsets = [0, 0], sizes = [392, 32], strides = [1, 1]} : vector<392x64xf32> to vector<392x32xf32>
    %concatenate3A = tpu.concatenate %slice3A, %slice3A_117, %slice3A_118, %slice3A_119 in 1 : vector<392x32xf32>, vector<392x32xf32>, vector<392x32xf32>, vector<392x32xf32> -> vector<392x128xf32>
    %swap3A = arith.constant 0 : index
    %swap3A_120 = arith.constant 0 : index
    %swap3A_121 = arith.constant 0 : index
    %swap3A_122 = vector.load %arg9[%swap3A, %swap3A_120, %swap3A_121] : memref<2x392x128xf32, #tpu.memory_space<vmem>>, vector<1x392x128xf32>
    %swap3A_123 = vector.shape_cast %swap3A_122 : vector<1x392x128xf32> to vector<392x128xf32>
    %swap3A_124 = vector.shape_cast %concatenate3A : vector<392x128xf32> to vector<1x392x128xf32>
    tpu.vector_store %arg9[%swap3A, %swap3A_120, %swap3A_121], %swap3A_124 {strides = array<i32>} : memref<2x392x128xf32, #tpu.memory_space<vmem>>, vector<1x392x128xf32>,
    %slice3A_125 = vector.extract_strided_slice %max3A_24 {offsets = [0, 32], sizes = [392, 32], strides = [1, 1]} : vector<392x64xf32> to vector<392x32xf32>
    %slice3A_126 = vector.extract_strided_slice %max3A_53 {offsets = [0, 32], sizes = [392, 32], strides = [1, 1]} : vector<392x64xf32> to vector<392x32xf32>
    %slice3A_127 = vector.extract_strided_slice %max3A_82 {offsets = [0, 32], sizes = [392, 32], strides = [1, 1]} : vector<392x64xf32> to vector<392x32xf32>
    %slice3A_128 = vector.extract_strided_slice %select_n3A {offsets = [0, 32], sizes = [392, 32], strides = [1, 1]} : vector<392x64xf32> to vector<392x32xf32>
    %concatenate3A_129 = tpu.concatenate %slice3A_125, %slice3A_126, %slice3A_127, %slice3A_128 in 1 : vector<392x32xf32>, vector<392x32xf32>, vector<392x32xf32>, vector<392x32xf32> -> vector<392x128xf32>
    %swap3A_130 = arith.constant 1 : index
    %swap3A_131 = arith.constant 0 : index
    %swap3A_132 = arith.constant 0 : index
    %swap3A_133 = vector.load %arg9[%swap3A_130, %swap3A_131, %swap3A_132] : memref<2x392x128xf32, #tpu.memory_space<vmem>>, vector<1x392x128xf32>
    %swap3A_134 = vector.shape_cast %swap3A_133 : vector<1x392x128xf32> to vector<392x128xf32>
    %swap3A_135 = vector.shape_cast %concatenate3A_129 : vector<392x128xf32> to vector<1x392x128xf32>
    tpu.vector_store %arg9[%swap3A_130, %swap3A_131, %swap3A_132], %swap3A_135 {strides = array<i32>} : memref<2x392x128xf32, #tpu.memory_space<vmem>>, vector<1x392x128xf32>,
    return
  }
  func.func @transform_0(%arg0: i32) -> (i32, i32) {
    %c0_i32 = arith.constant 0 : i32
    %c0_i32_0 = arith.constant 0 : i32
    return %arg0, %c0_i32 : i32, i32
  }
  func.func @transform_1(%arg0: i32) -> (i32, i32) {
    %add3A = arith.constant 32 : i32
    %add3A_0 = arith.addi %arg0, %add3A : i32
    %c0_i32 = arith.constant 0 : i32
    %c0_i32_1 = arith.constant 0 : i32
    return %add3A_0, %c0_i32 : i32, i32
  }
  func.func @transform_2(%arg0: i32) -> (i32, i32) {
    %add3A = arith.constant 64 : i32
    %add3A_0 = arith.addi %arg0, %add3A : i32
    %c0_i32 = arith.constant 0 : i32
    %c0_i32_1 = arith.constant 0 : i32
    return %add3A_0, %c0_i32 : i32, i32
  }
  func.func @transform_3(%arg0: i32) -> (i32, i32) {
    %add3A = arith.constant 96 : i32
    %add3A_0 = arith.addi %arg0, %add3A : i32
    %c0_i32 = arith.constant 0 : i32
    %c0_i32_1 = arith.constant 0 : i32
    return %add3A_0, %c0_i32 : i32, i32
  }
  func.func @transform_4(%arg0: i32) -> (i32, i32) {
    %c0_i32 = arith.constant 0 : i32
    %c0_i32_0 = arith.constant 0 : i32
    %c0_i32_1 = arith.constant 0 : i32
    return %c0_i32, %c0_i32_0 : i32, i32
  }
  func.func @transform_5(%arg0: i32) -> (i32, i32) {
    %c0_i32 = arith.constant 0 : i32
    %c0_i32_0 = arith.constant 0 : i32
    %c0_i32_1 = arith.constant 0 : i32
    return %c0_i32, %c0_i32_0 : i32, i32
  }
  func.func @transform_6(%arg0: i32) -> (i32, i32) {
    %c0_i32 = arith.constant 0 : i32
    %c0_i32_0 = arith.constant 0 : i32
    %c0_i32_1 = arith.constant 0 : i32
    return %c0_i32, %c0_i32_0 : i32, i32
  }
  func.func @transform_7(%arg0: i32) -> (i32, i32) {
    %c0_i32 = arith.constant 0 : i32
    %c0_i32_0 = arith.constant 0 : i32
    %c0_i32_1 = arith.constant 0 : i32
    return %c0_i32, %c0_i32_0 : i32, i32
  }
  func.func @transform_8(%arg0: i32) -> (i32, i32, i32) {
    %c0_i32 = arith.constant 0 : i32
    %c0_i32_0 = arith.constant 0 : i32
    %c0_i32_1 = arith.constant 0 : i32
    return %c0_i32, %arg0, %c0_i32_0 : i32, i32, i32
  }
}

module attributes {stable_mosaic.version = 14 : i64} {
  func.func @_gin0_body(%arg0: i32, %arg1: memref<2x392x128xf32, #tpu.memory_space<vmem>>, %arg2: memref<2x392x128xf32, #tpu.memory_space<vmem>>, %arg3: memref<128x256xf32, #tpu.memory_space<vmem>>, %arg4: memref<128x256xf32, #tpu.memory_space<vmem>>, %arg5: memref<1x256xf32, #tpu.memory_space<vmem>>, %arg6: memref<1x256xf32, #tpu.memory_space<vmem>>, %arg7: memref<256x128xf32, #tpu.memory_space<vmem>>, %arg8: memref<256x128xf32, #tpu.memory_space<vmem>>, %arg9: memref<1x128xf32, #tpu.memory_space<vmem>>, %arg10: memref<1x128xf32, #tpu.memory_space<vmem>>, %arg11: memref<2x392x128xf32, #tpu.memory_space<vmem>>) attributes {dimension_semantics = [#tpu.dimension_semantics<arbitrary>], iteration_bounds = array<i64: 32>, scalar_prefetch = 0 : i64, scratch_operands = 0 : i64, tpu.core_type = #tpu.core_type<tc>, window_params = [{transform_indices = @transform_0, window_bounds = array<i64: 2, 392, 128>}, {transform_indices = @transform_1, window_bounds = array<i64: 2, 392, 128>}, {pipeline_mode = #tpu.pipeline_mode<synchronous>, transform_indices = @transform_2, window_bounds = array<i64: 128, 256>}, {pipeline_mode = #tpu.pipeline_mode<synchronous>, transform_indices = @transform_3, window_bounds = array<i64: 128, 256>}, {pipeline_mode = #tpu.pipeline_mode<synchronous>, transform_indices = @transform_4, window_bounds = array<i64: 1, 256>}, {pipeline_mode = #tpu.pipeline_mode<synchronous>, transform_indices = @transform_5, window_bounds = array<i64: 1, 256>}, {pipeline_mode = #tpu.pipeline_mode<synchronous>, transform_indices = @transform_6, window_bounds = array<i64: 256, 128>}, {pipeline_mode = #tpu.pipeline_mode<synchronous>, transform_indices = @transform_7, window_bounds = array<i64: 256, 128>}, {pipeline_mode = #tpu.pipeline_mode<synchronous>, transform_indices = @transform_8, window_bounds = array<i64: 1, 128>}, {pipeline_mode = #tpu.pipeline_mode<synchronous>, transform_indices = @transform_9, window_bounds = array<i64: 1, 128>}, {transform_indices = @transform_10, window_bounds = array<i64: 2, 392, 128>}]} {
    %get3A = arith.constant 0 : index
    %get3A_0 = arith.constant 0 : index
    %get3A_1 = arith.constant 0 : index
    %get3A_2 = vector.load %arg1[%get3A, %get3A_0, %get3A_1] : memref<2x392x128xf32, #tpu.memory_space<vmem>>, vector<1x392x128xf32>
    %get3A_3 = vector.shape_cast %get3A_2 : vector<1x392x128xf32> to vector<392x128xf32>
    %get3A_4 = arith.constant 1 : index
    %get3A_5 = arith.constant 0 : index
    %get3A_6 = arith.constant 0 : index
    %get3A_7 = vector.load %arg1[%get3A_4, %get3A_5, %get3A_6] : memref<2x392x128xf32, #tpu.memory_space<vmem>>, vector<1x392x128xf32>
    %get3A_8 = vector.shape_cast %get3A_7 : vector<1x392x128xf32> to vector<392x128xf32>
    %get3A_9 = arith.constant 0 : index
    %get3A_10 = arith.constant 0 : index
    %get3A_11 = arith.constant 0 : index
    %get3A_12 = vector.load %arg2[%get3A_9, %get3A_10, %get3A_11] : memref<2x392x128xf32, #tpu.memory_space<vmem>>, vector<1x392x128xf32>
    %get3A_13 = vector.shape_cast %get3A_12 : vector<1x392x128xf32> to vector<392x128xf32>
    %get3A_14 = arith.constant 1 : index
    %get3A_15 = arith.constant 0 : index
    %get3A_16 = arith.constant 0 : index
    %get3A_17 = vector.load %arg2[%get3A_14, %get3A_15, %get3A_16] : memref<2x392x128xf32, #tpu.memory_space<vmem>>, vector<1x392x128xf32>
    %get3A_18 = vector.shape_cast %get3A_17 : vector<1x392x128xf32> to vector<392x128xf32>
    %add3A = arith.addf %get3A_3, %get3A_13 : vector<392x128xf32>
    %add3A_19 = arith.addf %get3A_8, %get3A_18 : vector<392x128xf32>
    %get3A_20 = arith.constant 0 : index
    %get3A_21 = arith.constant 0 : index
    %get3A_22 = vector.load %arg3[%get3A_20, %get3A_21] : memref<128x256xf32, #tpu.memory_space<vmem>>, vector<128x256xf32>
    %dot_general3A = arith.constant dense<0.000000e+00> : vector<392x256xf32>
    %dot_general3A_23 = tpu.matmul %add3A, %get3A_22, %dot_general3A {dimension_numbers = #tpu.dot_dimension_numbers<[1], [0], [0], [1], [0, 0, 1, 1], [], []>, transpose_lhs_hint = false} : vector<392x128xf32>, vector<128x256xf32>, vector<392x256xf32> -> vector<392x256xf32>
    %get3A_24 = arith.constant 0 : index
    %get3A_25 = arith.constant 0 : index
    %get3A_26 = vector.load %arg4[%get3A_24, %get3A_25] : memref<128x256xf32, #tpu.memory_space<vmem>>, vector<128x256xf32>
    %dot_general3A_27 = arith.constant dense<0.000000e+00> : vector<392x256xf32>
    %dot_general3A_28 = tpu.matmul %add3A_19, %get3A_26, %dot_general3A_27 {dimension_numbers = #tpu.dot_dimension_numbers<[1], [0], [0], [1], [0, 0, 1, 1], [], []>, transpose_lhs_hint = false} : vector<392x128xf32>, vector<128x256xf32>, vector<392x256xf32> -> vector<392x256xf32>
    %add3A_29 = arith.addf %dot_general3A_23, %dot_general3A_28 : vector<392x256xf32>
    %get3A_30 = arith.constant 0 : index
    %get3A_31 = arith.constant 0 : index
    %get3A_32 = vector.load %arg5[%get3A_30, %get3A_31] : memref<1x256xf32, #tpu.memory_space<vmem>>, vector<1x256xf32>
    %mul3A = vector.broadcast %get3A_32 : vector<1x256xf32> to vector<392x256xf32>
    %mul3A_33 = arith.mulf %add3A_29, %mul3A : vector<392x256xf32>
    %get3A_34 = arith.constant 0 : index
    %get3A_35 = arith.constant 0 : index
    %get3A_36 = vector.load %arg6[%get3A_34, %get3A_35] : memref<1x256xf32, #tpu.memory_space<vmem>>, vector<1x256xf32>
    %add3A_37 = vector.broadcast %get3A_36 : vector<1x256xf32> to vector<392x256xf32>
    %add3A_38 = arith.addf %mul3A_33, %add3A_37 : vector<392x256xf32>
    %max3A = arith.constant 0.000000e+00 : f32
    %max3A_39 = vector.broadcast %max3A : f32 to vector<392x256xf32>
    %max3A_40 = arith.maximumf %add3A_38, %max3A_39 : vector<392x256xf32>
    %get3A_41 = arith.constant 0 : index
    %get3A_42 = arith.constant 0 : index
    %get3A_43 = vector.load %arg7[%get3A_41, %get3A_42] : memref<256x128xf32, #tpu.memory_space<vmem>>, vector<256x128xf32>
    %dot_general3A_44 = arith.constant dense<0.000000e+00> : vector<392x128xf32>
    %dot_general3A_45 = tpu.matmul %max3A_40, %get3A_43, %dot_general3A_44 {dimension_numbers = #tpu.dot_dimension_numbers<[1], [0], [0], [1], [0, 0, 1, 1], [], []>, transpose_lhs_hint = false} : vector<392x256xf32>, vector<256x128xf32>, vector<392x128xf32> -> vector<392x128xf32>
    %get3A_46 = arith.constant 0 : index
    %get3A_47 = arith.constant 0 : index
    %get3A_48 = vector.load %arg9[%get3A_46, %get3A_47] : memref<1x128xf32, #tpu.memory_space<vmem>>, vector<1x128xf32>
    %add3A_49 = vector.broadcast %get3A_48 : vector<1x128xf32> to vector<392x128xf32>
    %add3A_50 = arith.addf %dot_general3A_45, %add3A_49 : vector<392x128xf32>
    %add3A_51 = arith.addf %add3A_50, %get3A_3 : vector<392x128xf32>
    %get3A_52 = arith.constant 0 : index
    %get3A_53 = arith.constant 0 : index
    %get3A_54 = vector.load %arg8[%get3A_52, %get3A_53] : memref<256x128xf32, #tpu.memory_space<vmem>>, vector<256x128xf32>
    %dot_general3A_55 = arith.constant dense<0.000000e+00> : vector<392x128xf32>
    %dot_general3A_56 = tpu.matmul %max3A_40, %get3A_54, %dot_general3A_55 {dimension_numbers = #tpu.dot_dimension_numbers<[1], [0], [0], [1], [0, 0, 1, 1], [], []>, transpose_lhs_hint = false} : vector<392x256xf32>, vector<256x128xf32>, vector<392x128xf32> -> vector<392x128xf32>
    %get3A_57 = arith.constant 0 : index
    %get3A_58 = arith.constant 0 : index
    %get3A_59 = vector.load %arg10[%get3A_57, %get3A_58] : memref<1x128xf32, #tpu.memory_space<vmem>>, vector<1x128xf32>
    %add3A_60 = vector.broadcast %get3A_59 : vector<1x128xf32> to vector<392x128xf32>
    %add3A_61 = arith.addf %dot_general3A_56, %add3A_60 : vector<392x128xf32>
    %add3A_62 = arith.addf %add3A_61, %get3A_8 : vector<392x128xf32>
    %swap3A = arith.constant 0 : index
    %swap3A_63 = arith.constant 0 : index
    %swap3A_64 = arith.constant 0 : index
    %swap3A_65 = vector.load %arg11[%swap3A, %swap3A_63, %swap3A_64] : memref<2x392x128xf32, #tpu.memory_space<vmem>>, vector<1x392x128xf32>
    %swap3A_66 = vector.shape_cast %swap3A_65 : vector<1x392x128xf32> to vector<392x128xf32>
    %swap3A_67 = vector.shape_cast %add3A_51 : vector<392x128xf32> to vector<1x392x128xf32>
    tpu.vector_store %arg11[%swap3A, %swap3A_63, %swap3A_64], %swap3A_67 {strides = array<i32>} : memref<2x392x128xf32, #tpu.memory_space<vmem>>, vector<1x392x128xf32>,
    %swap3A_68 = arith.constant 1 : index
    %swap3A_69 = arith.constant 0 : index
    %swap3A_70 = arith.constant 0 : index
    %swap3A_71 = vector.load %arg11[%swap3A_68, %swap3A_69, %swap3A_70] : memref<2x392x128xf32, #tpu.memory_space<vmem>>, vector<1x392x128xf32>
    %swap3A_72 = vector.shape_cast %swap3A_71 : vector<1x392x128xf32> to vector<392x128xf32>
    %swap3A_73 = vector.shape_cast %add3A_62 : vector<392x128xf32> to vector<1x392x128xf32>
    tpu.vector_store %arg11[%swap3A_68, %swap3A_69, %swap3A_70], %swap3A_73 {strides = array<i32>} : memref<2x392x128xf32, #tpu.memory_space<vmem>>, vector<1x392x128xf32>,
    return
  }
  func.func @transform_0(%arg0: i32) -> (i32, i32, i32) {
    %c0_i32 = arith.constant 0 : i32
    %c0_i32_0 = arith.constant 0 : i32
    %c0_i32_1 = arith.constant 0 : i32
    return %c0_i32, %arg0, %c0_i32_0 : i32, i32, i32
  }
  func.func @transform_1(%arg0: i32) -> (i32, i32, i32) {
    %c0_i32 = arith.constant 0 : i32
    %c0_i32_0 = arith.constant 0 : i32
    %c0_i32_1 = arith.constant 0 : i32
    return %c0_i32, %arg0, %c0_i32_0 : i32, i32, i32
  }
  func.func @transform_2(%arg0: i32) -> (i32, i32) {
    %c0_i32 = arith.constant 0 : i32
    %c0_i32_0 = arith.constant 0 : i32
    %c0_i32_1 = arith.constant 0 : i32
    return %c0_i32, %c0_i32_0 : i32, i32
  }
  func.func @transform_3(%arg0: i32) -> (i32, i32) {
    %c0_i32 = arith.constant 0 : i32
    %c0_i32_0 = arith.constant 0 : i32
    %c0_i32_1 = arith.constant 0 : i32
    return %c0_i32, %c0_i32_0 : i32, i32
  }
  func.func @transform_4(%arg0: i32) -> (i32, i32) {
    %c0_i32 = arith.constant 0 : i32
    %c0_i32_0 = arith.constant 0 : i32
    %c0_i32_1 = arith.constant 0 : i32
    return %c0_i32, %c0_i32_0 : i32, i32
  }
  func.func @transform_5(%arg0: i32) -> (i32, i32) {
    %c0_i32 = arith.constant 0 : i32
    %c0_i32_0 = arith.constant 0 : i32
    %c0_i32_1 = arith.constant 0 : i32
    return %c0_i32, %c0_i32_0 : i32, i32
  }
  func.func @transform_6(%arg0: i32) -> (i32, i32) {
    %c0_i32 = arith.constant 0 : i32
    %c0_i32_0 = arith.constant 0 : i32
    %c0_i32_1 = arith.constant 0 : i32
    return %c0_i32, %c0_i32_0 : i32, i32
  }
  func.func @transform_7(%arg0: i32) -> (i32, i32) {
    %c0_i32 = arith.constant 0 : i32
    %c0_i32_0 = arith.constant 0 : i32
    %c0_i32_1 = arith.constant 0 : i32
    return %c0_i32, %c0_i32_0 : i32, i32
  }
  func.func @transform_8(%arg0: i32) -> (i32, i32) {
    %c0_i32 = arith.constant 0 : i32
    %c0_i32_0 = arith.constant 0 : i32
    %c0_i32_1 = arith.constant 0 : i32
    return %c0_i32, %c0_i32_0 : i32, i32
  }
  func.func @transform_9(%arg0: i32) -> (i32, i32) {
    %c0_i32 = arith.constant 0 : i32
    %c0_i32_0 = arith.constant 0 : i32
    %c0_i32_1 = arith.constant 0 : i32
    return %c0_i32, %c0_i32_0 : i32, i32
  }
  func.func @transform_10(%arg0: i32) -> (i32, i32, i32) {
    %c0_i32 = arith.constant 0 : i32
    %c0_i32_0 = arith.constant 0 : i32
    %c0_i32_1 = arith.constant 0 : i32
    return %c0_i32, %arg0, %c0_i32_0 : i32, i32, i32
  }
}

module attributes {stable_mosaic.version = 14 : i64} {
  func.func @_fin_body(%arg0: i32, %arg1: memref<2x392x128xf32, #tpu.memory_space<vmem>>, %arg2: memref<2x392x128xf32, #tpu.memory_space<vmem>>, %arg3: memref<2x392x128xf32, #tpu.memory_space<vmem>>, %arg4: memref<1x1x392xi32, #tpu.memory_space<vmem>>, %arg5: memref<1x1x392xi32, #tpu.memory_space<vmem>>, %arg6: memref<1x1x392xi32, #tpu.memory_space<vmem>>, %arg7: memref<1x1x392xi32, #tpu.memory_space<vmem>>, %arg8: memref<128x256xf32, #tpu.memory_space<vmem>>, %arg9: memref<128x256xf32, #tpu.memory_space<vmem>>, %arg10: memref<1x256xf32, #tpu.memory_space<vmem>>, %arg11: memref<1x256xf32, #tpu.memory_space<vmem>>, %arg12: memref<256x128xf32, #tpu.memory_space<vmem>>, %arg13: memref<256x128xf32, #tpu.memory_space<vmem>>, %arg14: memref<1x128xf32, #tpu.memory_space<vmem>>, %arg15: memref<1x128xf32, #tpu.memory_space<vmem>>, %arg16: memref<64x32xf32, #tpu.memory_space<vmem>>, %arg17: memref<1x32xf32, #tpu.memory_space<vmem>>, %arg18: memref<32x7xf32, #tpu.memory_space<vmem>>, %arg19: memref<1x7xf32, #tpu.memory_space<vmem>>, %arg20: memref<512x7xf32, #tpu.memory_space<vmem>>, %arg21: memref<512x128xf32, #tpu.memory_space<vmem>>) attributes {dimension_semantics = [#tpu.dimension_semantics<arbitrary>], iteration_bounds = array<i64: 32>, scalar_prefetch = 0 : i64, scratch_operands = 1 : i64, tpu.core_type = #tpu.core_type<tc>, window_params = [{transform_indices = @transform_0, window_bounds = array<i64: 2, 392, 128>}, {transform_indices = @transform_1, window_bounds = array<i64: 2, 392, 128>}, {transform_indices = @transform_2, window_bounds = array<i64: 2, 392, 128>}, {transform_indices = @transform_3, window_bounds = array<i64: 1, 1, 392>}, {transform_indices = @transform_4, window_bounds = array<i64: 1, 1, 392>}, {transform_indices = @transform_5, window_bounds = array<i64: 1, 1, 392>}, {transform_indices = @transform_6, window_bounds = array<i64: 1, 1, 392>}, {pipeline_mode = #tpu.pipeline_mode<synchronous>, transform_indices = @transform_7, window_bounds = array<i64: 128, 256>}, {pipeline_mode = #tpu.pipeline_mode<synchronous>, transform_indices = @transform_8, window_bounds = array<i64: 128, 256>}, {pipeline_mode = #tpu.pipeline_mode<synchronous>, transform_indices = @transform_9, window_bounds = array<i64: 1, 256>}, {pipeline_mode = #tpu.pipeline_mode<synchronous>, transform_indices = @transform_10, window_bounds = array<i64: 1, 256>}, {pipeline_mode = #tpu.pipeline_mode<synchronous>, transform_indices = @transform_11, window_bounds = array<i64: 256, 128>}, {pipeline_mode = #tpu.pipeline_mode<synchronous>, transform_indices = @transform_12, window_bounds = array<i64: 256, 128>}, {pipeline_mode = #tpu.pipeline_mode<synchronous>, transform_indices = @transform_13, window_bounds = array<i64: 1, 128>}, {pipeline_mode = #tpu.pipeline_mode<synchronous>, transform_indices = @transform_14, window_bounds = array<i64: 1, 128>}, {pipeline_mode = #tpu.pipeline_mode<synchronous>, transform_indices = @transform_15, window_bounds = array<i64: 64, 32>}, {pipeline_mode = #tpu.pipeline_mode<synchronous>, transform_indices = @transform_16, window_bounds = array<i64: 1, 32>}, {pipeline_mode = #tpu.pipeline_mode<synchronous>, transform_indices = @transform_17, window_bounds = array<i64: 32, 7>}, {pipeline_mode = #tpu.pipeline_mode<synchronous>, transform_indices = @transform_18, window_bounds = array<i64: 1, 7>}, {pipeline_mode = #tpu.pipeline_mode<synchronous>, transform_indices = @transform_19, window_bounds = array<i64: 512, 7>}]} {
    %get3A = arith.constant 0 : index
    %get3A_0 = arith.constant 0 : index
    %get3A_1 = arith.constant 0 : index
    %get3A_2 = vector.load %arg2[%get3A, %get3A_0, %get3A_1] : memref<2x392x128xf32, #tpu.memory_space<vmem>>, vector<1x392x128xf32>
    %get3A_3 = vector.shape_cast %get3A_2 : vector<1x392x128xf32> to vector<392x128xf32>
    %get3A_4 = arith.constant 1 : index
    %get3A_5 = arith.constant 0 : index
    %get3A_6 = arith.constant 0 : index
    %get3A_7 = vector.load %arg2[%get3A_4, %get3A_5, %get3A_6] : memref<2x392x128xf32, #tpu.memory_space<vmem>>, vector<1x392x128xf32>
    %get3A_8 = vector.shape_cast %get3A_7 : vector<1x392x128xf32> to vector<392x128xf32>
    %get3A_9 = arith.constant 0 : index
    %get3A_10 = arith.constant 0 : index
    %get3A_11 = arith.constant 0 : index
    %get3A_12 = vector.load %arg3[%get3A_9, %get3A_10, %get3A_11] : memref<2x392x128xf32, #tpu.memory_space<vmem>>, vector<1x392x128xf32>
    %get3A_13 = vector.shape_cast %get3A_12 : vector<1x392x128xf32> to vector<392x128xf32>
    %get3A_14 = arith.constant 1 : index
    %get3A_15 = arith.constant 0 : index
    %get3A_16 = arith.constant 0 : index
    %get3A_17 = vector.load %arg3[%get3A_14, %get3A_15, %get3A_16] : memref<2x392x128xf32, #tpu.memory_space<vmem>>, vector<1x392x128xf32>
    %get3A_18 = vector.shape_cast %get3A_17 : vector<1x392x128xf32> to vector<392x128xf32>
    %add3A = arith.addf %get3A_3, %get3A_13 : vector<392x128xf32>
    %add3A_19 = arith.addf %get3A_8, %get3A_18 : vector<392x128xf32>
    %get3A_20 = arith.constant 0 : index
    %get3A_21 = arith.constant 0 : index
    %get3A_22 = vector.load %arg8[%get3A_20, %get3A_21] : memref<128x256xf32, #tpu.memory_space<vmem>>, vector<128x256xf32>
    %dot_general3A = arith.constant dense<0.000000e+00> : vector<392x256xf32>
    %dot_general3A_23 = tpu.matmul %add3A, %get3A_22, %dot_general3A {dimension_numbers = #tpu.dot_dimension_numbers<[1], [0], [0], [1], [0, 0, 1, 1], [], []>, transpose_lhs_hint = false} : vector<392x128xf32>, vector<128x256xf32>, vector<392x256xf32> -> vector<392x256xf32>
    %get3A_24 = arith.constant 0 : index
    %get3A_25 = arith.constant 0 : index
    %get3A_26 = vector.load %arg9[%get3A_24, %get3A_25] : memref<128x256xf32, #tpu.memory_space<vmem>>, vector<128x256xf32>
    %dot_general3A_27 = arith.constant dense<0.000000e+00> : vector<392x256xf32>
    %dot_general3A_28 = tpu.matmul %add3A_19, %get3A_26, %dot_general3A_27 {dimension_numbers = #tpu.dot_dimension_numbers<[1], [0], [0], [1], [0, 0, 1, 1], [], []>, transpose_lhs_hint = false} : vector<392x128xf32>, vector<128x256xf32>, vector<392x256xf32> -> vector<392x256xf32>
    %add3A_29 = arith.addf %dot_general3A_23, %dot_general3A_28 : vector<392x256xf32>
    %get3A_30 = arith.constant 0 : index
    %get3A_31 = arith.constant 0 : index
    %get3A_32 = vector.load %arg10[%get3A_30, %get3A_31] : memref<1x256xf32, #tpu.memory_space<vmem>>, vector<1x256xf32>
    %mul3A = vector.broadcast %get3A_32 : vector<1x256xf32> to vector<392x256xf32>
    %mul3A_33 = arith.mulf %add3A_29, %mul3A : vector<392x256xf32>
    %get3A_34 = arith.constant 0 : index
    %get3A_35 = arith.constant 0 : index
    %get3A_36 = vector.load %arg11[%get3A_34, %get3A_35] : memref<1x256xf32, #tpu.memory_space<vmem>>, vector<1x256xf32>
    %add3A_37 = vector.broadcast %get3A_36 : vector<1x256xf32> to vector<392x256xf32>
    %add3A_38 = arith.addf %mul3A_33, %add3A_37 : vector<392x256xf32>
    %max3A = arith.constant 0.000000e+00 : f32
    %max3A_39 = vector.broadcast %max3A : f32 to vector<392x256xf32>
    %max3A_40 = arith.maximumf %add3A_38, %max3A_39 : vector<392x256xf32>
    %get3A_41 = arith.constant 0 : index
    %get3A_42 = arith.constant 0 : index
    %get3A_43 = vector.load %arg12[%get3A_41, %get3A_42] : memref<256x128xf32, #tpu.memory_space<vmem>>, vector<256x128xf32>
    %dot_general3A_44 = arith.constant dense<0.000000e+00> : vector<392x128xf32>
    %dot_general3A_45 = tpu.matmul %max3A_40, %get3A_43, %dot_general3A_44 {dimension_numbers = #tpu.dot_dimension_numbers<[1], [0], [0], [1], [0, 0, 1, 1], [], []>, transpose_lhs_hint = false} : vector<392x256xf32>, vector<256x128xf32>, vector<392x128xf32> -> vector<392x128xf32>
    %get3A_46 = arith.constant 0 : index
    %get3A_47 = arith.constant 0 : index
    %get3A_48 = vector.load %arg14[%get3A_46, %get3A_47] : memref<1x128xf32, #tpu.memory_space<vmem>>, vector<1x128xf32>
    %add3A_49 = vector.broadcast %get3A_48 : vector<1x128xf32> to vector<392x128xf32>
    %add3A_50 = arith.addf %dot_general3A_45, %add3A_49 : vector<392x128xf32>
    %add3A_51 = arith.addf %add3A_50, %get3A_3 : vector<392x128xf32>
    %get3A_52 = arith.constant 0 : index
    %get3A_53 = arith.constant 0 : index
    %get3A_54 = vector.load %arg13[%get3A_52, %get3A_53] : memref<256x128xf32, #tpu.memory_space<vmem>>, vector<256x128xf32>
    %dot_general3A_55 = arith.constant dense<0.000000e+00> : vector<392x128xf32>
    %dot_general3A_56 = tpu.matmul %max3A_40, %get3A_54, %dot_general3A_55 {dimension_numbers = #tpu.dot_dimension_numbers<[1], [0], [0], [1], [0, 0, 1, 1], [], []>, transpose_lhs_hint = false} : vector<392x256xf32>, vector<256x128xf32>, vector<392x128xf32> -> vector<392x128xf32>
    %get3A_57 = arith.constant 0 : index
    %get3A_58 = arith.constant 0 : index
    %get3A_59 = vector.load %arg15[%get3A_57, %get3A_58] : memref<1x128xf32, #tpu.memory_space<vmem>>, vector<1x128xf32>
    %add3A_60 = vector.broadcast %get3A_59 : vector<1x128xf32> to vector<392x128xf32>
    %add3A_61 = arith.addf %dot_general3A_56, %add3A_60 : vector<392x128xf32>
    %add3A_62 = arith.addf %add3A_61, %get3A_8 : vector<392x128xf32>
    %get3A_63 = arith.constant 0 : index
    %get3A_64 = arith.constant 0 : index
    %get3A_65 = arith.constant 0 : index
    %get3A_66 = vector.load %arg1[%get3A_63, %get3A_64, %get3A_65] : memref<2x392x128xf32, #tpu.memory_space<vmem>>, vector<1x392x128xf32>
    %get3A_67 = vector.shape_cast %get3A_66 : vector<1x392x128xf32> to vector<392x128xf32>
    %add3A_68 = arith.addf %add3A_51, %get3A_67 : vector<392x128xf32>
    %get3A_69 = arith.constant 1 : index
    %get3A_70 = arith.constant 0 : index
    %get3A_71 = arith.constant 0 : index
    %get3A_72 = vector.load %arg1[%get3A_69, %get3A_70, %get3A_71] : memref<2x392x128xf32, #tpu.memory_space<vmem>>, vector<1x392x128xf32>
    %get3A_73 = vector.shape_cast %get3A_72 : vector<1x392x128xf32> to vector<392x128xf32>
    %add3A_74 = arith.addf %add3A_62, %get3A_73 : vector<392x128xf32>
    %broadcast_in_dim3A = arith.constant 1.000000e+00 : f32
    %broadcast_in_dim3A_75 = vector.broadcast %broadcast_in_dim3A : f32 to vector<392x1xf32>
    %broadcast_in_dim3A_76 = arith.constant 0.000000e+00 : f32
    %broadcast_in_dim3A_77 = vector.broadcast %broadcast_in_dim3A_76 : f32 to vector<392x63xf32>
    %iota3A = tpu.iota {dimensions = array<i32: 0>} : vector<512x392xi32>
    %broadcast_in_dim3A_78 = arith.constant 0.000000e+00 : f32
    %broadcast_in_dim3A_79 = vector.broadcast %broadcast_in_dim3A_78 : f32 to vector<512x128xf32>
    %get3A_80 = arith.constant 0 : index
    %get3A_81 = arith.constant 0 : index
    %get3A_82 = arith.constant 0 : index
    %get3A_83 = vector.load %arg4[%get3A_80, %get3A_81, %get3A_82] : memref<1x1x392xi32, #tpu.memory_space<vmem>>, vector<1x1x392xi32>
    %get3A_84 = vector.shape_cast %get3A_83 : vector<1x1x392xi32> to vector<1x392xi32>
    %eq3A = vector.broadcast %get3A_84 : vector<1x392xi32> to vector<512x392xi32>
    %eq3A_85 = arith.cmpi eq, %iota3A, %eq3A : vector<512x392xi32>
    %convert_element_type3A = arith.extui %eq3A_85 : vector<512x392xi1> to vector<512x392xi32>
    %convert_element_type3A_86 = arith.sitofp %convert_element_type3A : vector<512x392xi32> to vector<512x392xf32>
    %slice3A = vector.extract_strided_slice %add3A_68 {offsets = [0, 0], sizes = [392, 32], strides = [1, 1]} : vector<392x128xf32> to vector<392x32xf32>
    %slice3A_87 = vector.extract_strided_slice %add3A_74 {offsets = [0, 0], sizes = [392, 32], strides = [1, 1]} : vector<392x128xf32> to vector<392x32xf32>
    %concatenate3A = tpu.concatenate %slice3A, %slice3A_87, %broadcast_in_dim3A_75, %broadcast_in_dim3A_77 in 1 : vector<392x32xf32>, vector<392x32xf32>, vector<392x1xf32>, vector<392x63xf32> -> vector<392x128xf32>
    %dot_general3A_88 = arith.constant dense<0.000000e+00> : vector<512x128xf32>
    %dot_general3A_89 = tpu.matmul %convert_element_type3A_86, %concatenate3A, %dot_general3A_88 {dimension_numbers = #tpu.dot_dimension_numbers<[1], [0], [0], [1], [0, 0, 1, 1], [], []>, transpose_lhs_hint = false} : vector<512x392xf32>, vector<392x128xf32>, vector<512x128xf32> -> vector<512x128xf32>
    %add3A_90 = arith.addf %broadcast_in_dim3A_79, %dot_general3A_89 : vector<512x128xf32>
    %get3A_91 = arith.constant 0 : index
    %get3A_92 = arith.constant 0 : index
    %get3A_93 = arith.constant 0 : index
    %get3A_94 = vector.load %arg5[%get3A_91, %get3A_92, %get3A_93] : memref<1x1x392xi32, #tpu.memory_space<vmem>>, vector<1x1x392xi32>
    %get3A_95 = vector.shape_cast %get3A_94 : vector<1x1x392xi32> to vector<1x392xi32>
    %eq3A_96 = vector.broadcast %get3A_95 : vector<1x392xi32> to vector<512x392xi32>
    %eq3A_97 = arith.cmpi eq, %iota3A, %eq3A_96 : vector<512x392xi32>
    %convert_element_type3A_98 = arith.extui %eq3A_97 : vector<512x392xi1> to vector<512x392xi32>
    %convert_element_type3A_99 = arith.sitofp %convert_element_type3A_98 : vector<512x392xi32> to vector<512x392xf32>
    %slice3A_100 = vector.extract_strided_slice %add3A_68 {offsets = [0, 32], sizes = [392, 32], strides = [1, 1]} : vector<392x128xf32> to vector<392x32xf32>
    %slice3A_101 = vector.extract_strided_slice %add3A_74 {offsets = [0, 32], sizes = [392, 32], strides = [1, 1]} : vector<392x128xf32> to vector<392x32xf32>
    %concatenate3A_102 = tpu.concatenate %slice3A_100, %slice3A_101, %broadcast_in_dim3A_75, %broadcast_in_dim3A_77 in 1 : vector<392x32xf32>, vector<392x32xf32>, vector<392x1xf32>, vector<392x63xf32> -> vector<392x128xf32>
    %dot_general3A_103 = arith.constant dense<0.000000e+00> : vector<512x128xf32>
    %dot_general3A_104 = tpu.matmul %convert_element_type3A_99, %concatenate3A_102, %dot_general3A_103 {dimension_numbers = #tpu.dot_dimension_numbers<[1], [0], [0], [1], [0, 0, 1, 1], [], []>, transpose_lhs_hint = false} : vector<512x392xf32>, vector<392x128xf32>, vector<512x128xf32> -> vector<512x128xf32>
    %add3A_105 = arith.addf %add3A_90, %dot_general3A_104 : vector<512x128xf32>
    %get3A_106 = arith.constant 0 : index
    %get3A_107 = arith.constant 0 : index
    %get3A_108 = arith.constant 0 : index
    %get3A_109 = vector.load %arg6[%get3A_106, %get3A_107, %get3A_108] : memref<1x1x392xi32, #tpu.memory_space<vmem>>, vector<1x1x392xi32>
    %get3A_110 = vector.shape_cast %get3A_109 : vector<1x1x392xi32> to vector<1x392xi32>
    %eq3A_111 = vector.broadcast %get3A_110 : vector<1x392xi32> to vector<512x392xi32>
    %eq3A_112 = arith.cmpi eq, %iota3A, %eq3A_111 : vector<512x392xi32>
    %convert_element_type3A_113 = arith.extui %eq3A_112 : vector<512x392xi1> to vector<512x392xi32>
    %convert_element_type3A_114 = arith.sitofp %convert_element_type3A_113 : vector<512x392xi32> to vector<512x392xf32>
    %slice3A_115 = vector.extract_strided_slice %add3A_68 {offsets = [0, 64], sizes = [392, 32], strides = [1, 1]} : vector<392x128xf32> to vector<392x32xf32>
    %slice3A_116 = vector.extract_strided_slice %add3A_74 {offsets = [0, 64], sizes = [392, 32], strides = [1, 1]} : vector<392x128xf32> to vector<392x32xf32>
    %concatenate3A_117 = tpu.concatenate %slice3A_115, %slice3A_116, %broadcast_in_dim3A_75, %broadcast_in_dim3A_77 in 1 : vector<392x32xf32>, vector<392x32xf32>, vector<392x1xf32>, vector<392x63xf32> -> vector<392x128xf32>
    %dot_general3A_118 = arith.constant dense<0.000000e+00> : vector<512x128xf32>
    %dot_general3A_119 = tpu.matmul %convert_element_type3A_114, %concatenate3A_117, %dot_general3A_118 {dimension_numbers = #tpu.dot_dimension_numbers<[1], [0], [0], [1], [0, 0, 1, 1], [], []>, transpose_lhs_hint = false} : vector<512x392xf32>, vector<392x128xf32>, vector<512x128xf32> -> vector<512x128xf32>
    %add3A_120 = arith.addf %add3A_105, %dot_general3A_119 : vector<512x128xf32>
    %get3A_121 = arith.constant 0 : index
    %get3A_122 = arith.constant 0 : index
    %get3A_123 = arith.constant 0 : index
    %get3A_124 = vector.load %arg7[%get3A_121, %get3A_122, %get3A_123] : memref<1x1x392xi32, #tpu.memory_space<vmem>>, vector<1x1x392xi32>
    %get3A_125 = vector.shape_cast %get3A_124 : vector<1x1x392xi32> to vector<1x392xi32>
    %eq3A_126 = vector.broadcast %get3A_125 : vector<1x392xi32> to vector<512x392xi32>
    %eq3A_127 = arith.cmpi eq, %iota3A, %eq3A_126 : vector<512x392xi32>
    %convert_element_type3A_128 = arith.extui %eq3A_127 : vector<512x392xi1> to vector<512x392xi32>
    %convert_element_type3A_129 = arith.sitofp %convert_element_type3A_128 : vector<512x392xi32> to vector<512x392xf32>
    %slice3A_130 = vector.extract_strided_slice %add3A_68 {offsets = [0, 96], sizes = [392, 32], strides = [1, 1]} : vector<392x128xf32> to vector<392x32xf32>
    %slice3A_131 = vector.extract_strided_slice %add3A_74 {offsets = [0, 96], sizes = [392, 32], strides = [1, 1]} : vector<392x128xf32> to vector<392x32xf32>
    %concatenate3A_132 = tpu.concatenate %slice3A_130, %slice3A_131, %broadcast_in_dim3A_75, %broadcast_in_dim3A_77 in 1 : vector<392x32xf32>, vector<392x32xf32>, vector<392x1xf32>, vector<392x63xf32> -> vector<392x128xf32>
    %dot_general3A_133 = arith.constant dense<0.000000e+00> : vector<512x128xf32>
    %dot_general3A_134 = tpu.matmul %convert_element_type3A_129, %concatenate3A_132, %dot_general3A_133 {dimension_numbers = #tpu.dot_dimension_numbers<[1], [0], [0], [1], [0, 0, 1, 1], [], []>, transpose_lhs_hint = false} : vector<512x392xf32>, vector<392x128xf32>, vector<512x128xf32> -> vector<512x128xf32>
    %add3A_135 = arith.addf %add3A_120, %dot_general3A_134 : vector<512x128xf32>
    %eq3A_136 = arith.constant 0 : i32
    %eq3A_137 = arith.cmpi eq, %arg0, %eq3A_136 : i32
    %convert_element_type3A_138 = arith.extui %eq3A_137 : i1 to i32
    %cond3A = arith.constant 0 : i32
    %cond3A_139 = arith.cmpi ne, %convert_element_type3A_138, %cond3A : i32
    scf.if %cond3A_139 {
      %broadcast_in_dim3A_151 = arith.constant 0.000000e+00 : f32
      %broadcast_in_dim3A_152 = vector.broadcast %broadcast_in_dim3A_151 : f32 to vector<512x128xf32>
      %swap3A_153 = arith.constant 0 : index
      %swap3A_154 = arith.constant 0 : index
      %swap3A_155 = vector.load %arg21[%swap3A_153, %swap3A_154] : memref<512x128xf32, #tpu.memory_space<vmem>>, vector<512x128xf32>
      tpu.vector_store %arg21[%swap3A_153, %swap3A_154], %broadcast_in_dim3A_152 {strides = array<i32>} : memref<512x128xf32, #tpu.memory_space<vmem>>, vector<512x128xf32>,
    } else {
    }
    %get3A_140 = arith.constant 0 : index
    %get3A_141 = arith.constant 0 : index
    %get3A_142 = vector.load %arg21[%get3A_140, %get3A_141] : memref<512x128xf32, #tpu.memory_space<vmem>>, vector<512x128xf32>
    %add3A_143 = arith.addf %get3A_142, %add3A_135 : vector<512x128xf32>
    %swap3A = arith.constant 0 : index
    %swap3A_144 = arith.constant 0 : index
    %swap3A_145 = vector.load %arg21[%swap3A, %swap3A_144] : memref<512x128xf32, #tpu.memory_space<vmem>>, vector<512x128xf32>
    tpu.vector_store %arg21[%swap3A, %swap3A_144], %add3A_143 {strides = array<i32>} : memref<512x128xf32, #tpu.memory_space<vmem>>, vector<512x128xf32>,
    %eq3A_146 = arith.constant 31 : i32
    %eq3A_147 = arith.cmpi eq, %arg0, %eq3A_146 : i32
    %convert_element_type3A_148 = arith.extui %eq3A_147 : i1 to i32
    %cond3A_149 = arith.constant 0 : i32
    %cond3A_150 = arith.cmpi ne, %convert_element_type3A_148, %cond3A_149 : i32
    scf.if %cond3A_150 {
      %get3A_151 = arith.constant 0 : index
      %get3A_152 = arith.constant 0 : index
      %get3A_153 = vector.load %arg21[%get3A_151, %get3A_152] : memref<512x128xf32, #tpu.memory_space<vmem>>, vector<512x128xf32>
      %slice3A_154 = vector.extract_strided_slice %get3A_153 {offsets = [0, 0], sizes = [512, 64], strides = [1, 1]} : vector<512x128xf32> to vector<512x64xf32>
      %slice3A_155 = vector.extract_strided_slice %get3A_153 {offsets = [0, 64], sizes = [512, 1], strides = [1, 1]} : vector<512x128xf32> to vector<512x1xf32>
      %max3A_156 = arith.constant 1.000000e+00 : f32
      %max3A_157 = vector.broadcast %max3A_156 : f32 to vector<512x1xf32>
      %max3A_158 = arith.maximumf %slice3A_155, %max3A_157 : vector<512x1xf32>
      %div3A = vector.broadcast %max3A_158 : vector<512x1xf32> to vector<512x64xf32>
      %div3A_159 = arith.divf %slice3A_154, %div3A : vector<512x64xf32>
      %get3A_160 = arith.constant 0 : index
      %get3A_161 = arith.constant 0 : index
      %get3A_162 = vector.load %arg16[%get3A_160, %get3A_161] : memref<64x32xf32, #tpu.memory_space<vmem>>, vector<64x32xf32>
      %dot_general3A_163 = arith.constant dense<0.000000e+00> : vector<512x32xf32>
      %dot_general3A_164 = tpu.matmul %div3A_159, %get3A_162, %dot_general3A_163 {dimension_numbers = #tpu.dot_dimension_numbers<[1], [0], [0], [1], [0, 0, 1, 1], [], []>, transpose_lhs_hint = false} : vector<512x64xf32>, vector<64x32xf32>, vector<512x32xf32> -> vector<512x32xf32>
      %get3A_165 = arith.constant 0 : index
      %get3A_166 = arith.constant 0 : index
      %get3A_167 = vector.load %arg17[%get3A_165, %get3A_166] : memref<1x32xf32, #tpu.memory_space<vmem>>, vector<1x32xf32>
      %add3A_168 = vector.broadcast %get3A_167 : vector<1x32xf32> to vector<512x32xf32>
      %add3A_169 = arith.addf %dot_general3A_164, %add3A_168 : vector<512x32xf32>
      %max3A_170 = arith.constant 0.000000e+00 : f32
      %max3A_171 = vector.broadcast %max3A_170 : f32 to vector<512x32xf32>
      %max3A_172 = arith.maximumf %add3A_169, %max3A_171 : vector<512x32xf32>
      %get3A_173 = arith.constant 0 : index
      %get3A_174 = arith.constant 0 : index
      %get3A_175 = vector.load %arg18[%get3A_173, %get3A_174] : memref<32x7xf32, #tpu.memory_space<vmem>>, vector<32x7xf32>
      %dot_general3A_176 = arith.constant dense<0.000000e+00> : vector<512x7xf32>
      %dot_general3A_177 = tpu.matmul %max3A_172, %get3A_175, %dot_general3A_176 {dimension_numbers = #tpu.dot_dimension_numbers<[1], [0], [0], [1], [0, 0, 1, 1], [], []>, transpose_lhs_hint = false} : vector<512x32xf32>, vector<32x7xf32>, vector<512x7xf32> -> vector<512x7xf32>
      %get3A_178 = arith.constant 0 : index
      %get3A_179 = arith.constant 0 : index
      %get3A_180 = vector.load %arg19[%get3A_178, %get3A_179] : memref<1x7xf32, #tpu.memory_space<vmem>>, vector<1x7xf32>
      %add3A_181 = vector.broadcast %get3A_180 : vector<1x7xf32> to vector<512x7xf32>
      %add3A_182 = arith.addf %dot_general3A_177, %add3A_181 : vector<512x7xf32>
      %reduce_max3A = arith.constant dense<0xFF800000> : vector<512xf32>
      %reduce_max3A_183 = vector.multi_reduction <maximumf>, %add3A_182, %reduce_max3A [1] : vector<512x7xf32> to vector<512xf32>
      %broadcast_in_dim3A_184 = vector.shape_cast %reduce_max3A_183 : vector<512xf32> to vector<512x1xf32>
      %sub3A = vector.broadcast %broadcast_in_dim3A_184 : vector<512x1xf32> to vector<512x7xf32>
      %sub3A_185 = arith.subf %add3A_182, %sub3A : vector<512x7xf32>
      %exp3A = math.exp %sub3A_185 : vector<512x7xf32>
      %reduce_sum3A = arith.constant dense<0.000000e+00> : vector<512xf32>
      %reduce_sum3A_186 = vector.multi_reduction <add>, %exp3A, %reduce_sum3A [1] : vector<512x7xf32> to vector<512xf32>
      %broadcast_in_dim3A_187 = vector.shape_cast %reduce_sum3A_186 : vector<512xf32> to vector<512x1xf32>
      %log3A = math.log %broadcast_in_dim3A_187 : vector<512x1xf32>
      %add3A_188 = arith.addf %broadcast_in_dim3A_184, %log3A : vector<512x1xf32>
      %sub3A_189 = vector.broadcast %add3A_188 : vector<512x1xf32> to vector<512x7xf32>
      %sub3A_190 = arith.subf %add3A_182, %sub3A_189 : vector<512x7xf32>
      %swap3A_191 = arith.constant 0 : index
      %swap3A_192 = arith.constant 0 : index
      %swap3A_193 = vector.load %arg20[%swap3A_191, %swap3A_192] : memref<512x7xf32, #tpu.memory_space<vmem>>, vector<512x7xf32>
      tpu.vector_store %arg20[%swap3A_191, %swap3A_192], %sub3A_190 {strides = array<i32>} : memref<512x7xf32, #tpu.memory_space<vmem>>, vector<512x7xf32>,
    } else {
    }
    return
  }
  func.func @transform_0(%arg0: i32) -> (i32, i32, i32) {
    %c0_i32 = arith.constant 0 : i32
    %c0_i32_0 = arith.constant 0 : i32
    %c0_i32_1 = arith.constant 0 : i32
    return %c0_i32, %arg0, %c0_i32_0 : i32, i32, i32
  }
  func.func @transform_1(%arg0: i32) -> (i32, i32, i32) {
    %c0_i32 = arith.constant 0 : i32
    %c0_i32_0 = arith.constant 0 : i32
    %c0_i32_1 = arith.constant 0 : i32
    return %c0_i32, %arg0, %c0_i32_0 : i32, i32, i32
  }
  func.func @transform_2(%arg0: i32) -> (i32, i32, i32) {
    %c0_i32 = arith.constant 0 : i32
    %c0_i32_0 = arith.constant 0 : i32
    %c0_i32_1 = arith.constant 0 : i32
    return %c0_i32, %arg0, %c0_i32_0 : i32, i32, i32
  }
  func.func @transform_3(%arg0: i32) -> (i32, i32, i32) {
    %c0_i32 = arith.constant 0 : i32
    %c0_i32_0 = arith.constant 0 : i32
    %c0_i32_1 = arith.constant 0 : i32
    return %arg0, %c0_i32, %c0_i32_0 : i32, i32, i32
  }
  func.func @transform_4(%arg0: i32) -> (i32, i32, i32) {
    %c0_i32 = arith.constant 0 : i32
    %c0_i32_0 = arith.constant 0 : i32
    %c0_i32_1 = arith.constant 0 : i32
    return %arg0, %c0_i32, %c0_i32_0 : i32, i32, i32
  }
  func.func @transform_5(%arg0: i32) -> (i32, i32, i32) {
    %c0_i32 = arith.constant 0 : i32
    %c0_i32_0 = arith.constant 0 : i32
    %c0_i32_1 = arith.constant 0 : i32
    return %arg0, %c0_i32, %c0_i32_0 : i32, i32, i32
  }
  func.func @transform_6(%arg0: i32) -> (i32, i32, i32) {
    %c0_i32 = arith.constant 0 : i32
    %c0_i32_0 = arith.constant 0 : i32
    %c0_i32_1 = arith.constant 0 : i32
    return %arg0, %c0_i32, %c0_i32_0 : i32, i32, i32
  }
  func.func @transform_7(%arg0: i32) -> (i32, i32) {
    %c0_i32 = arith.constant 0 : i32
    %c0_i32_0 = arith.constant 0 : i32
    %c0_i32_1 = arith.constant 0 : i32
    return %c0_i32, %c0_i32_0 : i32, i32
  }
  func.func @transform_8(%arg0: i32) -> (i32, i32) {
    %c0_i32 = arith.constant 0 : i32
    %c0_i32_0 = arith.constant 0 : i32
    %c0_i32_1 = arith.constant 0 : i32
    return %c0_i32, %c0_i32_0 : i32, i32
  }
  func.func @transform_9(%arg0: i32) -> (i32, i32) {
    %c0_i32 = arith.constant 0 : i32
    %c0_i32_0 = arith.constant 0 : i32
    %c0_i32_1 = arith.constant 0 : i32
    return %c0_i32, %c0_i32_0 : i32, i32
  }
  func.func @transform_10(%arg0: i32) -> (i32, i32) {
    %c0_i32 = arith.constant 0 : i32
    %c0_i32_0 = arith.constant 0 : i32
    %c0_i32_1 = arith.constant 0 : i32
    return %c0_i32, %c0_i32_0 : i32, i32
  }
  func.func @transform_11(%arg0: i32) -> (i32, i32) {
    %c0_i32 = arith.constant 0 : i32
    %c0_i32_0 = arith.constant 0 : i32
    %c0_i32_1 = arith.constant 0 : i32
    return %c0_i32, %c0_i32_0 : i32, i32
  }
  func.func @transform_12(%arg0: i32) -> (i32, i32) {
    %c0_i32 = arith.constant 0 : i32
    %c0_i32_0 = arith.constant 0 : i32
    %c0_i32_1 = arith.constant 0 : i32
    return %c0_i32, %c0_i32_0 : i32, i32
  }
  func.func @transform_13(%arg0: i32) -> (i32, i32) {
    %c0_i32 = arith.constant 0 : i32
    %c0_i32_0 = arith.constant 0 : i32
    %c0_i32_1 = arith.constant 0 : i32
    return %c0_i32, %c0_i32_0 : i32, i32
  }
  func.func @transform_14(%arg0: i32) -> (i32, i32) {
    %c0_i32 = arith.constant 0 : i32
    %c0_i32_0 = arith.constant 0 : i32
    %c0_i32_1 = arith.constant 0 : i32
    return %c0_i32, %c0_i32_0 : i32, i32
  }
  func.func @transform_15(%arg0: i32) -> (i32, i32) {
    %c0_i32 = arith.constant 0 : i32
    %c0_i32_0 = arith.constant 0 : i32
    %c0_i32_1 = arith.constant 0 : i32
    return %c0_i32, %c0_i32_0 : i32, i32
  }
  func.func @transform_16(%arg0: i32) -> (i32, i32) {
    %c0_i32 = arith.constant 0 : i32
    %c0_i32_0 = arith.constant 0 : i32
    %c0_i32_1 = arith.constant 0 : i32
    return %c0_i32, %c0_i32_0 : i32, i32
  }
  func.func @transform_17(%arg0: i32) -> (i32, i32) {
    %c0_i32 = arith.constant 0 : i32
    %c0_i32_0 = arith.constant 0 : i32
    %c0_i32_1 = arith.constant 0 : i32
    return %c0_i32, %c0_i32_0 : i32, i32
  }
  func.func @transform_18(%arg0: i32) -> (i32, i32) {
    %c0_i32 = arith.constant 0 : i32
    %c0_i32_0 = arith.constant 0 : i32
    %c0_i32_1 = arith.constant 0 : i32
    return %c0_i32, %c0_i32_0 : i32, i32
  }
  func.func @transform_19(%arg0: i32) -> (i32, i32) {
    %c0_i32 = arith.constant 0 : i32
    %c0_i32_0 = arith.constant 0 : i32
    %c0_i32_1 = arith.constant 0 : i32
    return %c0_i32, %c0_i32_0 : i32, i32
  }
}

</mosaic_0001>

<sc_bundles>
// kernel: segsum_sc.4.cloned.1.call-start
scs
__scs_entry_jumppad:
0x0: {  	(pc) =	sbr.rel $0x88, $3  }
0x1: {  	(tag) =	ssettag $0x0;
	lr =	simm.s32 $0x1  }
0x2: {  	[smem:$0x3F82] =	sst lr;
	_ =	strace $0xD0000000  }
0x3: {  	_ = 	snop  }
0x4: {  	_ = 	snop  }
0x5: {  	_ = 	snop  }
0x6: {  	_ = 	snop  }
0x7: {  	_ = 	snop  }
__scs_overlays_trampoline_lowered:
0x8: {  	[smem:$0x3F91] =	sst s0  }
0x9: {  	[smem:$0x3F92] =	sst s1  }
0xa: {  	[smem:$0x3F93] =	sst s2  }
0xb: {  	[smem:$0x3F94] =	sst s3  }
0xc: {  	[smem:$0x3F95] =	sst s4  }
0xd: {  	[smem:$0x3F96] =	sst s5  }
0xe: {  	[smem:$0x3F97] =	sst s6  }
0xf: {  	[smem:$0x3F98] =	sst s7  }
0x10: {  	[smem:$0x3F99] =	sst s8  }
0x11: {  	[smem:$0x3F9A] =	sst s9;
	s0 =	simm.s32 @!p0 $0x0  }
0x12: {  	s1 =	sld [smem:$0x3F80];
	s0 =	simm.s32 @p0 $0x1  }
0x13: {  	[smem:$0x3F9B] =	sst s0;
	s0 =	simm.s32 @!p1 $0x0  }
0x14: {  	s2 =	sld [smem:$0x3F7F];
	s0 =	simm.s32 @p1 $0x1  }
0x15: {  	[smem:$0x3F9C] =	sst s0;
	s0 =	simm.s32 @!p2 $0x0  }
0x16: {  	s3 =	sld [smem:$0x3FDB];
	s0 =	simm.s32 @p2 $0x1  }
0x17: {  	s4 =	simm.s32 $0x1BF5;
	[smem:$0x3F9E] =	sst s0  }
0x18: {  	s0 =	sld [smem:$0x3F81];
	_ =	swait.ge [sflag:s4], $0x0  }
0x19: {  	s7 =	sld [smem:$0x3F82]  }
0x1a: {  	s8 =	sadd.s32 $0xFFFFE003, lr  }
0x1b: {  	s9 =	sadd.s32 $0xFFFFFEF7, lr;
	s5 =	simm.s32 $0xFFFFFFFF;
	p2 =	slt.u32 s8, $0xFFFFF086  }
0x1c: {  	p1 =	slt.u32 s9, $0xF7A;
	s5 =	simm.s32 @!p2 $0x0  }
0x1d: {  	s5 =	simm.s32 @p1 $0x1;
	p0 =	seq.s32 s7, s2  }
0x1e: {  	s7 =	smul.u32 @!p0 $0xF7A, s2;
	p2 =	seq.s32 @!p0 s5, $0x0  }
0x1f: {  	s9 =	smul.u32 $0xF7A, s1;
	s8 =	simm.s32 @!p0 $0x1BF5;
	p2 =	por !p2, p0  }
0x20: {  	[sflag:s8] =	ssyncset.s32 @!p0 $0xFFFFF086;
	s6 =	sadd.s32 @!p0 s3, s7;
	s7 =	simm.s32 @!p0 $0x108  }
0x21: {  	s3 =	sadd.s32 s3, s9;
	s6 =	sadd.s32 @!p0 $0x88, s6;
	s7 =	simm.s32 @p2 $0x1082  }
0x22: {  	[simem:s7], [sflag:s8] =	dma.local @!p0 [hbm:s6], $0xF7A  }
0x23: {  	s9 =	sor.u32 $0xD0000000, s2;
	s6 =	simm.s32 $0x108;
	_ =	swait.ge @!p0 [sflag:s8], $0x0  }
0x24: {  	s3 =	sadd.s32 $0x88, s3;
	s6 =	simm.s32 @!p1 $0x1082;
	[sflag:s4] =	ssyncset.s32 $0xFFFFF086  }
0x25: {  	[simem:s6], [sflag:s4] =	dma.local [hbm:s3], $0xF7A  }
0x26: {  	[smem:$0x3F82] =	sst s1;
	(tag) =	ssettag s2;
	_ =	strace s9  }
0x27: {  	s1 =	sld [smem:$0x3F92]  }
0x28: {  	s2 =	sld [smem:$0x3F93]  }
0x29: {  	s4 =	sld [smem:$0x3F95]  }
0x2a: {  	p0 =	seq.s32 s5, $0x0;
	s5 =	sld [smem:$0x3F96]  }
0x2b: {  	s6 =	sld [smem:$0x3F97]  }
0x2c: {  	s7 =	sld [smem:$0x3F98]  }
0x2d: {  	s3 =	simm.s32 $0x108;
	s8 =	sld [smem:$0x3F99]  }
0x2e: {  	s3 =	simm.s32 @!p0 $0x1082;
	s9 =	sld [smem:$0x3F9A]  }
0x2f: {  	lr =	sadd.s32 s0, s3;
	s0 =	sld [smem:$0x3F91]  }
0x30: {  	s3 =	sld [smem:$0x3F94]  }
0x31: {  	[smem:$0x3F9D] =	sst s10  }
0x32: {  	s10 =	sld [smem:$0x3F9B];
	_ =	sdelay $0x3  }
0x33: {  	p0 =	seq.s32 s10, $0x1;
	s10 =	sld [smem:$0x3F9D];
	_ =	sdelay $0x3  }
0x34: {  	[smem:$0x3F9D] =	sst s10  }
0x35: {  	s10 =	sld [smem:$0x3F9C];
	_ =	sdelay $0x3  }
0x36: {  	p1 =	seq.s32 s10, $0x1;
	s10 =	sld [smem:$0x3F9D];
	_ =	sdelay $0x3  }
0x37: {  	[smem:$0x3F9D] =	sst s10  }
0x38: {  	s10 =	sld [smem:$0x3F9E]  }
0x39: {  	_ = 	snop;
	(pc) =	sbr.ind lr, $3  }
0x3a: {  	_ = 	snop  }
0x3b: {  	_ = 	snop  }
0x3c: {  	p2 =	seq.s32 s10, $0x1;
	s10 =	sld [smem:$0x3F9D]  }
0x3d: {  	_ =	shalt  }
0x3e: {  	_ =	shalt  }
0x3f: {  	_ =	shalt  }
0x40: {  	_ =	shalt  }
0x41: {  	_ =	shalt  }
0x42: {  	_ =	shalt  }
0x43: {  	_ =	shalt  }
0x44: {  	_ =	shalt  }
0x45: {  	_ =	shalt  }
0x46: {  	_ =	shalt  }
0x47: {  	_ =	shalt  }
0x48: {  	_ =	shalt  }
0x49: {  	_ =	shalt  }
0x4a: {  	_ =	shalt  }
0x4b: {  	_ =	shalt  }
0x4c: {  	_ =	shalt  }
0x4d: {  	_ =	shalt  }
0x4e: {  	_ =	shalt  }
0x4f: {  	_ =	shalt  }
0x50: {  	_ =	shalt  }
0x51: {  	_ =	shalt  }
0x52: {  	_ =	shalt  }
0x53: {  	_ =	shalt  }
0x54: {  	_ =	shalt  }
0x55: {  	_ =	shalt  }
0x56: {  	_ =	shalt  }
0x57: {  	_ =	shalt  }
0x58: {  	_ =	shalt  }
0x59: {  	_ =	shalt  }
0x5a: {  	_ =	shalt  }
0x5b: {  	_ =	shalt  }
0x5c: {  	_ =	shalt  }
0x5d: {  	_ =	shalt  }
0x5e: {  	_ =	shalt  }
0x5f: {  	_ =	shalt  }
0x60: {  	_ =	shalt  }
0x61: {  	_ =	shalt  }
0x62: {  	_ =	shalt  }
0x63: {  	_ =	shalt  }
0x64: {  	_ =	shalt  }
0x65: {  	_ =	shalt  }
0x66: {  	_ =	shalt  }
0x67: {  	_ =	shalt  }
0x68: {  	_ =	shalt  }
0x69: {  	_ =	shalt  }
0x6a: {  	_ =	shalt  }
0x6b: {  	_ =	shalt  }
0x6c: {  	_ =	shalt  }
0x6d: {  	_ =	shalt  }
0x6e: {  	_ =	shalt  }
0x6f: {  	_ =	shalt  }
0x70: {  	_ =	shalt  }
0x71: {  	_ =	shalt  }
0x72: {  	_ =	shalt  }
0x73: {  	_ =	shalt  }
0x74: {  	_ =	shalt  }
0x75: {  	_ =	shalt  }
0x76: {  	_ =	shalt  }
0x77: {  	_ =	shalt  }
0x78: {  	_ =	shalt  }
0x79: {  	_ =	shalt  }
0x7a: {  	_ =	shalt  }
0x7b: {  	_ =	shalt  }
0x7c: {  	_ =	shalt  }
0x7d: {  	_ =	shalt  }
0x7e: {  	_ =	shalt  }
0x7f: {  	_ =	shalt  }
0x80: {  	_ =	shalt  }
0x81: {  	_ =	shalt  }
0x82: {  	_ =	shalt  }
0x83: {  	_ =	shalt  }
0x84: {  	_ =	shalt  }
0x85: {  	_ =	shalt  }
0x86: {  	_ =	shalt  }
0x87: {  	_ =	shalt  }
.Lfunc_end0:
.L_simem_size_0:
called_computation_lowered:
.L_overlay_start_0:
0x88: {  	s2 =	sld [smem:$0x3FD9]  }
0x89: {  	s3 =	sld [smem:$0x3FFE];
	_ =	sdelay $0x1  }
0x8a: {  	s1 =	srdreg.scid  }
0x8b: {  	s0 =	sand.u32 $0x1, s1  }
0x8c: {  	s16 =	sshll.u32 s0, $0xA;
	s2 =	sadd.s32 s3, s2  }
0x8d: {  	s2 =	sadd.s32 s2, s16  }
0x8e: {  	[smem:$0x3FA9] =	sst s2  }
0x8f: {  	_ = 	snop  }
0x90: {  	(tm) =	ssettm $0x1  }
0x91: {  	s17 =	sld [smem:$0x3FFB];
	_ =	sdelay $0x3  }
0x92: {  	_ =	strace s17  }
0x93: {  	s2 =	sld [smem:$0x3FFC];
	_ =	sdelay $0x3  }
0x94: {  	_ =	strace s2  }
0x95: {  	s2 =	sld [smem:$0x3FFD];
	_ =	sdelay $0x3  }
0x96: {  	_ =	strace s2  }
0x97: {  	_ =	strace $0x8FFFFFFF  }
0x98: {  	s18 =	sld [smem:$0x3FDB];
	_ =	sdelay $0x1  }
0x99: {  	s19 =	simm.s32 $_scs_section_size  }
0x9a: {  	s4 =	simm.s32 $_size__tile_overlayer_lowered;
	s5 =	simm.s32 $_tile_overlayer_lowered  }
0x9b: {  	s22 =	simm.s32 $0x1BFF;
	s21 =	sshll.u32 s5, $0x1;
	s2 =	sadd.s32 s19, s18  }
0x9c: {  	s6 =	simm.s32 $0x0;
	s20 =	sshll.u32 s4, $0x1;
	s4 =	sadd.s32 s21, s2  }
0x9d: {  	[timem:s6], [sflag:s22] =	dma.local [hbm:s4], s20  }
0x9e: {  	_ =	swait.ge [sflag:s22], s20  }
0x9f: {  	s3 =	ssub.s32 $0x0, s20;
	[sflag:s22] =	ssyncset.done $0x0  }
0xa0: {  	[sflag:s22] =	ssyncadd.s32 s3;
	_ =	sdelay $0x1  }
0xa1: {  	s23 =	simm.s32 $0x1B8B  }
0xa2: {  	_ =	swait.ge [sflag:s23], $0x1  }
0xa3: {  	[sflag:s23] =	ssyncset.done $0x0  }
0xa4: {  	s25 =	simm.s32 $0x1B8E;
	s24 =	sld [smem:$0x3FFE];
	[sflag:s23] =	ssyncadd.s32 $0xFFFFFFFF  }
0xa5: {  	s26 =	simm.s32 $execute0_lowered;
	[smem:$0x3FD2] =	sst s25  }
0xa6: {  	s4 =	sshll.u32 s26, $0x1;
	_ =	strace $0x80000046;
	[dreg:$0x1] =	wrdreg $0xFFFFFFFF  }
0xa7: {  	s28 =	simm.s32 $_size_execute0_lowered;
	s2 =	sadd.s32 s2, s4;
	[dreg:$0x0] =	wrdreg $0x0  }
0xa8: {  	s4 =	sshll.u32 s28, $0x1;
	[dreg:$0x2] =	wrdreg s2  }
0xa9: {  	[dreg:$0x3] =	wrdreg s4  }
0xaa: {  	[dreg:$0x4] =	wrdreg $0xC0  }
0xab: {  	_ =	task [dreg:s6], $0x5FFFF  }
0xac: {  	[dreg:$0x1] =	wrdreg $0xFFFFFFFF  }
0xad: {  	[dreg:$0x0] =	wrdreg $0x60  }
0xae: {  	[dreg:$0x2] =	wrdreg s24  }
0xaf: {  	[dreg:$0x3] =	wrdreg $0x72000  }
0xb0: {  	[dreg:$0x4] =	wrdreg $0x9  }
0xb1: {  	_ =	task.clear_ibuf [dreg:s6], $0x5FFFF;
	_ =	strace $0x90000046  }
0xb2: {  	s29 =	simm.s32 $0x9;
	_ =	strace $0x80000048  }
0xb3: {  	_ =	swait.ge [sflag:s29], $0x1  }
0xb4: {  	[sflag:s29] =	ssyncadd.s32 $0xFFFFFFFF  }
0xb5: {  	_ =	strace $0x90000048  }
0xb6: {  	_ =	sfence  }
0xb7: {  	s30 =	sld [smem:$0x0];
	_ =	sdelay $0x2  }
0xb8: {  	s31 =	sshll.u32 s1, $0xD;
	s1 =	sshrl.u32 s1, $0x2  }
0xb9: {  	s3 =	sand.u32 $0x4000, s31;
	s1 =	sadd.s32 s1, s30  }
0xba: {  	s0 =	sor.u32 s3, s0;
	s1 =	sshll.u32 s1, $0x11  }
0xbb: {  	s0 =	sor.u32 s1, s0  }
0xbc: {  	s0 =	sadd.s32 $0x8F2B, s0  }
0xbd: {  	[sflag:s0] =	ssyncadd.remote.s32 $0x1  }
0xbe: {  	_ =	sfence.sel $0xFFFF  }
0xbf: {  	[dreg:$0x0] =	wrdreg $0xFFFFFFFF;
	(pc) =	sbr.abs _section_cstart, $3  }
0xc0: {  	[dreg:$0x1] =	wrdreg $0xFFFFFFFF  }
0xc1: {  	_ =	task.clear_ibuf [dreg:s6], $0x2FFFF;
	_ =	strace $0x9FFFFFFF  }
0xc2: {  	(tm) =	ssettm $0x7FFFFFFF  }
0xc3: {  	_ =	shalt  }
tec
execute0_lowered:
.L_overlay_start_1:
0x0: {  	(tag) =	ssettag $0x1  }
0x1: {  	s0 =	rddreg [dreg:$0x0]  }
0x2: {  	s2 =	rddreg [dreg:$0x1];
	s9 =	stileid.u32  }
0x3: {  	s4 =	srdreg.scid;
	s3 =	simm.s32 $0x0;
	s15 =	simm.s32 $0x180  }
0x4: {  	s16 =	simm.s32 $0x240;
	s17 =	simm.s32 $0x9C0;
	s18 =	simm.s32 $0x300  }
0x5: {  	s19 =	simm.s32 $0xA80;
	s20 =	simm.s32 $0x3C0;
	s21 =	simm.s32 $0xB40  }
0x6: {  	s22 =	simm.s32 $0x480;
	s23 =	simm.s32 $0xC00;
	s24 =	simm.s32 $0x540  }
0x7: {  	s25 =	simm.s32 $0xCC0;
	[smem:$0x7FF] =	sst s3;
	s10 =	sadd.s32 $0xB3200, s0  }
0x8: {  	s28 =	simm.s32 $0xE40;
	_ =	strace $0x80000047;
	[dreg:$0x11] =	wrdreg s10  }
0x9: {  	s29 =	simm.s32 $0x780;
	s30 =	simm.s32 $0xF00;
	[dreg:$0x5] =	wrdreg s15  }
0xa: {  	s31 =	simm.s32 $0x840;
	s1 =	smul.u32 $0x18C0, s9;
	[dreg:$0x6] =	wrdreg s16  }
0xb: {  	s5 =	sand.u32 $0x1, s4;
	s6 =	smul.u32 $0x3100, s9;
	[dreg:$0x7] =	wrdreg s17  }
0xc: {  	s4 =	sadd.s32 $0x51200, s0;
	s8 =	smul.u32 $0x62000, s9;
	[dreg:$0x8] =	wrdreg s18  }
0xd: {  	s9 =	sshll.u32 s9, $0x6;
	s7 =	smul.u32 $0x31000, s5;
	[dreg:$0x9] =	wrdreg s19  }
0xe: {  	s26 =	ssub.s32 $0x2, s5;
	s5 =	smul.u32 $0x18C00, s5;
	[dreg:$0xa] =	wrdreg s20  }
0xf: {  	s15 =	simm.s32 $0x4200;
	s16 =	simm.s32 $0x1;
	[dreg:$0xb] =	wrdreg s21  }
0x10: {  	s17 =	simm.s32 $0x5A00;
	s18 =	simm.s32 $0x2;
	[dreg:$0xc] =	wrdreg s22  }
0x11: {  	s19 =	simm.s32 $0x5;
	s20 =	simm.s32 $0x3;
	[dreg:$0xd] =	wrdreg s23  }
0x12: {  	s21 =	simm.s32 $0x6;
	s22 =	simm.s32 $0x4;
	[dreg:$0xe] =	wrdreg s24  }
0x13: {  	s23 =	simm.s32 $0x7;
	[dreg:$0xf] =	wrdreg s25;
	s24 =	simm.s32 $0x8  }
0x14: {  	s25 =	simm.s32 $0xD80;
	s1 =	sadd.s32 s1, s0;
	s8 =	sshrl.u32 s8, $0x2  }
0x15: {  	s10 =	sshrl.u32 s26, $0x1;
	s6 =	sadd.s32 s6, s7;
	s11 =	sadd.s32 s8, s2  }
0x16: {  	s8 =	sor.u32 $0x1C09, s9;
	s12 =	sadd.s32 $0x6E00, s1;
	s1 =	sadd.s32 s5, s1  }
0x17: {  	s5 =	simm.s32 $0x1140;
	s9 =	simm.s32 $0x0;
	s0 =	sadd.s32 s6, s0  }
0x18: {  	s6 =	ssub.s32 s26, s10;
	[dreg:$0x3] =	wrdreg s12;
	s14 =	sadd.s32 $0x1FA00, s1  }
0x19: {  	s7 =	sshrl.u32 s11, $0x3;
	s10 =	simm.s32 $0x9;
	[dreg:$0x12] =	wrdreg s8  }
0x1a: {  	s11 =	simm.s32 $0x900;
	s26 =	simm.s32 $0x600;
	[dreg:$0x4] =	wrdreg s14  }
0x1b: {  	s12 =	simm.s32 $0xC0;
	s1 =	simm.s32 $0x1080;
	[dreg:$0x10] =	wrdreg s26  }
0x1c: {  	s0 =	sadd.s32 $0xB6400, s0;
	s13 =	smax.u32 s6, $0x1;
	[dreg:$0x15] =	wrdreg s7  }
0x1d: {  	s14 =	simm.s32 $0x2A00;
	s26 =	simm.s32 $0x6C0;
	[dreg:$0x13] =	wrdreg s0  }
0x1e: {  	[dreg:$0x14] =	wrdreg s13;
	s13 =	simm.s32 $0x1200;
	s0 =	simm.s32 $0xFC0  }
.LBB2_1:
0x1f: {  	[dreg:$0x16] =	wrdreg s9  }
0x20: {  	s6 =	rddreg [dreg:$0x11]  }
0x21: {  	[spmem:s7], [sflag:s8] =	dma.local [hbm:s6], $0x3100  }
0x22: {  	_ =	swait.ge [sflag:s10], $0x3100  }
0x23: {  	[sflag:s10] =	ssyncset.done $0x0  }
0x24: {  	[sflag:s10] =	ssyncadd.s32 $0xFFFFCF00  }
0x25: {  	[bflag:$0x0] =	sbarrier.arrive $0xFFFF  }
0x26: {  	s8 =	rddreg [dreg:$0x4]  }
0x27: {  	s6 =	sadd.s32 $0x0, s8  }
0x28: {  	[tilespmem:s3], [sflag:$0x9] =	stream.linear.gather [hbm4b:s6+s3], $0x900, $0x38;
	[tilespmem:$0x1FA00] =	vst v63  }
0x29: {  	_ =	swait.ge [sflag:s10], $0x900  }
0x2a: {  	s9 =	rddreg [dreg:$0x3];
	[sflag:s10] =	ssyncset.done $0x0  }
0x2b: {  	[sflag:s10] =	ssyncadd.s32 $0xFFFFF700;
	s6 =	sadd.s32 $0x0, s9  }
0x2c: {  	[tilespmem:s11], [sflag:$0x9] =	stream.linear.gather [hbm4b:s6+s3], $0x900, $0x38;
	[tilespmem:$0x1FA00] =	vst v63  }
0x2d: {  	_ =	swait.ge [sflag:s10], $0x900  }
0x2e: {  	[sflag:s10] =	ssyncset.done $0x0  }
0x2f: {  	[sflag:s10] =	ssyncadd.s32 $0xFFFFF700  }
0x30: {  	[tilespmem:s13], [sflag:$0x1] =	stream.indirect.gather [hbm4b:s4+s12], $0x20, s3, s12, $0xb8;
	[tilespmem:$0x1FA00] =	vst v63  }
0x31: {  	_ = 	snop  }
0x32: {  	[tilespmem:s14], [sflag:$0x2] =	stream.indirect.gather [hbm4b:s4+s12], $0x20, s12, s12, $0xb8;
	[tilespmem:$0x1FA00] =	vst v63  }
0x33: {  	s7 =	rddreg [dreg:$0x5]  }
0x34: {  	[tilespmem:s15], [sflag:$0x3] =	stream.indirect.gather [hbm4b:s4+s12], $0x20, s7, s12, $0xb8;
	[tilespmem:$0x1FA00] =	vst v63  }
0x35: {  	_ =	swait.ge [sflag:s16], $0x1800  }
0x36: {  	[sflag:s16] =	ssyncset.done $0x0  }
0x37: {  	[sflag:s16] =	ssyncadd.s32 $0xFFFFE800  }
0x38: {  	[spmem:s2] =	stream.indirect.scatter.add.f32 [tilespmem:s13], [sflag:$0x5], $0x20, s11, s12, $0xb8;
	[tilespmem:$0x1FA00] =	vst v63  }
0x39: {  	s8 =	rddreg [dreg:$0x6]  }
0x3a: {  	[tilespmem:s17], [sflag:$0x4] =	stream.indirect.gather [hbm4b:s4+s12], $0x20, s8, s12, $0xb8;
	[tilespmem:$0x1FA00] =	vst v63  }
0x3b: {  	_ =	swait.ge [sflag:s18], $0x1800  }
0x3c: {  	[sflag:s18] =	ssyncset.done $0x0  }
0x3d: {  	s9 =	rddreg [dreg:$0x7];
	[sflag:s18] =	ssyncadd.s32 $0xFFFFE800  }
0x3e: {  	[spmem:s2] =	stream.indirect.scatter.add.f32 [tilespmem:s14], [sflag:$0x6], $0x20, s9, s12, $0xb8;
	[tilespmem:$0x1FA00] =	vst v63  }
0x3f: {  	_ =	swait.ge [sflag:s19], $0x1800  }
0x40: {  	[sflag:s19] =	ssyncset.done $0x0  }
0x41: {  	s7 =	rddreg [dreg:$0x8];
	[sflag:s19] =	ssyncadd.s32 $0xFFFFE800  }
0x42: {  	[tilespmem:s13], [sflag:$0x1] =	stream.indirect.gather [hbm4b:s4+s12], $0x20, s7, s12, $0xb8;
	[tilespmem:$0x1FA00] =	vst v63  }
0x43: {  	_ =	swait.ge [sflag:s20], $0x1800  }
0x44: {  	[sflag:s20] =	ssyncset.done $0x0  }
0x45: {  	s8 =	rddreg [dreg:$0x9];
	[sflag:s20] =	ssyncadd.s32 $0xFFFFE800  }
0x46: {  	[spmem:s2] =	stream.indirect.scatter.add.f32 [tilespmem:s15], [sflag:$0x7], $0x20, s8, s12, $0xb8;
	[tilespmem:$0x1FA00] =	vst v63  }
0x47: {  	_ =	swait.ge [sflag:s21], $0x1800  }
0x48: {  	[sflag:s21] =	ssyncset.done $0x0  }
0x49: {  	s9 =	rddreg [dreg:$0xa];
	[sflag:s21] =	ssyncadd.s32 $0xFFFFE800  }
0x4a: {  	[tilespmem:s14], [sflag:$0x2] =	stream.indirect.gather [hbm4b:s4+s12], $0x20, s9, s12, $0xb8;
	[tilespmem:$0x1FA00] =	vst v63  }
0x4b: {  	_ =	swait.ge [sflag:s22], $0x1800  }
0x4c: {  	[sflag:s22] =	ssyncset.done $0x0  }
0x4d: {  	s7 =	rddreg [dreg:$0xb];
	[sflag:s22] =	ssyncadd.s32 $0xFFFFE800  }
0x4e: {  	[spmem:s2] =	stream.indirect.scatter.add.f32 [tilespmem:s17], [sflag:$0x8], $0x20, s7, s12, $0xb8;
	[tilespmem:$0x1FA00] =	vst v63  }
0x4f: {  	_ =	swait.ge [sflag:s23], $0x1800  }
0x50: {  	[sflag:s23] =	ssyncset.done $0x0  }
0x51: {  	s8 =	rddreg [dreg:$0xc];
	[sflag:s23] =	ssyncadd.s32 $0xFFFFE800  }
0x52: {  	[tilespmem:s15], [sflag:$0x3] =	stream.indirect.gather [hbm4b:s4+s12], $0x20, s8, s12, $0xb8;
	[tilespmem:$0x1FA00] =	vst v63  }
0x53: {  	_ =	swait.ge [sflag:s16], $0x1800  }
0x54: {  	[sflag:s16] =	ssyncset.done $0x0  }
0x55: {  	s9 =	rddreg [dreg:$0xd];
	[sflag:s16] =	ssyncadd.s32 $0xFFFFE800  }
0x56: {  	[spmem:s2] =	stream.indirect.scatter.add.f32 [tilespmem:s13], [sflag:$0x5], $0x20, s9, s12, $0xb8;
	[tilespmem:$0x1FA00] =	vst v63  }
0x57: {  	_ =	swait.ge [sflag:s24], $0x1800  }
0x58: {  	[sflag:s24] =	ssyncset.done $0x0  }
0x59: {  	s7 =	rddreg [dreg:$0xe];
	[sflag:s24] =	ssyncadd.s32 $0xFFFFE800  }
0x5a: {  	[tilespmem:s17], [sflag:$0x4] =	stream.indirect.gather [hbm4b:s4+s12], $0x20, s7, s12, $0xb8;
	[tilespmem:$0x1FA00] =	vst v63  }
0x5b: {  	_ =	swait.ge [sflag:s18], $0x1800  }
0x5c: {  	[sflag:s18] =	ssyncset.done $0x0  }
0x5d: {  	s8 =	rddreg [dreg:$0xf];
	[sflag:s18] =	ssyncadd.s32 $0xFFFFE800  }
0x5e: {  	[spmem:s2] =	stream.indirect.scatter.add.f32 [tilespmem:s14], [sflag:$0x6], $0x20, s8, s12, $0xb8;
	[tilespmem:$0x1FA00] =	vst v63  }
0x5f: {  	_ =	swait.ge [sflag:s19], $0x1800  }
0x60: {  	[sflag:s19] =	ssyncset.done $0x0  }
0x61: {  	s9 =	rddreg [dreg:$0x10];
	[sflag:s19] =	ssyncadd.s32 $0xFFFFE800  }
0x62: {  	[tilespmem:s13], [sflag:$0x1] =	stream.indirect.gather [hbm4b:s4+s12], $0x20, s9, s12, $0xb8;
	[tilespmem:$0x1FA00] =	vst v63  }
0x63: {  	_ =	swait.ge [sflag:s20], $0x1800  }
0x64: {  	[sflag:s20] =	ssyncset.done $0x0  }
0x65: {  	[sflag:s20] =	ssyncadd.s32 $0xFFFFE800  }
0x66: {  	[spmem:s2] =	stream.indirect.scatter.add.f32 [tilespmem:s15], [sflag:$0x7], $0x20, s25, s12, $0xb8;
	[tilespmem:$0x1FA00] =	vst v63  }
0x67: {  	_ =	swait.ge [sflag:s21], $0x1800  }
0x68: {  	[sflag:s21] =	ssyncset.done $0x0  }
0x69: {  	[sflag:s21] =	ssyncadd.s32 $0xFFFFE800  }
0x6a: {  	[tilespmem:s14], [sflag:$0x2] =	stream.indirect.gather [hbm4b:s4+s12], $0x20, s26, s12, $0xb8;
	[tilespmem:$0x1FA00] =	vst v63  }
0x6b: {  	_ =	swait.ge [sflag:s22], $0x1800  }
0x6c: {  	[sflag:s22] =	ssyncset.done $0x0  }
0x6d: {  	[sflag:s22] =	ssyncadd.s32 $0xFFFFE800  }
0x6e: {  	[spmem:s2] =	stream.indirect.scatter.add.f32 [tilespmem:s17], [sflag:$0x8], $0x20, s28, s12, $0xb8;
	[tilespmem:$0x1FA00] =	vst v63  }
0x6f: {  	_ =	swait.ge [sflag:s23], $0x1800  }
0x70: {  	[sflag:s23] =	ssyncset.done $0x0  }
0x71: {  	[sflag:s23] =	ssyncadd.s32 $0xFFFFE800  }
0x72: {  	[tilespmem:s15], [sflag:$0x3] =	stream.indirect.gather [hbm4b:s4+s12], $0x20, s29, s12, $0xb8;
	[tilespmem:$0x1FA00] =	vst v63  }
0x73: {  	_ =	swait.ge [sflag:s16], $0x1800  }
0x74: {  	[sflag:s16] =	ssyncset.done $0x0  }
0x75: {  	[sflag:s16] =	ssyncadd.s32 $0xFFFFE800  }
0x76: {  	[spmem:s2] =	stream.indirect.scatter.add.f32 [tilespmem:s13], [sflag:$0x5], $0x20, s30, s12, $0xb8;
	[tilespmem:$0x1FA00] =	vst v63  }
0x77: {  	_ =	swait.ge [sflag:s24], $0x1800  }
0x78: {  	[sflag:s24] =	ssyncset.done $0x0  }
0x79: {  	[sflag:s24] =	ssyncadd.s32 $0xFFFFE800  }
0x7a: {  	[tilespmem:s17], [sflag:$0x4] =	stream.indirect.gather [hbm4b:s4+s12], $0x20, s31, s12, $0xb8;
	[tilespmem:$0x1FA00] =	vst v63  }
0x7b: {  	_ =	swait.ge [sflag:s18], $0x1800  }
0x7c: {  	[sflag:s18] =	ssyncset.done $0x0  }
0x7d: {  	[sflag:s18] =	ssyncadd.s32 $0xFFFFE800  }
0x7e: {  	[spmem:s2] =	stream.indirect.scatter.add.f32 [tilespmem:s14], [sflag:$0x6], $0x20, s0, s12, $0xb8;
	[tilespmem:$0x1FA00] =	vst v63  }
0x7f: {  	_ =	swait.ge [sflag:s19], $0x1800  }
0x80: {  	[sflag:s19] =	ssyncset.done $0x0  }
0x81: {  	[sflag:s19] =	ssyncadd.s32 $0xFFFFE800  }
0x82: {  	_ =	swait.ge [sflag:s20], $0x1800  }
0x83: {  	[sflag:s20] =	ssyncset.done $0x0  }
0x84: {  	[sflag:s20] =	ssyncadd.s32 $0xFFFFE800  }
0x85: {  	[spmem:s2] =	stream.indirect.scatter.add.f32 [tilespmem:s15], [sflag:$0x7], $0x20, s1, s12, $0xb8;
	[tilespmem:$0x1FA00] =	vst v63  }
0x86: {  	_ =	swait.ge [sflag:s21], $0x1800  }
0x87: {  	[sflag:s21] =	ssyncset.done $0x0  }
0x88: {  	[sflag:s21] =	ssyncadd.s32 $0xFFFFE800  }
0x89: {  	_ =	swait.ge [sflag:s22], $0x1800  }
0x8a: {  	[sflag:s22] =	ssyncset.done $0x0  }
0x8b: {  	[sflag:s22] =	ssyncadd.s32 $0xFFFFE800  }
0x8c: {  	[spmem:s2] =	stream.indirect.scatter.add.f32 [tilespmem:s17], [sflag:$0x8], $0x20, s5, s12, $0xb8;
	[tilespmem:$0x1FA00] =	vst v63  }
0x8d: {  	_ =	swait.ge [sflag:s23], $0x1800  }
0x8e: {  	[sflag:s23] =	ssyncset.done $0x0  }
0x8f: {  	[sflag:s23] =	ssyncadd.s32 $0xFFFFE800  }
0x90: {  	s6 =	simm.s32 $0x240;
	_ =	swait.ge [sflag:s24], $0x1800  }
0x91: {  	s8 =	simm.s32 $0x120;
	s9 =	rddreg [dreg:$0x4];
	[sflag:s24] =	ssyncset.done $0x0  }
.LBB2_2:
0x92: {  	[sflag:s24] =	ssyncadd.s32 $0xFFFFE800;
	s9 =	sadd.s32 s8, s9  }
0x93: {  	[tilespmem:s3], [sflag:$0x9] =	stream.linear.gather [hbm4b:s9+s3], $0x900, $0x38;
	[tilespmem:$0x1FA00] =	vst v63  }
0x94: {  	_ =	swait.ge [sflag:s10], $0x900  }
0x95: {  	s9 =	rddreg [dreg:$0x3];
	[sflag:s10] =	ssyncset.done $0x0  }
0x96: {  	[sflag:s10] =	ssyncadd.s32 $0xFFFFF700;
	s9 =	sadd.s32 s8, s9  }
0x97: {  	[tilespmem:s11], [sflag:$0x9] =	stream.linear.gather [hbm4b:s9+s3], $0x900, $0x38;
	[tilespmem:$0x1FA00] =	vst v63  }
0x98: {  	_ =	swait.ge [sflag:s10], $0x900  }
0x99: {  	[sflag:s10] =	ssyncset.done $0x0  }
0x9a: {  	[sflag:s10] =	ssyncadd.s32 $0xFFFFF700  }
0x9b: {  	[tilespmem:s13], [sflag:$0x1] =	stream.indirect.gather [hbm4b:s4+s12], $0x20, s3, s12, $0xb8;
	[tilespmem:$0x1FA00] =	vst v63  }
0x9c: {  	_ = 	snop  }
0x9d: {  	[tilespmem:s14], [sflag:$0x2] =	stream.indirect.gather [hbm4b:s4+s12], $0x20, s12, s12, $0xb8;
	[tilespmem:$0x1FA00] =	vst v63  }
0x9e: {  	s9 =	rddreg [dreg:$0x5]  }
0x9f: {  	[tilespmem:s15], [sflag:$0x3] =	stream.indirect.gather [hbm4b:s4+s12], $0x20, s9, s12, $0xb8;
	[tilespmem:$0x1FA00] =	vst v63  }
0xa0: {  	_ =	swait.ge [sflag:s16], $0x1800  }
0xa1: {  	[sflag:s16] =	ssyncset.done $0x0  }
0xa2: {  	[sflag:s16] =	ssyncadd.s32 $0xFFFFE800  }
0xa3: {  	[spmem:s2] =	stream.indirect.scatter.add.f32 [tilespmem:s13], [sflag:$0x5], $0x20, s11, s12, $0xb8;
	[tilespmem:$0x1FA00] =	vst v63  }
0xa4: {  	s9 =	rddreg [dreg:$0x6]  }
0xa5: {  	[tilespmem:s17], [sflag:$0x4] =	stream.indirect.gather [hbm4b:s4+s12], $0x20, s9, s12, $0xb8;
	[tilespmem:$0x1FA00] =	vst v63  }
0xa6: {  	_ =	swait.ge [sflag:s18], $0x1800  }
0xa7: {  	[sflag:s18] =	ssyncset.done $0x0  }
0xa8: {  	s9 =	rddreg [dreg:$0x7];
	[sflag:s18] =	ssyncadd.s32 $0xFFFFE800  }
0xa9: {  	[spmem:s2] =	stream.indirect.scatter.add.f32 [tilespmem:s14], [sflag:$0x6], $0x20, s9, s12, $0xb8;
	[tilespmem:$0x1FA00] =	vst v63  }
0xaa: {  	_ =	swait.ge [sflag:s19], $0x1800  }
0xab: {  	[sflag:s19] =	ssyncset.done $0x0  }
0xac: {  	s9 =	rddreg [dreg:$0x8];
	[sflag:s19] =	ssyncadd.s32 $0xFFFFE800  }
0xad: {  	[tilespmem:s13], [sflag:$0x1] =	stream.indirect.gather [hbm4b:s4+s12], $0x20, s9, s12, $0xb8;
	[tilespmem:$0x1FA00] =	vst v63  }
0xae: {  	_ =	swait.ge [sflag:s20], $0x1800  }
0xaf: {  	[sflag:s20] =	ssyncset.done $0x0  }
0xb0: {  	s9 =	rddreg [dreg:$0x9];
	[sflag:s20] =	ssyncadd.s32 $0xFFFFE800  }
0xb1: {  	[spmem:s2] =	stream.indirect.scatter.add.f32 [tilespmem:s15], [sflag:$0x7], $0x20, s9, s12, $0xb8;
	[tilespmem:$0x1FA00] =	vst v63  }
0xb2: {  	_ =	swait.ge [sflag:s21], $0x1800  }
0xb3: {  	[sflag:s21] =	ssyncset.done $0x0  }
0xb4: {  	s9 =	rddreg [dreg:$0xa];
	[sflag:s21] =	ssyncadd.s32 $0xFFFFE800  }
0xb5: {  	[tilespmem:s14], [sflag:$0x2] =	stream.indirect.gather [hbm4b:s4+s12], $0x20, s9, s12, $0xb8;
	[tilespmem:$0x1FA00] =	vst v63  }
0xb6: {  	_ =	swait.ge [sflag:s22], $0x1800  }
0xb7: {  	[sflag:s22] =	ssyncset.done $0x0  }
0xb8: {  	s9 =	rddreg [dreg:$0xb];
	[sflag:s22] =	ssyncadd.s32 $0xFFFFE800  }
0xb9: {  	[spmem:s2] =	stream.indirect.scatter.add.f32 [tilespmem:s17], [sflag:$0x8], $0x20, s9, s12, $0xb8;
	[tilespmem:$0x1FA00] =	vst v63  }
0xba: {  	_ =	swait.ge [sflag:s23], $0x1800  }
0xbb: {  	[sflag:s23] =	ssyncset.done $0x0  }
0xbc: {  	s9 =	rddreg [dreg:$0xc];
	[sflag:s23] =	ssyncadd.s32 $0xFFFFE800  }
0xbd: {  	[tilespmem:s15], [sflag:$0x3] =	stream.indirect.gather [hbm4b:s4+s12], $0x20, s9, s12, $0xb8;
	[tilespmem:$0x1FA00] =	vst v63  }
0xbe: {  	_ =	swait.ge [sflag:s16], $0x1800  }
0xbf: {  	[sflag:s16] =	ssyncset.done $0x0  }
0xc0: {  	s9 =	rddreg [dreg:$0xd];
	[sflag:s16] =	ssyncadd.s32 $0xFFFFE800  }
0xc1: {  	[spmem:s2] =	stream.indirect.scatter.add.f32 [tilespmem:s13], [sflag:$0x5], $0x20, s9, s12, $0xb8;
	[tilespmem:$0x1FA00] =	vst v63  }
0xc2: {  	_ =	swait.ge [sflag:s24], $0x1800  }
0xc3: {  	[sflag:s24] =	ssyncset.done $0x0  }
0xc4: {  	s9 =	rddreg [dreg:$0xe];
	[sflag:s24] =	ssyncadd.s32 $0xFFFFE800  }
0xc5: {  	[tilespmem:s17], [sflag:$0x4] =	stream.indirect.gather [hbm4b:s4+s12], $0x20, s9, s12, $0xb8;
	[tilespmem:$0x1FA00] =	vst v63  }
0xc6: {  	_ =	swait.ge [sflag:s18], $0x1800  }
0xc7: {  	[sflag:s18] =	ssyncset.done $0x0  }
0xc8: {  	s9 =	rddreg [dreg:$0xf];
	[sflag:s18] =	ssyncadd.s32 $0xFFFFE800  }
0xc9: {  	[spmem:s2] =	stream.indirect.scatter.add.f32 [tilespmem:s14], [sflag:$0x6], $0x20, s9, s12, $0xb8;
	[tilespmem:$0x1FA00] =	vst v63  }
0xca: {  	_ =	swait.ge [sflag:s19], $0x1800  }
0xcb: {  	[sflag:s19] =	ssyncset.done $0x0  }
0xcc: {  	s9 =	rddreg [dreg:$0x10];
	[sflag:s19] =	ssyncadd.s32 $0xFFFFE800  }
0xcd: {  	[tilespmem:s13], [sflag:$0x1] =	stream.indirect.gather [hbm4b:s4+s12], $0x20, s9, s12, $0xb8;
	[tilespmem:$0x1FA00] =	vst v63  }
0xce: {  	_ =	swait.ge [sflag:s20], $0x1800  }
0xcf: {  	[sflag:s20] =	ssyncset.done $0x0  }
0xd0: {  	[sflag:s20] =	ssyncadd.s32 $0xFFFFE800  }
0xd1: {  	[spmem:s2] =	stream.indirect.scatter.add.f32 [tilespmem:s15], [sflag:$0x7], $0x20, s25, s12, $0xb8;
	[tilespmem:$0x1FA00] =	vst v63  }
0xd2: {  	_ =	swait.ge [sflag:s21], $0x1800  }
0xd3: {  	[sflag:s21] =	ssyncset.done $0x0  }
0xd4: {  	[sflag:s21] =	ssyncadd.s32 $0xFFFFE800  }
0xd5: {  	[tilespmem:s14], [sflag:$0x2] =	stream.indirect.gather [hbm4b:s4+s12], $0x20, s26, s12, $0xb8;
	[tilespmem:$0x1FA00] =	vst v63  }
0xd6: {  	_ =	swait.ge [sflag:s22], $0x1800  }
0xd7: {  	[sflag:s22] =	ssyncset.done $0x0  }
0xd8: {  	[sflag:s22] =	ssyncadd.s32 $0xFFFFE800  }
0xd9: {  	[spmem:s2] =	stream.indirect.scatter.add.f32 [tilespmem:s17], [sflag:$0x8], $0x20, s28, s12, $0xb8;
	[tilespmem:$0x1FA00] =	vst v63  }
0xda: {  	_ =	swait.ge [sflag:s23], $0x1800  }
0xdb: {  	[sflag:s23] =	ssyncset.done $0x0  }
0xdc: {  	[sflag:s23] =	ssyncadd.s32 $0xFFFFE800  }
0xdd: {  	[tilespmem:s15], [sflag:$0x3] =	stream.indirect.gather [hbm4b:s4+s12], $0x20, s29, s12, $0xb8;
	[tilespmem:$0x1FA00] =	vst v63  }
0xde: {  	_ =	swait.ge [sflag:s16], $0x1800  }
0xdf: {  	[sflag:s16] =	ssyncset.done $0x0  }
0xe0: {  	[sflag:s16] =	ssyncadd.s32 $0xFFFFE800  }
0xe1: {  	[spmem:s2] =	stream.indirect.scatter.add.f32 [tilespmem:s13], [sflag:$0x5], $0x20, s30, s12, $0xb8;
	[tilespmem:$0x1FA00] =	vst v63  }
0xe2: {  	_ =	swait.ge [sflag:s24], $0x1800  }
0xe3: {  	[sflag:s24] =	ssyncset.done $0x0  }
0xe4: {  	[sflag:s24] =	ssyncadd.s32 $0xFFFFE800  }
0xe5: {  	[tilespmem:s17], [sflag:$0x4] =	stream.indirect.gather [hbm4b:s4+s12], $0x20, s31, s12, $0xb8;
	[tilespmem:$0x1FA00] =	vst v63  }
0xe6: {  	_ =	swait.ge [sflag:s18], $0x1800  }
0xe7: {  	[sflag:s18] =	ssyncset.done $0x0  }
0xe8: {  	[sflag:s18] =	ssyncadd.s32 $0xFFFFE800  }
0xe9: {  	[spmem:s2] =	stream.indirect.scatter.add.f32 [tilespmem:s14], [sflag:$0x6], $0x20, s0, s12, $0xb8;
	[tilespmem:$0x1FA00] =	vst v63  }
0xea: {  	_ =	swait.ge [sflag:s19], $0x1800  }
0xeb: {  	[sflag:s19] =	ssyncset.done $0x0  }
0xec: {  	[sflag:s19] =	ssyncadd.s32 $0xFFFFE800  }
0xed: {  	_ =	swait.ge [sflag:s20], $0x1800  }
0xee: {  	[sflag:s20] =	ssyncset.done $0x0  }
0xef: {  	[sflag:s20] =	ssyncadd.s32 $0xFFFFE800  }
0xf0: {  	[spmem:s2] =	stream.indirect.scatter.add.f32 [tilespmem:s15], [sflag:$0x7], $0x20, s1, s12, $0xb8;
	[tilespmem:$0x1FA00] =	vst v63  }
0xf1: {  	_ =	swait.ge [sflag:s21], $0x1800  }
0xf2: {  	[sflag:s21] =	ssyncset.done $0x0  }
0xf3: {  	[sflag:s21] =	ssyncadd.s32 $0xFFFFE800  }
0xf4: {  	_ =	swait.ge [sflag:s22], $0x1800  }
0xf5: {  	[sflag:s22] =	ssyncset.done $0x0  }
0xf6: {  	p0 =	sne.s32 s6, $0x17A0;
	[sflag:s22] =	ssyncadd.s32 $0xFFFFE800  }
0xf7: {  	[spmem:s2] =	stream.indirect.scatter.add.f32 [tilespmem:s17], [sflag:$0x8], $0x20, s5, s12, $0xb8;
	[tilespmem:$0x1FA00] =	vst v63  }
.Ltmp0:
0xf8: {  	_ =	swait.ge [sflag:s23], $0x1800;
	(pc) =	sbr.rel @p0 .LBB2_2-.Ltmp0, $4  }
0xf9: {  	[sflag:s23] =	ssyncset.done $0x0  }
0xfa: {  	[sflag:s23] =	ssyncadd.s32 $0xFFFFE800  }
0xfb: {  	s7 =	smov.u32 s6;
	s6 =	sadd.s32 $0x120, s6;
	_ =	swait.ge [sflag:s24], $0x1800  }
0xfc: {  	s8 =	smov.u32 s7;
	s9 =	rddreg [dreg:$0x4];
	[sflag:s24] =	ssyncset.done $0x0  }
0xfd: {  	[sflag:s24] =	ssyncadd.s32 $0xFFFFE800;
	s6 =	sadd.s32 s8, s9  }
0xfe: {  	[tilespmem:s3], [sflag:$0x9] =	stream.linear.gather [hbm4b:s6+s3], $0x900, $0x38;
	[tilespmem:$0x1FA00] =	vst v63  }
0xff: {  	_ =	swait.ge [sflag:s10], $0x900  }
0x100: {  	s7 =	rddreg [dreg:$0x3];
	[sflag:s10] =	ssyncset.done $0x0  }
0x101: {  	s6 =	sadd.s32 s8, s7;
	[sflag:s10] =	ssyncadd.s32 $0xFFFFF700  }
0x102: {  	[tilespmem:s11], [sflag:$0x9] =	stream.linear.gather [hbm4b:s6+s3], $0x900, $0x38;
	[tilespmem:$0x1FA00] =	vst v63  }
0x103: {  	_ =	swait.ge [sflag:s10], $0x900  }
0x104: {  	[sflag:s10] =	ssyncset.done $0x0  }
0x105: {  	[sflag:s10] =	ssyncadd.s32 $0xFFFFF700  }
0x106: {  	[tilespmem:s13], [sflag:$0x1] =	stream.indirect.gather [hbm4b:s4+s12], $0x20, s3, s12, $0xb8;
	[tilespmem:$0x1FA00] =	vst v63  }
0x107: {  	_ = 	snop  }
0x108: {  	[tilespmem:s14], [sflag:$0x2] =	stream.indirect.gather [hbm4b:s4+s12], $0x20, s12, s12, $0xb8;
	[tilespmem:$0x1FA00] =	vst v63  }
0x109: {  	s9 =	rddreg [dreg:$0x5]  }
0x10a: {  	[tilespmem:s15], [sflag:$0x3] =	stream.indirect.gather [hbm4b:s4+s12], $0x20, s9, s12, $0xb8;
	[tilespmem:$0x1FA00] =	vst v63  }
0x10b: {  	_ =	swait.ge [sflag:s16], $0x1800  }
0x10c: {  	[sflag:s16] =	ssyncset.done $0x0  }
0x10d: {  	[sflag:s16] =	ssyncadd.s32 $0xFFFFE800  }
0x10e: {  	[spmem:s2] =	stream.indirect.scatter.add.f32 [tilespmem:s13], [sflag:$0x5], $0x20, s11, s12, $0xb8;
	[tilespmem:$0x1FA00] =	vst v63  }
0x10f: {  	s7 =	rddreg [dreg:$0x6]  }
0x110: {  	[tilespmem:s17], [sflag:$0x4] =	stream.indirect.gather [hbm4b:s4+s12], $0x20, s7, s12, $0xb8;
	[tilespmem:$0x1FA00] =	vst v63  }
0x111: {  	_ =	swait.ge [sflag:s18], $0x1800  }
0x112: {  	[sflag:s18] =	ssyncset.done $0x0  }
0x113: {  	s8 =	rddreg [dreg:$0x7];
	[sflag:s18] =	ssyncadd.s32 $0xFFFFE800  }
0x114: {  	[spmem:s2] =	stream.indirect.scatter.add.f32 [tilespmem:s14], [sflag:$0x6], $0x20, s8, s12, $0xb8;
	[tilespmem:$0x1FA00] =	vst v63  }
0x115: {  	_ =	swait.ge [sflag:s19], $0x1800  }
0x116: {  	[sflag:s19] =	ssyncset.done $0x0  }
0x117: {  	s9 =	rddreg [dreg:$0x8];
	[sflag:s19] =	ssyncadd.s32 $0xFFFFE800  }
0x118: {  	[tilespmem:s13], [sflag:$0x1] =	stream.indirect.gather [hbm4b:s4+s12], $0x20, s9, s12, $0xb8;
	[tilespmem:$0x1FA00] =	vst v63  }
0x119: {  	_ =	swait.ge [sflag:s20], $0x1800  }
0x11a: {  	[sflag:s20] =	ssyncset.done $0x0  }
0x11b: {  	s7 =	rddreg [dreg:$0x9];
	[sflag:s20] =	ssyncadd.s32 $0xFFFFE800  }
0x11c: {  	[spmem:s2] =	stream.indirect.scatter.add.f32 [tilespmem:s15], [sflag:$0x7], $0x20, s7, s12, $0xb8;
	[tilespmem:$0x1FA00] =	vst v63  }
0x11d: {  	_ =	swait.ge [sflag:s21], $0x1800  }
0x11e: {  	[sflag:s21] =	ssyncset.done $0x0  }
0x11f: {  	s8 =	rddreg [dreg:$0xa];
	[sflag:s21] =	ssyncadd.s32 $0xFFFFE800  }
0x120: {  	[tilespmem:s14], [sflag:$0x2] =	stream.indirect.gather [hbm4b:s4+s12], $0x20, s8, s12, $0xb8;
	[tilespmem:$0x1FA00] =	vst v63  }
0x121: {  	_ =	swait.ge [sflag:s22], $0x1800  }
0x122: {  	[sflag:s22] =	ssyncset.done $0x0  }
0x123: {  	s9 =	rddreg [dreg:$0xb];
	[sflag:s22] =	ssyncadd.s32 $0xFFFFE800  }
0x124: {  	[spmem:s2] =	stream.indirect.scatter.add.f32 [tilespmem:s17], [sflag:$0x8], $0x20, s9, s12, $0xb8;
	[tilespmem:$0x1FA00] =	vst v63  }
0x125: {  	_ =	swait.ge [sflag:s23], $0x1800  }
0x126: {  	[sflag:s23] =	ssyncset.done $0x0  }
0x127: {  	s7 =	rddreg [dreg:$0xc];
	[sflag:s23] =	ssyncadd.s32 $0xFFFFE800  }
0x128: {  	[tilespmem:s15], [sflag:$0x3] =	stream.indirect.gather [hbm4b:s4+s12], $0x20, s7, s12, $0xb8;
	[tilespmem:$0x1FA00] =	vst v63  }
0x129: {  	_ =	swait.ge [sflag:s16], $0x1800  }
0x12a: {  	[sflag:s16] =	ssyncset.done $0x0  }
0x12b: {  	s8 =	rddreg [dreg:$0xd];
	[sflag:s16] =	ssyncadd.s32 $0xFFFFE800  }
0x12c: {  	[spmem:s2] =	stream.indirect.scatter.add.f32 [tilespmem:s13], [sflag:$0x5], $0x20, s8, s12, $0xb8;
	[tilespmem:$0x1FA00] =	vst v63  }
0x12d: {  	_ =	swait.ge [sflag:s24], $0x1800  }
0x12e: {  	[sflag:s24] =	ssyncset.done $0x0  }
0x12f: {  	s9 =	rddreg [dreg:$0xe];
	[sflag:s24] =	ssyncadd.s32 $0xFFFFE800  }
0x130: {  	[tilespmem:s17], [sflag:$0x4] =	stream.indirect.gather [hbm4b:s4+s12], $0x20, s9, s12, $0xb8;
	[tilespmem:$0x1FA00] =	vst v63  }
0x131: {  	_ =	swait.ge [sflag:s18], $0x1800  }
0x132: {  	[sflag:s18] =	ssyncset.done $0x0  }
0x133: {  	s7 =	rddreg [dreg:$0xf];
	[sflag:s18] =	ssyncadd.s32 $0xFFFFE800  }
0x134: {  	[spmem:s2] =	stream.indirect.scatter.add.f32 [tilespmem:s14], [sflag:$0x6], $0x20, s7, s12, $0xb8;
	[tilespmem:$0x1FA00] =	vst v63  }
0x135: {  	_ =	swait.ge [sflag:s19], $0x1800  }
0x136: {  	[sflag:s19] =	ssyncset.done $0x0  }
0x137: {  	s8 =	rddreg [dreg:$0x10];
	[sflag:s19] =	ssyncadd.s32 $0xFFFFE800  }
0x138: {  	[tilespmem:s13], [sflag:$0x1] =	stream.indirect.gather [hbm4b:s4+s12], $0x20, s8, s12, $0xb8;
	[tilespmem:$0x1FA00] =	vst v63  }
0x139: {  	_ =	swait.ge [sflag:s20], $0x1800  }
0x13a: {  	[sflag:s20] =	ssyncset.done $0x0  }
0x13b: {  	[sflag:s20] =	ssyncadd.s32 $0xFFFFE800  }
0x13c: {  	[spmem:s2] =	stream.indirect.scatter.add.f32 [tilespmem:s15], [sflag:$0x7], $0x20, s25, s12, $0xb8;
	[tilespmem:$0x1FA00] =	vst v63  }
0x13d: {  	_ =	swait.ge [sflag:s21], $0x1800  }
0x13e: {  	[sflag:s21] =	ssyncset.done $0x0  }
0x13f: {  	[sflag:s21] =	ssyncadd.s32 $0xFFFFE800  }
0x140: {  	[tilespmem:s14], [sflag:$0x2] =	stream.indirect.gather [hbm4b:s4+s12], $0x20, s26, s12, $0xb8;
	[tilespmem:$0x1FA00] =	vst v63  }
0x141: {  	_ =	swait.ge [sflag:s22], $0x1800  }
0x142: {  	[sflag:s22] =	ssyncset.done $0x0  }
0x143: {  	[sflag:s22] =	ssyncadd.s32 $0xFFFFE800  }
0x144: {  	[spmem:s2] =	stream.indirect.scatter.add.f32 [tilespmem:s17], [sflag:$0x8], $0x20, s28, s12, $0xb8;
	[tilespmem:$0x1FA00] =	vst v63  }
0x145: {  	_ =	swait.ge [sflag:s23], $0x1800  }
0x146: {  	[sflag:s23] =	ssyncset.done $0x0  }
0x147: {  	[sflag:s23] =	ssyncadd.s32 $0xFFFFE800  }
0x148: {  	[tilespmem:s15], [sflag:$0x3] =	stream.indirect.gather [hbm4b:s4+s12], $0x20, s29, s12, $0xb8;
	[tilespmem:$0x1FA00] =	vst v63  }
0x149: {  	_ =	swait.ge [sflag:s16], $0x1800  }
0x14a: {  	[sflag:s16] =	ssyncset.done $0x0  }
0x14b: {  	[sflag:s16] =	ssyncadd.s32 $0xFFFFE800  }
0x14c: {  	[spmem:s2] =	stream.indirect.scatter.add.f32 [tilespmem:s13], [sflag:$0x5], $0x20, s30, s12, $0xb8;
	[tilespmem:$0x1FA00] =	vst v63  }
0x14d: {  	_ =	swait.ge [sflag:s24], $0x1800  }
0x14e: {  	[sflag:s24] =	ssyncset.done $0x0  }
0x14f: {  	[sflag:s24] =	ssyncadd.s32 $0xFFFFE800  }
0x150: {  	[tilespmem:s17], [sflag:$0x4] =	stream.indirect.gather [hbm4b:s4+s12], $0x20, s31, s12, $0xb8;
	[tilespmem:$0x1FA00] =	vst v63  }
0x151: {  	_ =	swait.ge [sflag:s18], $0x1800  }
0x152: {  	[sflag:s18] =	ssyncset.done $0x0  }
0x153: {  	[sflag:s18] =	ssyncadd.s32 $0xFFFFE800  }
0x154: {  	[spmem:s2] =	stream.indirect.scatter.add.f32 [tilespmem:s14], [sflag:$0x6], $0x20, s0, s12, $0xb8;
	[tilespmem:$0x1FA00] =	vst v63  }
0x155: {  	_ =	swait.ge [sflag:s19], $0x1800  }
0x156: {  	[sflag:s19] =	ssyncset.done $0x0  }
0x157: {  	[sflag:s19] =	ssyncadd.s32 $0xFFFFE800  }
0x158: {  	_ =	swait.ge [sflag:s20], $0x1800  }
0x159: {  	[sflag:s20] =	ssyncset.done $0x0  }
0x15a: {  	[sflag:s20] =	ssyncadd.s32 $0xFFFFE800  }
0x15b: {  	[spmem:s2] =	stream.indirect.scatter.add.f32 [tilespmem:s15], [sflag:$0x7], $0x20, s1, s12, $0xb8;
	[tilespmem:$0x1FA00] =	vst v63  }
0x15c: {  	_ =	swait.ge [sflag:s21], $0x1800  }
0x15d: {  	[sflag:s21] =	ssyncset.done $0x0  }
0x15e: {  	[sflag:s21] =	ssyncadd.s32 $0xFFFFE800  }
0x15f: {  	_ =	swait.ge [sflag:s22], $0x1800  }
0x160: {  	[sflag:s22] =	ssyncset.done $0x0  }
0x161: {  	[sflag:s22] =	ssyncadd.s32 $0xFFFFE800  }
0x162: {  	[spmem:s2] =	stream.indirect.scatter.add.f32 [tilespmem:s17], [sflag:$0x8], $0x20, s5, s12, $0xb8;
	[tilespmem:$0x1FA00] =	vst v63  }
0x163: {  	_ =	swait.ge [sflag:s23], $0x1800  }
0x164: {  	[sflag:s23] =	ssyncset.done $0x0  }
0x165: {  	[sflag:s23] =	ssyncadd.s32 $0xFFFFE800  }
0x166: {  	_ =	swait.ge [sflag:s24], $0x1800  }
0x167: {  	[sflag:s24] =	ssyncset.done $0x0  }
0x168: {  	[sflag:s24] =	ssyncadd.s32 $0xFFFFE800  }
0x169: {  	[bflag:$0x0] =	sbarrier.arrive $0xFFFF  }
0x16a: {  	s8 =	rddreg [dreg:$0x12]  }
0x16b: {  	s9 =	rddreg [dreg:$0x13]  }
0x16c: {  	s7 =	rddreg [dreg:$0x15]  }
0x16d: {  	[hbm:s9], [sflag:s8] =	dma.local [spmem:s7], $0x3100  }
0x16e: {  	_ =	swait.ge [sflag:s10], $0x3100  }
0x16f: {  	s6 =	rddreg [dreg:$0x16]  }
0x170: {  	s9 =	sadd.s32 $0x1, s6;
	s6 =	rddreg [dreg:$0x14]  }
0x171: {  	p0 =	sne.s32 s9, s6  }
.Ltmp1:
0x172: {  	_ = 	snop;
	(pc) =	sbr.rel @p0 .LBB2_1-.Ltmp1, $3  }
0x173: {  	_ =	sdelay $0x1  }
0x174: {  	[sflag:s10] =	ssyncset.done $0x0  }
0x175: {  	[sflag:s10] =	ssyncadd.s32 $0xFFFFCF00  }
0x176: {  	_ =	sfence.sel $0x180000  }
0x177: {  	[bflag:$0x0] =	sbarrier.arrive $0xFFFF  }
0x178: {  	_ =	strace $0x90000047  }
0x179: {  	s0 =	stileid.u32;
	[bflag:$0x2] =	sbarrier.arrive $0xFFFF  }
0x17a: {  	p0 =	sne.s32 s0, $0x0;
	s0 =	rddreg [dreg:$0x2]  }
0x17b: {  	s0 =	sadd.s32 @!p0 $0x100000, s0  }
0x17c: {  	[sflag:s0] =	ssyncadd.tile.s32 @!p0 $0x1;
	_ =	shalt  }
.Lfunc_end2:
_tile_overlayer_lowered:
.L_overlay_start_2:
0x17d: {  	(tag) =	ssettag $0x2  }
0x17e: {  	s0 =	rddreg [dreg:$0x0];
	s2 =	stileid.u32  }
0x17f: {  	s1 =	rddreg [dreg:$0x1];
	p0 =	sne.s32 s2, $0x0  }
0x180: {  	s3 =	rddreg [dreg:$0x2];
	[bflag:$0x3] =	sbarrier.arrive $0xFFFF;
	s2 =	simm.s32 @!p0 $0x1C09  }
0x181: {  	[timem:s3], [sflag:s2] =	dma.local @!p0 [hbm:s0], s1  }
0x182: {  	s0 =	simm.s32 @!p0 $0x9  }
0x183: {  	_ =	swait.ge @!p0 [sflag:s0], s1  }
0x184: {  	s1 =	ssub.s32 @!p0 $0x0, s1;
	[sflag:s0] =	ssyncset.done @!p0 $0x0  }
0x185: {  	[sflag:s0] =	ssyncadd.s32 @!p0 s1  }
0x186: {  	[bflag:$0x3] =	sbarrier.arrive $0xFFFF  }
0x187: {  	_ =	shalt  }

// kernel: segsum_sc.7.cloned.1.call-start
scs
__scs_entry_jumppad:
0x0: {  	(pc) =	sbr.rel $0x88, $3  }
0x1: {  	(tag) =	ssettag $0x0;
	lr =	simm.s32 $0x1  }
0x2: {  	[smem:$0x3F82] =	sst lr;
	_ =	strace $0xD0000000  }
0x3: {  	_ = 	snop  }
0x4: {  	_ = 	snop  }
0x5: {  	_ = 	snop  }
0x6: {  	_ = 	snop  }
0x7: {  	_ = 	snop  }
__scs_overlays_trampoline_lowered:
0x8: {  	[smem:$0x3F91] =	sst s0  }
0x9: {  	[smem:$0x3F92] =	sst s1  }
0xa: {  	[smem:$0x3F93] =	sst s2  }
0xb: {  	[smem:$0x3F94] =	sst s3  }
0xc: {  	[smem:$0x3F95] =	sst s4  }
0xd: {  	[smem:$0x3F96] =	sst s5  }
0xe: {  	[smem:$0x3F97] =	sst s6  }
0xf: {  	[smem:$0x3F98] =	sst s7  }
0x10: {  	[smem:$0x3F99] =	sst s8  }
0x11: {  	[smem:$0x3F9A] =	sst s9;
	s0 =	simm.s32 @!p0 $0x0  }
0x12: {  	s1 =	sld [smem:$0x3F80];
	s0 =	simm.s32 @p0 $0x1  }
0x13: {  	[smem:$0x3F9B] =	sst s0;
	s0 =	simm.s32 @!p1 $0x0  }
0x14: {  	s2 =	sld [smem:$0x3F7F];
	s0 =	simm.s32 @p1 $0x1  }
0x15: {  	[smem:$0x3F9C] =	sst s0;
	s0 =	simm.s32 @!p2 $0x0  }
0x16: {  	s3 =	sld [smem:$0x3FDB];
	s0 =	simm.s32 @p2 $0x1  }
0x17: {  	s4 =	simm.s32 $0x1BF5;
	[smem:$0x3F9E] =	sst s0  }
0x18: {  	s0 =	sld [smem:$0x3F81];
	_ =	swait.ge [sflag:s4], $0x0  }
0x19: {  	s7 =	sld [smem:$0x3F82]  }
0x1a: {  	s8 =	sadd.s32 $0xFFFFE003, lr  }
0x1b: {  	s9 =	sadd.s32 $0xFFFFFEF7, lr;
	s5 =	simm.s32 $0xFFFFFFFF;
	p2 =	slt.u32 s8, $0xFFFFF086  }
0x1c: {  	p1 =	slt.u32 s9, $0xF7A;
	s5 =	simm.s32 @!p2 $0x0  }
0x1d: {  	s5 =	simm.s32 @p1 $0x1;
	p0 =	seq.s32 s7, s2  }
0x1e: {  	s7 =	smul.u32 @!p0 $0xF7A, s2;
	p2 =	seq.s32 @!p0 s5, $0x0  }
0x1f: {  	s9 =	smul.u32 $0xF7A, s1;
	s8 =	simm.s32 @!p0 $0x1BF5;
	p2 =	por !p2, p0  }
0x20: {  	[sflag:s8] =	ssyncset.s32 @!p0 $0xFFFFF086;
	s6 =	sadd.s32 @!p0 s3, s7;
	s7 =	simm.s32 @!p0 $0x108  }
0x21: {  	s3 =	sadd.s32 s3, s9;
	s6 =	sadd.s32 @!p0 $0x88, s6;
	s7 =	simm.s32 @p2 $0x1082  }
0x22: {  	[simem:s7], [sflag:s8] =	dma.local @!p0 [hbm:s6], $0xF7A  }
0x23: {  	s9 =	sor.u32 $0xD0000000, s2;
	s6 =	simm.s32 $0x108;
	_ =	swait.ge @!p0 [sflag:s8], $0x0  }
0x24: {  	s3 =	sadd.s32 $0x88, s3;
	s6 =	simm.s32 @!p1 $0x1082;
	[sflag:s4] =	ssyncset.s32 $0xFFFFF086  }
0x25: {  	[simem:s6], [sflag:s4] =	dma.local [hbm:s3], $0xF7A  }
0x26: {  	[smem:$0x3F82] =	sst s1;
	(tag) =	ssettag s2;
	_ =	strace s9  }
0x27: {  	s1 =	sld [smem:$0x3F92]  }
0x28: {  	s2 =	sld [smem:$0x3F93]  }
0x29: {  	s4 =	sld [smem:$0x3F95]  }
0x2a: {  	p0 =	seq.s32 s5, $0x0;
	s5 =	sld [smem:$0x3F96]  }
0x2b: {  	s6 =	sld [smem:$0x3F97]  }
0x2c: {  	s7 =	sld [smem:$0x3F98]  }
0x2d: {  	s3 =	simm.s32 $0x108;
	s8 =	sld [smem:$0x3F99]  }
0x2e: {  	s3 =	simm.s32 @!p0 $0x1082;
	s9 =	sld [smem:$0x3F9A]  }
0x2f: {  	lr =	sadd.s32 s0, s3;
	s0 =	sld [smem:$0x3F91]  }
0x30: {  	s3 =	sld [smem:$0x3F94]  }
0x31: {  	[smem:$0x3F9D] =	sst s10  }
0x32: {  	s10 =	sld [smem:$0x3F9B];
	_ =	sdelay $0x3  }
0x33: {  	p0 =	seq.s32 s10, $0x1;
	s10 =	sld [smem:$0x3F9D];
	_ =	sdelay $0x3  }
0x34: {  	[smem:$0x3F9D] =	sst s10  }
0x35: {  	s10 =	sld [smem:$0x3F9C];
	_ =	sdelay $0x3  }
0x36: {  	p1 =	seq.s32 s10, $0x1;
	s10 =	sld [smem:$0x3F9D];
	_ =	sdelay $0x3  }
0x37: {  	[smem:$0x3F9D] =	sst s10  }
0x38: {  	s10 =	sld [smem:$0x3F9E]  }
0x39: {  	_ = 	snop;
	(pc) =	sbr.ind lr, $3  }
0x3a: {  	_ = 	snop  }
0x3b: {  	_ = 	snop  }
0x3c: {  	p2 =	seq.s32 s10, $0x1;
	s10 =	sld [smem:$0x3F9D]  }
0x3d: {  	_ =	shalt  }
0x3e: {  	_ =	shalt  }
0x3f: {  	_ =	shalt  }
0x40: {  	_ =	shalt  }
0x41: {  	_ =	shalt  }
0x42: {  	_ =	shalt  }
0x43: {  	_ =	shalt  }
0x44: {  	_ =	shalt  }
0x45: {  	_ =	shalt  }
0x46: {  	_ =	shalt  }
0x47: {  	_ =	shalt  }
0x48: {  	_ =	shalt  }
0x49: {  	_ =	shalt  }
0x4a: {  	_ =	shalt  }
0x4b: {  	_ =	shalt  }
0x4c: {  	_ =	shalt  }
0x4d: {  	_ =	shalt  }
0x4e: {  	_ =	shalt  }
0x4f: {  	_ =	shalt  }
0x50: {  	_ =	shalt  }
0x51: {  	_ =	shalt  }
0x52: {  	_ =	shalt  }
0x53: {  	_ =	shalt  }
0x54: {  	_ =	shalt  }
0x55: {  	_ =	shalt  }
0x56: {  	_ =	shalt  }
0x57: {  	_ =	shalt  }
0x58: {  	_ =	shalt  }
0x59: {  	_ =	shalt  }
0x5a: {  	_ =	shalt  }
0x5b: {  	_ =	shalt  }
0x5c: {  	_ =	shalt  }
0x5d: {  	_ =	shalt  }
0x5e: {  	_ =	shalt  }
0x5f: {  	_ =	shalt  }
0x60: {  	_ =	shalt  }
0x61: {  	_ =	shalt  }
0x62: {  	_ =	shalt  }
0x63: {  	_ =	shalt  }
0x64: {  	_ =	shalt  }
0x65: {  	_ =	shalt  }
0x66: {  	_ =	shalt  }
0x67: {  	_ =	shalt  }
0x68: {  	_ =	shalt  }
0x69: {  	_ =	shalt  }
0x6a: {  	_ =	shalt  }
0x6b: {  	_ =	shalt  }
0x6c: {  	_ =	shalt  }
0x6d: {  	_ =	shalt  }
0x6e: {  	_ =	shalt  }
0x6f: {  	_ =	shalt  }
0x70: {  	_ =	shalt  }
0x71: {  	_ =	shalt  }
0x72: {  	_ =	shalt  }
0x73: {  	_ =	shalt  }
0x74: {  	_ =	shalt  }
0x75: {  	_ =	shalt  }
0x76: {  	_ =	shalt  }
0x77: {  	_ =	shalt  }
0x78: {  	_ =	shalt  }
0x79: {  	_ =	shalt  }
0x7a: {  	_ =	shalt  }
0x7b: {  	_ =	shalt  }
0x7c: {  	_ =	shalt  }
0x7d: {  	_ =	shalt  }
0x7e: {  	_ =	shalt  }
0x7f: {  	_ =	shalt  }
0x80: {  	_ =	shalt  }
0x81: {  	_ =	shalt  }
0x82: {  	_ =	shalt  }
0x83: {  	_ =	shalt  }
0x84: {  	_ =	shalt  }
0x85: {  	_ =	shalt  }
0x86: {  	_ =	shalt  }
0x87: {  	_ =	shalt  }
.Lfunc_end0:
.L_simem_size_0:
called_computation.1_lowered:
.L_overlay_start_0:
0x88: {  	s2 =	sld [smem:$0x3FD9]  }
0x89: {  	s3 =	sld [smem:$0x3FFE];
	_ =	sdelay $0x1  }
0x8a: {  	s1 =	srdreg.scid  }
0x8b: {  	s0 =	sand.u32 $0x1, s1  }
0x8c: {  	s16 =	sshll.u32 s0, $0xA;
	s2 =	sadd.s32 s3, s2  }
0x8d: {  	s2 =	sadd.s32 s2, s16  }
0x8e: {  	[smem:$0x3FA9] =	sst s2  }
0x8f: {  	_ = 	snop  }
0x90: {  	(tm) =	ssettm $0x1  }
0x91: {  	s17 =	sld [smem:$0x3FFB];
	_ =	sdelay $0x3  }
0x92: {  	_ =	strace s17  }
0x93: {  	s2 =	sld [smem:$0x3FFC];
	_ =	sdelay $0x3  }
0x94: {  	_ =	strace s2  }
0x95: {  	s2 =	sld [smem:$0x3FFD];
	_ =	sdelay $0x3  }
0x96: {  	_ =	strace s2  }
0x97: {  	_ =	strace $0x8FFFFFFF  }
0x98: {  	s18 =	sld [smem:$0x3FDB];
	_ =	sdelay $0x1  }
0x99: {  	s19 =	simm.s32 $_scs_section_size  }
0x9a: {  	s4 =	simm.s32 $_size__tile_overlayer_lowered;
	s5 =	simm.s32 $_tile_overlayer_lowered  }
0x9b: {  	s22 =	simm.s32 $0x1BFF;
	s21 =	sshll.u32 s5, $0x1;
	s2 =	sadd.s32 s19, s18  }
0x9c: {  	s6 =	simm.s32 $0x0;
	s20 =	sshll.u32 s4, $0x1;
	s4 =	sadd.s32 s21, s2  }
0x9d: {  	[timem:s6], [sflag:s22] =	dma.local [hbm:s4], s20  }
0x9e: {  	_ =	swait.ge [sflag:s22], s20  }
0x9f: {  	s3 =	ssub.s32 $0x0, s20;
	[sflag:s22] =	ssyncset.done $0x0  }
0xa0: {  	[sflag:s22] =	ssyncadd.s32 s3;
	_ =	sdelay $0x1  }
0xa1: {  	s23 =	simm.s32 $0x1B8B  }
0xa2: {  	_ =	swait.ge [sflag:s23], $0x1  }
0xa3: {  	[sflag:s23] =	ssyncset.done $0x0  }
0xa4: {  	s25 =	simm.s32 $0x1B8E;
	s24 =	sld [smem:$0x3FFE];
	[sflag:s23] =	ssyncadd.s32 $0xFFFFFFFF  }
0xa5: {  	s26 =	simm.s32 $execute0_lowered;
	[smem:$0x3FD2] =	sst s25  }
0xa6: {  	s4 =	sshll.u32 s26, $0x1;
	_ =	strace $0x80000049;
	[dreg:$0x1] =	wrdreg $0xFFFFFFFF  }
0xa7: {  	s28 =	simm.s32 $_size_execute0_lowered;
	s2 =	sadd.s32 s2, s4;
	[dreg:$0x0] =	wrdreg $0x0  }
0xa8: {  	s4 =	sshll.u32 s28, $0x1;
	[dreg:$0x2] =	wrdreg s2  }
0xa9: {  	[dreg:$0x3] =	wrdreg s4  }
0xaa: {  	[dreg:$0x4] =	wrdreg $0xC0  }
0xab: {  	_ =	task [dreg:s6], $0x5FFFF  }
0xac: {  	[dreg:$0x1] =	wrdreg $0xFFFFFFFF  }
0xad: {  	[dreg:$0x0] =	wrdreg $0x60  }
0xae: {  	[dreg:$0x2] =	wrdreg s24  }
0xaf: {  	[dreg:$0x3] =	wrdreg $0x72000  }
0xb0: {  	[dreg:$0x4] =	wrdreg $0x9  }
0xb1: {  	_ =	task.clear_ibuf [dreg:s6], $0x5FFFF;
	_ =	strace $0x90000049  }
0xb2: {  	s29 =	simm.s32 $0x9;
	_ =	strace $0x8000004B  }
0xb3: {  	_ =	swait.ge [sflag:s29], $0x1  }
0xb4: {  	[sflag:s29] =	ssyncadd.s32 $0xFFFFFFFF  }
0xb5: {  	_ =	strace $0x9000004B  }
0xb6: {  	_ =	sfence  }
0xb7: {  	s30 =	sld [smem:$0x0];
	_ =	sdelay $0x2  }
0xb8: {  	s31 =	sshll.u32 s1, $0xD;
	s1 =	sshrl.u32 s1, $0x2  }
0xb9: {  	s3 =	sand.u32 $0x4000, s31;
	s1 =	sadd.s32 s1, s30  }
0xba: {  	s0 =	sor.u32 s3, s0;
	s1 =	sshll.u32 s1, $0x11  }
0xbb: {  	s0 =	sor.u32 s1, s0  }
0xbc: {  	s0 =	sadd.s32 $0x8F2B, s0  }
0xbd: {  	[sflag:s0] =	ssyncadd.remote.s32 $0x1  }
0xbe: {  	_ =	sfence.sel $0xFFFF  }
0xbf: {  	[dreg:$0x0] =	wrdreg $0xFFFFFFFF;
	(pc) =	sbr.abs _section_cstart, $3  }
0xc0: {  	[dreg:$0x1] =	wrdreg $0xFFFFFFFF  }
0xc1: {  	_ =	task.clear_ibuf [dreg:s6], $0x2FFFF;
	_ =	strace $0x9FFFFFFF  }
0xc2: {  	(tm) =	ssettm $0x7FFFFFFF  }
0xc3: {  	_ =	shalt  }
tec
execute0_lowered:
.L_overlay_start_1:
0x0: {  	(tag) =	ssettag $0x1  }
0x1: {  	s0 =	rddreg [dreg:$0x0]  }
0x2: {  	s2 =	rddreg [dreg:$0x1];
	s9 =	stileid.u32  }
0x3: {  	s4 =	srdreg.scid;
	s3 =	simm.s32 $0x0;
	s15 =	simm.s32 $0x180  }
0x4: {  	s16 =	simm.s32 $0x240;
	s17 =	simm.s32 $0x9C0;
	s18 =	simm.s32 $0x300  }
0x5: {  	s19 =	simm.s32 $0xA80;
	s20 =	simm.s32 $0x3C0;
	s21 =	simm.s32 $0xB40  }
0x6: {  	s22 =	simm.s32 $0x480;
	s23 =	simm.s32 $0xC00;
	s24 =	simm.s32 $0x540  }
0x7: {  	s25 =	simm.s32 $0xCC0;
	[smem:$0x7FF] =	sst s3;
	s10 =	sadd.s32 $0xB3200, s0  }
0x8: {  	s28 =	simm.s32 $0xE40;
	_ =	strace $0x8000004A;
	[dreg:$0x11] =	wrdreg s10  }
0x9: {  	s29 =	simm.s32 $0x780;
	s30 =	simm.s32 $0xF00;
	[dreg:$0x5] =	wrdreg s15  }
0xa: {  	s31 =	simm.s32 $0x840;
	s1 =	smul.u32 $0x18C0, s9;
	[dreg:$0x6] =	wrdreg s16  }
0xb: {  	s5 =	sand.u32 $0x1, s4;
	s6 =	smul.u32 $0x3100, s9;
	[dreg:$0x7] =	wrdreg s17  }
0xc: {  	s4 =	sadd.s32 $0xB6400, s0;
	s8 =	smul.u32 $0x62000, s9;
	[dreg:$0x8] =	wrdreg s18  }
0xd: {  	s9 =	sshll.u32 s9, $0x6;
	s7 =	smul.u32 $0x31000, s5;
	[dreg:$0x9] =	wrdreg s19  }
0xe: {  	s26 =	ssub.s32 $0x2, s5;
	s5 =	smul.u32 $0x18C00, s5;
	[dreg:$0xa] =	wrdreg s20  }
0xf: {  	s15 =	simm.s32 $0x4200;
	s16 =	simm.s32 $0x1;
	[dreg:$0xb] =	wrdreg s21  }
0x10: {  	s17 =	simm.s32 $0x5A00;
	s18 =	simm.s32 $0x2;
	[dreg:$0xc] =	wrdreg s22  }
0x11: {  	s19 =	simm.s32 $0x5;
	s20 =	simm.s32 $0x3;
	[dreg:$0xd] =	wrdreg s23  }
0x12: {  	s21 =	simm.s32 $0x6;
	s22 =	simm.s32 $0x4;
	[dreg:$0xe] =	wrdreg s24  }
0x13: {  	s23 =	simm.s32 $0x7;
	[dreg:$0xf] =	wrdreg s25;
	s24 =	simm.s32 $0x8  }
0x14: {  	s25 =	simm.s32 $0xD80;
	s1 =	sadd.s32 s1, s0;
	s8 =	sshrl.u32 s8, $0x2  }
0x15: {  	s10 =	sshrl.u32 s26, $0x1;
	s6 =	sadd.s32 s6, s7;
	s11 =	sadd.s32 s8, s2  }
0x16: {  	s8 =	sor.u32 $0x1C09, s9;
	s12 =	sadd.s32 $0x6E00, s1;
	s1 =	sadd.s32 s5, s1  }
0x17: {  	s5 =	simm.s32 $0x1140;
	s9 =	simm.s32 $0x0;
	s0 =	sadd.s32 s6, s0  }
0x18: {  	s6 =	ssub.s32 s26, s10;
	[dreg:$0x3] =	wrdreg s12;
	s14 =	sadd.s32 $0x1FA00, s1  }
0x19: {  	s7 =	sshrl.u32 s11, $0x3;
	s10 =	simm.s32 $0x9;
	[dreg:$0x12] =	wrdreg s8  }
0x1a: {  	s11 =	simm.s32 $0x900;
	s26 =	simm.s32 $0x600;
	[dreg:$0x4] =	wrdreg s14  }
0x1b: {  	s12 =	simm.s32 $0xC0;
	s1 =	simm.s32 $0x1080;
	[dreg:$0x10] =	wrdreg s26  }
0x1c: {  	s0 =	sadd.s32 $0x118400, s0;
	s13 =	smax.u32 s6, $0x1;
	[dreg:$0x15] =	wrdreg s7  }
0x1d: {  	s14 =	simm.s32 $0x2A00;
	s26 =	simm.s32 $0x6C0;
	[dreg:$0x13] =	wrdreg s0  }
0x1e: {  	[dreg:$0x14] =	wrdreg s13;
	s13 =	simm.s32 $0x1200;
	s0 =	simm.s32 $0xFC0  }
.LBB2_1:
0x1f: {  	[dreg:$0x16] =	wrdreg s9  }
0x20: {  	s6 =	rddreg [dreg:$0x11]  }
0x21: {  	[spmem:s7], [sflag:s8] =	dma.local [hbm:s6], $0x3100  }
0x22: {  	_ =	swait.ge [sflag:s10], $0x3100  }
0x23: {  	[sflag:s10] =	ssyncset.done $0x0  }
0x24: {  	[sflag:s10] =	ssyncadd.s32 $0xFFFFCF00  }
0x25: {  	[bflag:$0x0] =	sbarrier.arrive $0xFFFF  }
0x26: {  	s8 =	rddreg [dreg:$0x4]  }
0x27: {  	s6 =	sadd.s32 $0x0, s8  }
0x28: {  	[tilespmem:s3], [sflag:$0x9] =	stream.linear.gather [hbm4b:s6+s3], $0x900, $0x38;
	[tilespmem:$0x1FA00] =	vst v63  }
0x29: {  	_ =	swait.ge [sflag:s10], $0x900  }
0x2a: {  	s9 =	rddreg [dreg:$0x3];
	[sflag:s10] =	ssyncset.done $0x0  }
0x2b: {  	[sflag:s10] =	ssyncadd.s32 $0xFFFFF700;
	s6 =	sadd.s32 $0x0, s9  }
0x2c: {  	[tilespmem:s11], [sflag:$0x9] =	stream.linear.gather [hbm4b:s6+s3], $0x900, $0x38;
	[tilespmem:$0x1FA00] =	vst v63  }
0x2d: {  	_ =	swait.ge [sflag:s10], $0x900  }
0x2e: {  	[sflag:s10] =	ssyncset.done $0x0  }
0x2f: {  	[sflag:s10] =	ssyncadd.s32 $0xFFFFF700  }
0x30: {  	[tilespmem:s13], [sflag:$0x1] =	stream.indirect.gather [hbm4b:s4+s12], $0x20, s3, s12, $0xb8;
	[tilespmem:$0x1FA00] =	vst v63  }
0x31: {  	_ = 	snop  }
0x32: {  	[tilespmem:s14], [sflag:$0x2] =	stream.indirect.gather [hbm4b:s4+s12], $0x20, s12, s12, $0xb8;
	[tilespmem:$0x1FA00] =	vst v63  }
0x33: {  	s7 =	rddreg [dreg:$0x5]  }
0x34: {  	[tilespmem:s15], [sflag:$0x3] =	stream.indirect.gather [hbm4b:s4+s12], $0x20, s7, s12, $0xb8;
	[tilespmem:$0x1FA00] =	vst v63  }
0x35: {  	_ =	swait.ge [sflag:s16], $0x1800  }
0x36: {  	[sflag:s16] =	ssyncset.done $0x0  }
0x37: {  	[sflag:s16] =	ssyncadd.s32 $0xFFFFE800  }
0x38: {  	[spmem:s2] =	stream.indirect.scatter.add.f32 [tilespmem:s13], [sflag:$0x5], $0x20, s11, s12, $0xb8;
	[tilespmem:$0x1FA00] =	vst v63  }
0x39: {  	s8 =	rddreg [dreg:$0x6]  }
0x3a: {  	[tilespmem:s17], [sflag:$0x4] =	stream.indirect.gather [hbm4b:s4+s12], $0x20, s8, s12, $0xb8;
	[tilespmem:$0x1FA00] =	vst v63  }
0x3b: {  	_ =	swait.ge [sflag:s18], $0x1800  }
0x3c: {  	[sflag:s18] =	ssyncset.done $0x0  }
0x3d: {  	s9 =	rddreg [dreg:$0x7];
	[sflag:s18] =	ssyncadd.s32 $0xFFFFE800  }
0x3e: {  	[spmem:s2] =	stream.indirect.scatter.add.f32 [tilespmem:s14], [sflag:$0x6], $0x20, s9, s12, $0xb8;
	[tilespmem:$0x1FA00] =	vst v63  }
0x3f: {  	_ =	swait.ge [sflag:s19], $0x1800  }
0x40: {  	[sflag:s19] =	ssyncset.done $0x0  }
0x41: {  	s7 =	rddreg [dreg:$0x8];
	[sflag:s19] =	ssyncadd.s32 $0xFFFFE800  }
0x42: {  	[tilespmem:s13], [sflag:$0x1] =	stream.indirect.gather [hbm4b:s4+s12], $0x20, s7, s12, $0xb8;
	[tilespmem:$0x1FA00] =	vst v63  }
0x43: {  	_ =	swait.ge [sflag:s20], $0x1800  }
0x44: {  	[sflag:s20] =	ssyncset.done $0x0  }
0x45: {  	s8 =	rddreg [dreg:$0x9];
	[sflag:s20] =	ssyncadd.s32 $0xFFFFE800  }
0x46: {  	[spmem:s2] =	stream.indirect.scatter.add.f32 [tilespmem:s15], [sflag:$0x7], $0x20, s8, s12, $0xb8;
	[tilespmem:$0x1FA00] =	vst v63  }
0x47: {  	_ =	swait.ge [sflag:s21], $0x1800  }
0x48: {  	[sflag:s21] =	ssyncset.done $0x0  }
0x49: {  	s9 =	rddreg [dreg:$0xa];
	[sflag:s21] =	ssyncadd.s32 $0xFFFFE800  }
0x4a: {  	[tilespmem:s14], [sflag:$0x2] =	stream.indirect.gather [hbm4b:s4+s12], $0x20, s9, s12, $0xb8;
	[tilespmem:$0x1FA00] =	vst v63  }
0x4b: {  	_ =	swait.ge [sflag:s22], $0x1800  }
0x4c: {  	[sflag:s22] =	ssyncset.done $0x0  }
0x4d: {  	s7 =	rddreg [dreg:$0xb];
	[sflag:s22] =	ssyncadd.s32 $0xFFFFE800  }
0x4e: {  	[spmem:s2] =	stream.indirect.scatter.add.f32 [tilespmem:s17], [sflag:$0x8], $0x20, s7, s12, $0xb8;
	[tilespmem:$0x1FA00] =	vst v63  }
0x4f: {  	_ =	swait.ge [sflag:s23], $0x1800  }
0x50: {  	[sflag:s23] =	ssyncset.done $0x0  }
0x51: {  	s8 =	rddreg [dreg:$0xc];
	[sflag:s23] =	ssyncadd.s32 $0xFFFFE800  }
0x52: {  	[tilespmem:s15], [sflag:$0x3] =	stream.indirect.gather [hbm4b:s4+s12], $0x20, s8, s12, $0xb8;
	[tilespmem:$0x1FA00] =	vst v63  }
0x53: {  	_ =	swait.ge [sflag:s16], $0x1800  }
0x54: {  	[sflag:s16] =	ssyncset.done $0x0  }
0x55: {  	s9 =	rddreg [dreg:$0xd];
	[sflag:s16] =	ssyncadd.s32 $0xFFFFE800  }
0x56: {  	[spmem:s2] =	stream.indirect.scatter.add.f32 [tilespmem:s13], [sflag:$0x5], $0x20, s9, s12, $0xb8;
	[tilespmem:$0x1FA00] =	vst v63  }
0x57: {  	_ =	swait.ge [sflag:s24], $0x1800  }
0x58: {  	[sflag:s24] =	ssyncset.done $0x0  }
0x59: {  	s7 =	rddreg [dreg:$0xe];
	[sflag:s24] =	ssyncadd.s32 $0xFFFFE800  }
0x5a: {  	[tilespmem:s17], [sflag:$0x4] =	stream.indirect.gather [hbm4b:s4+s12], $0x20, s7, s12, $0xb8;
	[tilespmem:$0x1FA00] =	vst v63  }
0x5b: {  	_ =	swait.ge [sflag:s18], $0x1800  }
0x5c: {  	[sflag:s18] =	ssyncset.done $0x0  }
0x5d: {  	s8 =	rddreg [dreg:$0xf];
	[sflag:s18] =	ssyncadd.s32 $0xFFFFE800  }
0x5e: {  	[spmem:s2] =	stream.indirect.scatter.add.f32 [tilespmem:s14], [sflag:$0x6], $0x20, s8, s12, $0xb8;
	[tilespmem:$0x1FA00] =	vst v63  }
0x5f: {  	_ =	swait.ge [sflag:s19], $0x1800  }
0x60: {  	[sflag:s19] =	ssyncset.done $0x0  }
0x61: {  	s9 =	rddreg [dreg:$0x10];
	[sflag:s19] =	ssyncadd.s32 $0xFFFFE800  }
0x62: {  	[tilespmem:s13], [sflag:$0x1] =	stream.indirect.gather [hbm4b:s4+s12], $0x20, s9, s12, $0xb8;
	[tilespmem:$0x1FA00] =	vst v63  }
0x63: {  	_ =	swait.ge [sflag:s20], $0x1800  }
0x64: {  	[sflag:s20] =	ssyncset.done $0x0  }
0x65: {  	[sflag:s20] =	ssyncadd.s32 $0xFFFFE800  }
0x66: {  	[spmem:s2] =	stream.indirect.scatter.add.f32 [tilespmem:s15], [sflag:$0x7], $0x20, s25, s12, $0xb8;
	[tilespmem:$0x1FA00] =	vst v63  }
0x67: {  	_ =	swait.ge [sflag:s21], $0x1800  }
0x68: {  	[sflag:s21] =	ssyncset.done $0x0  }
0x69: {  	[sflag:s21] =	ssyncadd.s32 $0xFFFFE800  }
0x6a: {  	[tilespmem:s14], [sflag:$0x2] =	stream.indirect.gather [hbm4b:s4+s12], $0x20, s26, s12, $0xb8;
	[tilespmem:$0x1FA00] =	vst v63  }
0x6b: {  	_ =	swait.ge [sflag:s22], $0x1800  }
0x6c: {  	[sflag:s22] =	ssyncset.done $0x0  }
0x6d: {  	[sflag:s22] =	ssyncadd.s32 $0xFFFFE800  }
0x6e: {  	[spmem:s2] =	stream.indirect.scatter.add.f32 [tilespmem:s17], [sflag:$0x8], $0x20, s28, s12, $0xb8;
	[tilespmem:$0x1FA00] =	vst v63  }
0x6f: {  	_ =	swait.ge [sflag:s23], $0x1800  }
0x70: {  	[sflag:s23] =	ssyncset.done $0x0  }
0x71: {  	[sflag:s23] =	ssyncadd.s32 $0xFFFFE800  }
0x72: {  	[tilespmem:s15], [sflag:$0x3] =	stream.indirect.gather [hbm4b:s4+s12], $0x20, s29, s12, $0xb8;
	[tilespmem:$0x1FA00] =	vst v63  }
0x73: {  	_ =	swait.ge [sflag:s16], $0x1800  }
0x74: {  	[sflag:s16] =	ssyncset.done $0x0  }
0x75: {  	[sflag:s16] =	ssyncadd.s32 $0xFFFFE800  }
0x76: {  	[spmem:s2] =	stream.indirect.scatter.add.f32 [tilespmem:s13], [sflag:$0x5], $0x20, s30, s12, $0xb8;
	[tilespmem:$0x1FA00] =	vst v63  }
0x77: {  	_ =	swait.ge [sflag:s24], $0x1800  }
0x78: {  	[sflag:s24] =	ssyncset.done $0x0  }
0x79: {  	[sflag:s24] =	ssyncadd.s32 $0xFFFFE800  }
0x7a: {  	[tilespmem:s17], [sflag:$0x4] =	stream.indirect.gather [hbm4b:s4+s12], $0x20, s31, s12, $0xb8;
	[tilespmem:$0x1FA00] =	vst v63  }
0x7b: {  	_ =	swait.ge [sflag:s18], $0x1800  }
0x7c: {  	[sflag:s18] =	ssyncset.done $0x0  }
0x7d: {  	[sflag:s18] =	ssyncadd.s32 $0xFFFFE800  }
0x7e: {  	[spmem:s2] =	stream.indirect.scatter.add.f32 [tilespmem:s14], [sflag:$0x6], $0x20, s0, s12, $0xb8;
	[tilespmem:$0x1FA00] =	vst v63  }
0x7f: {  	_ =	swait.ge [sflag:s19], $0x1800  }
0x80: {  	[sflag:s19] =	ssyncset.done $0x0  }
0x81: {  	[sflag:s19] =	ssyncadd.s32 $0xFFFFE800  }
0x82: {  	_ =	swait.ge [sflag:s20], $0x1800  }
0x83: {  	[sflag:s20] =	ssyncset.done $0x0  }
0x84: {  	[sflag:s20] =	ssyncadd.s32 $0xFFFFE800  }
0x85: {  	[spmem:s2] =	stream.indirect.scatter.add.f32 [tilespmem:s15], [sflag:$0x7], $0x20, s1, s12, $0xb8;
	[tilespmem:$0x1FA00] =	vst v63  }
0x86: {  	_ =	swait.ge [sflag:s21], $0x1800  }
0x87: {  	[sflag:s21] =	ssyncset.done $0x0  }
0x88: {  	[sflag:s21] =	ssyncadd.s32 $0xFFFFE800  }
0x89: {  	_ =	swait.ge [sflag:s22], $0x1800  }
0x8a: {  	[sflag:s22] =	ssyncset.done $0x0  }
0x8b: {  	[sflag:s22] =	ssyncadd.s32 $0xFFFFE800  }
0x8c: {  	[spmem:s2] =	stream.indirect.scatter.add.f32 [tilespmem:s17], [sflag:$0x8], $0x20, s5, s12, $0xb8;
	[tilespmem:$0x1FA00] =	vst v63  }
0x8d: {  	_ =	swait.ge [sflag:s23], $0x1800  }
0x8e: {  	[sflag:s23] =	ssyncset.done $0x0  }
0x8f: {  	[sflag:s23] =	ssyncadd.s32 $0xFFFFE800  }
0x90: {  	s6 =	simm.s32 $0x240;
	_ =	swait.ge [sflag:s24], $0x1800  }
0x91: {  	s8 =	simm.s32 $0x120;
	s9 =	rddreg [dreg:$0x4];
	[sflag:s24] =	ssyncset.done $0x0  }
.LBB2_2:
0x92: {  	[sflag:s24] =	ssyncadd.s32 $0xFFFFE800;
	s9 =	sadd.s32 s8, s9  }
0x93: {  	[tilespmem:s3], [sflag:$0x9] =	stream.linear.gather [hbm4b:s9+s3], $0x900, $0x38;
	[tilespmem:$0x1FA00] =	vst v63  }
0x94: {  	_ =	swait.ge [sflag:s10], $0x900  }
0x95: {  	s9 =	rddreg [dreg:$0x3];
	[sflag:s10] =	ssyncset.done $0x0  }
0x96: {  	[sflag:s10] =	ssyncadd.s32 $0xFFFFF700;
	s9 =	sadd.s32 s8, s9  }
0x97: {  	[tilespmem:s11], [sflag:$0x9] =	stream.linear.gather [hbm4b:s9+s3], $0x900, $0x38;
	[tilespmem:$0x1FA00] =	vst v63  }
0x98: {  	_ =	swait.ge [sflag:s10], $0x900  }
0x99: {  	[sflag:s10] =	ssyncset.done $0x0  }
0x9a: {  	[sflag:s10] =	ssyncadd.s32 $0xFFFFF700  }
0x9b: {  	[tilespmem:s13], [sflag:$0x1] =	stream.indirect.gather [hbm4b:s4+s12], $0x20, s3, s12, $0xb8;
	[tilespmem:$0x1FA00] =	vst v63  }
0x9c: {  	_ = 	snop  }
0x9d: {  	[tilespmem:s14], [sflag:$0x2] =	stream.indirect.gather [hbm4b:s4+s12], $0x20, s12, s12, $0xb8;
	[tilespmem:$0x1FA00] =	vst v63  }
0x9e: {  	s9 =	rddreg [dreg:$0x5]  }
0x9f: {  	[tilespmem:s15], [sflag:$0x3] =	stream.indirect.gather [hbm4b:s4+s12], $0x20, s9, s12, $0xb8;
	[tilespmem:$0x1FA00] =	vst v63  }
0xa0: {  	_ =	swait.ge [sflag:s16], $0x1800  }
0xa1: {  	[sflag:s16] =	ssyncset.done $0x0  }
0xa2: {  	[sflag:s16] =	ssyncadd.s32 $0xFFFFE800  }
0xa3: {  	[spmem:s2] =	stream.indirect.scatter.add.f32 [tilespmem:s13], [sflag:$0x5], $0x20, s11, s12, $0xb8;
	[tilespmem:$0x1FA00] =	vst v63  }
0xa4: {  	s9 =	rddreg [dreg:$0x6]  }
0xa5: {  	[tilespmem:s17], [sflag:$0x4] =	stream.indirect.gather [hbm4b:s4+s12], $0x20, s9, s12, $0xb8;
	[tilespmem:$0x1FA00] =	vst v63  }
0xa6: {  	_ =	swait.ge [sflag:s18], $0x1800  }
0xa7: {  	[sflag:s18] =	ssyncset.done $0x0  }
0xa8: {  	s9 =	rddreg [dreg:$0x7];
	[sflag:s18] =	ssyncadd.s32 $0xFFFFE800  }
0xa9: {  	[spmem:s2] =	stream.indirect.scatter.add.f32 [tilespmem:s14], [sflag:$0x6], $0x20, s9, s12, $0xb8;
	[tilespmem:$0x1FA00] =	vst v63  }
0xaa: {  	_ =	swait.ge [sflag:s19], $0x1800  }
0xab: {  	[sflag:s19] =	ssyncset.done $0x0  }
0xac: {  	s9 =	rddreg [dreg:$0x8];
	[sflag:s19] =	ssyncadd.s32 $0xFFFFE800  }
0xad: {  	[tilespmem:s13], [sflag:$0x1] =	stream.indirect.gather [hbm4b:s4+s12], $0x20, s9, s12, $0xb8;
	[tilespmem:$0x1FA00] =	vst v63  }
0xae: {  	_ =	swait.ge [sflag:s20], $0x1800  }
0xaf: {  	[sflag:s20] =	ssyncset.done $0x0  }
0xb0: {  	s9 =	rddreg [dreg:$0x9];
	[sflag:s20] =	ssyncadd.s32 $0xFFFFE800  }
0xb1: {  	[spmem:s2] =	stream.indirect.scatter.add.f32 [tilespmem:s15], [sflag:$0x7], $0x20, s9, s12, $0xb8;
	[tilespmem:$0x1FA00] =	vst v63  }
0xb2: {  	_ =	swait.ge [sflag:s21], $0x1800  }
0xb3: {  	[sflag:s21] =	ssyncset.done $0x0  }
0xb4: {  	s9 =	rddreg [dreg:$0xa];
	[sflag:s21] =	ssyncadd.s32 $0xFFFFE800  }
0xb5: {  	[tilespmem:s14], [sflag:$0x2] =	stream.indirect.gather [hbm4b:s4+s12], $0x20, s9, s12, $0xb8;
	[tilespmem:$0x1FA00] =	vst v63  }
0xb6: {  	_ =	swait.ge [sflag:s22], $0x1800  }
0xb7: {  	[sflag:s22] =	ssyncset.done $0x0  }
0xb8: {  	s9 =	rddreg [dreg:$0xb];
	[sflag:s22] =	ssyncadd.s32 $0xFFFFE800  }
0xb9: {  	[spmem:s2] =	stream.indirect.scatter.add.f32 [tilespmem:s17], [sflag:$0x8], $0x20, s9, s12, $0xb8;
	[tilespmem:$0x1FA00] =	vst v63  }
0xba: {  	_ =	swait.ge [sflag:s23], $0x1800  }
0xbb: {  	[sflag:s23] =	ssyncset.done $0x0  }
0xbc: {  	s9 =	rddreg [dreg:$0xc];
	[sflag:s23] =	ssyncadd.s32 $0xFFFFE800  }
0xbd: {  	[tilespmem:s15], [sflag:$0x3] =	stream.indirect.gather [hbm4b:s4+s12], $0x20, s9, s12, $0xb8;
	[tilespmem:$0x1FA00] =	vst v63  }
0xbe: {  	_ =	swait.ge [sflag:s16], $0x1800  }
0xbf: {  	[sflag:s16] =	ssyncset.done $0x0  }
0xc0: {  	s9 =	rddreg [dreg:$0xd];
	[sflag:s16] =	ssyncadd.s32 $0xFFFFE800  }
0xc1: {  	[spmem:s2] =	stream.indirect.scatter.add.f32 [tilespmem:s13], [sflag:$0x5], $0x20, s9, s12, $0xb8;
	[tilespmem:$0x1FA00] =	vst v63  }
0xc2: {  	_ =	swait.ge [sflag:s24], $0x1800  }
0xc3: {  	[sflag:s24] =	ssyncset.done $0x0  }
0xc4: {  	s9 =	rddreg [dreg:$0xe];
	[sflag:s24] =	ssyncadd.s32 $0xFFFFE800  }
0xc5: {  	[tilespmem:s17], [sflag:$0x4] =	stream.indirect.gather [hbm4b:s4+s12], $0x20, s9, s12, $0xb8;
	[tilespmem:$0x1FA00] =	vst v63  }
0xc6: {  	_ =	swait.ge [sflag:s18], $0x1800  }
0xc7: {  	[sflag:s18] =	ssyncset.done $0x0  }
0xc8: {  	s9 =	rddreg [dreg:$0xf];
	[sflag:s18] =	ssyncadd.s32 $0xFFFFE800  }
0xc9: {  	[spmem:s2] =	stream.indirect.scatter.add.f32 [tilespmem:s14], [sflag:$0x6], $0x20, s9, s12, $0xb8;
	[tilespmem:$0x1FA00] =	vst v63  }
0xca: {  	_ =	swait.ge [sflag:s19], $0x1800  }
0xcb: {  	[sflag:s19] =	ssyncset.done $0x0  }
0xcc: {  	s9 =	rddreg [dreg:$0x10];
	[sflag:s19] =	ssyncadd.s32 $0xFFFFE800  }
0xcd: {  	[tilespmem:s13], [sflag:$0x1] =	stream.indirect.gather [hbm4b:s4+s12], $0x20, s9, s12, $0xb8;
	[tilespmem:$0x1FA00] =	vst v63  }
0xce: {  	_ =	swait.ge [sflag:s20], $0x1800  }
0xcf: {  	[sflag:s20] =	ssyncset.done $0x0  }
0xd0: {  	[sflag:s20] =	ssyncadd.s32 $0xFFFFE800  }
0xd1: {  	[spmem:s2] =	stream.indirect.scatter.add.f32 [tilespmem:s15], [sflag:$0x7], $0x20, s25, s12, $0xb8;
	[tilespmem:$0x1FA00] =	vst v63  }
0xd2: {  	_ =	swait.ge [sflag:s21], $0x1800  }
0xd3: {  	[sflag:s21] =	ssyncset.done $0x0  }
0xd4: {  	[sflag:s21] =	ssyncadd.s32 $0xFFFFE800  }
0xd5: {  	[tilespmem:s14], [sflag:$0x2] =	stream.indirect.gather [hbm4b:s4+s12], $0x20, s26, s12, $0xb8;
	[tilespmem:$0x1FA00] =	vst v63  }
0xd6: {  	_ =	swait.ge [sflag:s22], $0x1800  }
0xd7: {  	[sflag:s22] =	ssyncset.done $0x0  }
0xd8: {  	[sflag:s22] =	ssyncadd.s32 $0xFFFFE800  }
0xd9: {  	[spmem:s2] =	stream.indirect.scatter.add.f32 [tilespmem:s17], [sflag:$0x8], $0x20, s28, s12, $0xb8;
	[tilespmem:$0x1FA00] =	vst v63  }
0xda: {  	_ =	swait.ge [sflag:s23], $0x1800  }
0xdb: {  	[sflag:s23] =	ssyncset.done $0x0  }
0xdc: {  	[sflag:s23] =	ssyncadd.s32 $0xFFFFE800  }
0xdd: {  	[tilespmem:s15], [sflag:$0x3] =	stream.indirect.gather [hbm4b:s4+s12], $0x20, s29, s12, $0xb8;
	[tilespmem:$0x1FA00] =	vst v63  }
0xde: {  	_ =	swait.ge [sflag:s16], $0x1800  }
0xdf: {  	[sflag:s16] =	ssyncset.done $0x0  }
0xe0: {  	[sflag:s16] =	ssyncadd.s32 $0xFFFFE800  }
0xe1: {  	[spmem:s2] =	stream.indirect.scatter.add.f32 [tilespmem:s13], [sflag:$0x5], $0x20, s30, s12, $0xb8;
	[tilespmem:$0x1FA00] =	vst v63  }
0xe2: {  	_ =	swait.ge [sflag:s24], $0x1800  }
0xe3: {  	[sflag:s24] =	ssyncset.done $0x0  }
0xe4: {  	[sflag:s24] =	ssyncadd.s32 $0xFFFFE800  }
0xe5: {  	[tilespmem:s17], [sflag:$0x4] =	stream.indirect.gather [hbm4b:s4+s12], $0x20, s31, s12, $0xb8;
	[tilespmem:$0x1FA00] =	vst v63  }
0xe6: {  	_ =	swait.ge [sflag:s18], $0x1800  }
0xe7: {  	[sflag:s18] =	ssyncset.done $0x0  }
0xe8: {  	[sflag:s18] =	ssyncadd.s32 $0xFFFFE800  }
0xe9: {  	[spmem:s2] =	stream.indirect.scatter.add.f32 [tilespmem:s14], [sflag:$0x6], $0x20, s0, s12, $0xb8;
	[tilespmem:$0x1FA00] =	vst v63  }
0xea: {  	_ =	swait.ge [sflag:s19], $0x1800  }
0xeb: {  	[sflag:s19] =	ssyncset.done $0x0  }
0xec: {  	[sflag:s19] =	ssyncadd.s32 $0xFFFFE800  }
0xed: {  	_ =	swait.ge [sflag:s20], $0x1800  }
0xee: {  	[sflag:s20] =	ssyncset.done $0x0  }
0xef: {  	[sflag:s20] =	ssyncadd.s32 $0xFFFFE800  }
0xf0: {  	[spmem:s2] =	stream.indirect.scatter.add.f32 [tilespmem:s15], [sflag:$0x7], $0x20, s1, s12, $0xb8;
	[tilespmem:$0x1FA00] =	vst v63  }
0xf1: {  	_ =	swait.ge [sflag:s21], $0x1800  }
0xf2: {  	[sflag:s21] =	ssyncset.done $0x0  }
0xf3: {  	[sflag:s21] =	ssyncadd.s32 $0xFFFFE800  }
0xf4: {  	_ =	swait.ge [sflag:s22], $0x1800  }
0xf5: {  	[sflag:s22] =	ssyncset.done $0x0  }
0xf6: {  	p0 =	sne.s32 s6, $0x17A0;
	[sflag:s22] =	ssyncadd.s32 $0xFFFFE800  }
0xf7: {  	[spmem:s2] =	stream.indirect.scatter.add.f32 [tilespmem:s17], [sflag:$0x8], $0x20, s5, s12, $0xb8;
	[tilespmem:$0x1FA00] =	vst v63  }
.Ltmp0:
0xf8: {  	_ =	swait.ge [sflag:s23], $0x1800;
	(pc) =	sbr.rel @p0 .LBB2_2-.Ltmp0, $4  }
0xf9: {  	[sflag:s23] =	ssyncset.done $0x0  }
0xfa: {  	[sflag:s23] =	ssyncadd.s32 $0xFFFFE800  }
0xfb: {  	s7 =	smov.u32 s6;
	s6 =	sadd.s32 $0x120, s6;
	_ =	swait.ge [sflag:s24], $0x1800  }
0xfc: {  	s8 =	smov.u32 s7;
	s9 =	rddreg [dreg:$0x4];
	[sflag:s24] =	ssyncset.done $0x0  }
0xfd: {  	[sflag:s24] =	ssyncadd.s32 $0xFFFFE800;
	s6 =	sadd.s32 s8, s9  }
0xfe: {  	[tilespmem:s3], [sflag:$0x9] =	stream.linear.gather [hbm4b:s6+s3], $0x900, $0x38;
	[tilespmem:$0x1FA00] =	vst v63  }
0xff: {  	_ =	swait.ge [sflag:s10], $0x900  }
0x100: {  	s7 =	rddreg [dreg:$0x3];
	[sflag:s10] =	ssyncset.done $0x0  }
0x101: {  	s6 =	sadd.s32 s8, s7;
	[sflag:s10] =	ssyncadd.s32 $0xFFFFF700  }
0x102: {  	[tilespmem:s11], [sflag:$0x9] =	stream.linear.gather [hbm4b:s6+s3], $0x900, $0x38;
	[tilespmem:$0x1FA00] =	vst v63  }
0x103: {  	_ =	swait.ge [sflag:s10], $0x900  }
0x104: {  	[sflag:s10] =	ssyncset.done $0x0  }
0x105: {  	[sflag:s10] =	ssyncadd.s32 $0xFFFFF700  }
0x106: {  	[tilespmem:s13], [sflag:$0x1] =	stream.indirect.gather [hbm4b:s4+s12], $0x20, s3, s12, $0xb8;
	[tilespmem:$0x1FA00] =	vst v63  }
0x107: {  	_ = 	snop  }
0x108: {  	[tilespmem:s14], [sflag:$0x2] =	stream.indirect.gather [hbm4b:s4+s12], $0x20, s12, s12, $0xb8;
	[tilespmem:$0x1FA00] =	vst v63  }
0x109: {  	s9 =	rddreg [dreg:$0x5]  }
0x10a: {  	[tilespmem:s15], [sflag:$0x3] =	stream.indirect.gather [hbm4b:s4+s12], $0x20, s9, s12, $0xb8;
	[tilespmem:$0x1FA00] =	vst v63  }
0x10b: {  	_ =	swait.ge [sflag:s16], $0x1800  }
0x10c: {  	[sflag:s16] =	ssyncset.done $0x0  }
0x10d: {  	[sflag:s16] =	ssyncadd.s32 $0xFFFFE800  }
0x10e: {  	[spmem:s2] =	stream.indirect.scatter.add.f32 [tilespmem:s13], [sflag:$0x5], $0x20, s11, s12, $0xb8;
	[tilespmem:$0x1FA00] =	vst v63  }
0x10f: {  	s7 =	rddreg [dreg:$0x6]  }
0x110: {  	[tilespmem:s17], [sflag:$0x4] =	stream.indirect.gather [hbm4b:s4+s12], $0x20, s7, s12, $0xb8;
	[tilespmem:$0x1FA00] =	vst v63  }
0x111: {  	_ =	swait.ge [sflag:s18], $0x1800  }
0x112: {  	[sflag:s18] =	ssyncset.done $0x0  }
0x113: {  	s8 =	rddreg [dreg:$0x7];
	[sflag:s18] =	ssyncadd.s32 $0xFFFFE800  }
0x114: {  	[spmem:s2] =	stream.indirect.scatter.add.f32 [tilespmem:s14], [sflag:$0x6], $0x20, s8, s12, $0xb8;
	[tilespmem:$0x1FA00] =	vst v63  }
0x115: {  	_ =	swait.ge [sflag:s19], $0x1800  }
0x116: {  	[sflag:s19] =	ssyncset.done $0x0  }
0x117: {  	s9 =	rddreg [dreg:$0x8];
	[sflag:s19] =	ssyncadd.s32 $0xFFFFE800  }
0x118: {  	[tilespmem:s13], [sflag:$0x1] =	stream.indirect.gather [hbm4b:s4+s12], $0x20, s9, s12, $0xb8;
	[tilespmem:$0x1FA00] =	vst v63  }
0x119: {  	_ =	swait.ge [sflag:s20], $0x1800  }
0x11a: {  	[sflag:s20] =	ssyncset.done $0x0  }
0x11b: {  	s7 =	rddreg [dreg:$0x9];
	[sflag:s20] =	ssyncadd.s32 $0xFFFFE800  }
0x11c: {  	[spmem:s2] =	stream.indirect.scatter.add.f32 [tilespmem:s15], [sflag:$0x7], $0x20, s7, s12, $0xb8;
	[tilespmem:$0x1FA00] =	vst v63  }
0x11d: {  	_ =	swait.ge [sflag:s21], $0x1800  }
0x11e: {  	[sflag:s21] =	ssyncset.done $0x0  }
0x11f: {  	s8 =	rddreg [dreg:$0xa];
	[sflag:s21] =	ssyncadd.s32 $0xFFFFE800  }
0x120: {  	[tilespmem:s14], [sflag:$0x2] =	stream.indirect.gather [hbm4b:s4+s12], $0x20, s8, s12, $0xb8;
	[tilespmem:$0x1FA00] =	vst v63  }
0x121: {  	_ =	swait.ge [sflag:s22], $0x1800  }
0x122: {  	[sflag:s22] =	ssyncset.done $0x0  }
0x123: {  	s9 =	rddreg [dreg:$0xb];
	[sflag:s22] =	ssyncadd.s32 $0xFFFFE800  }
0x124: {  	[spmem:s2] =	stream.indirect.scatter.add.f32 [tilespmem:s17], [sflag:$0x8], $0x20, s9, s12, $0xb8;
	[tilespmem:$0x1FA00] =	vst v63  }
0x125: {  	_ =	swait.ge [sflag:s23], $0x1800  }
0x126: {  	[sflag:s23] =	ssyncset.done $0x0  }
0x127: {  	s7 =	rddreg [dreg:$0xc];
	[sflag:s23] =	ssyncadd.s32 $0xFFFFE800  }
0x128: {  	[tilespmem:s15], [sflag:$0x3] =	stream.indirect.gather [hbm4b:s4+s12], $0x20, s7, s12, $0xb8;
	[tilespmem:$0x1FA00] =	vst v63  }
0x129: {  	_ =	swait.ge [sflag:s16], $0x1800  }
0x12a: {  	[sflag:s16] =	ssyncset.done $0x0  }
0x12b: {  	s8 =	rddreg [dreg:$0xd];
	[sflag:s16] =	ssyncadd.s32 $0xFFFFE800  }
0x12c: {  	[spmem:s2] =	stream.indirect.scatter.add.f32 [tilespmem:s13], [sflag:$0x5], $0x20, s8, s12, $0xb8;
	[tilespmem:$0x1FA00] =	vst v63  }
0x12d: {  	_ =	swait.ge [sflag:s24], $0x1800  }
0x12e: {  	[sflag:s24] =	ssyncset.done $0x0  }
0x12f: {  	s9 =	rddreg [dreg:$0xe];
	[sflag:s24] =	ssyncadd.s32 $0xFFFFE800  }
0x130: {  	[tilespmem:s17], [sflag:$0x4] =	stream.indirect.gather [hbm4b:s4+s12], $0x20, s9, s12, $0xb8;
	[tilespmem:$0x1FA00] =	vst v63  }
0x131: {  	_ =	swait.ge [sflag:s18], $0x1800  }
0x132: {  	[sflag:s18] =	ssyncset.done $0x0  }
0x133: {  	s7 =	rddreg [dreg:$0xf];
	[sflag:s18] =	ssyncadd.s32 $0xFFFFE800  }
0x134: {  	[spmem:s2] =	stream.indirect.scatter.add.f32 [tilespmem:s14], [sflag:$0x6], $0x20, s7, s12, $0xb8;
	[tilespmem:$0x1FA00] =	vst v63  }
0x135: {  	_ =	swait.ge [sflag:s19], $0x1800  }
0x136: {  	[sflag:s19] =	ssyncset.done $0x0  }
0x137: {  	s8 =	rddreg [dreg:$0x10];
	[sflag:s19] =	ssyncadd.s32 $0xFFFFE800  }
0x138: {  	[tilespmem:s13], [sflag:$0x1] =	stream.indirect.gather [hbm4b:s4+s12], $0x20, s8, s12, $0xb8;
	[tilespmem:$0x1FA00] =	vst v63  }
0x139: {  	_ =	swait.ge [sflag:s20], $0x1800  }
0x13a: {  	[sflag:s20] =	ssyncset.done $0x0  }
0x13b: {  	[sflag:s20] =	ssyncadd.s32 $0xFFFFE800  }
0x13c: {  	[spmem:s2] =	stream.indirect.scatter.add.f32 [tilespmem:s15], [sflag:$0x7], $0x20, s25, s12, $0xb8;
	[tilespmem:$0x1FA00] =	vst v63  }
0x13d: {  	_ =	swait.ge [sflag:s21], $0x1800  }
0x13e: {  	[sflag:s21] =	ssyncset.done $0x0  }
0x13f: {  	[sflag:s21] =	ssyncadd.s32 $0xFFFFE800  }
0x140: {  	[tilespmem:s14], [sflag:$0x2] =	stream.indirect.gather [hbm4b:s4+s12], $0x20, s26, s12, $0xb8;
	[tilespmem:$0x1FA00] =	vst v63  }
0x141: {  	_ =	swait.ge [sflag:s22], $0x1800  }
0x142: {  	[sflag:s22] =	ssyncset.done $0x0  }
0x143: {  	[sflag:s22] =	ssyncadd.s32 $0xFFFFE800  }
0x144: {  	[spmem:s2] =	stream.indirect.scatter.add.f32 [tilespmem:s17], [sflag:$0x8], $0x20, s28, s12, $0xb8;
	[tilespmem:$0x1FA00] =	vst v63  }
0x145: {  	_ =	swait.ge [sflag:s23], $0x1800  }
0x146: {  	[sflag:s23] =	ssyncset.done $0x0  }
0x147: {  	[sflag:s23] =	ssyncadd.s32 $0xFFFFE800  }
0x148: {  	[tilespmem:s15], [sflag:$0x3] =	stream.indirect.gather [hbm4b:s4+s12], $0x20, s29, s12, $0xb8;
	[tilespmem:$0x1FA00] =	vst v63  }
0x149: {  	_ =	swait.ge [sflag:s16], $0x1800  }
0x14a: {  	[sflag:s16] =	ssyncset.done $0x0  }
0x14b: {  	[sflag:s16] =	ssyncadd.s32 $0xFFFFE800  }
0x14c: {  	[spmem:s2] =	stream.indirect.scatter.add.f32 [tilespmem:s13], [sflag:$0x5], $0x20, s30, s12, $0xb8;
	[tilespmem:$0x1FA00] =	vst v63  }
0x14d: {  	_ =	swait.ge [sflag:s24], $0x1800  }
0x14e: {  	[sflag:s24] =	ssyncset.done $0x0  }
0x14f: {  	[sflag:s24] =	ssyncadd.s32 $0xFFFFE800  }
0x150: {  	[tilespmem:s17], [sflag:$0x4] =	stream.indirect.gather [hbm4b:s4+s12], $0x20, s31, s12, $0xb8;
	[tilespmem:$0x1FA00] =	vst v63  }
0x151: {  	_ =	swait.ge [sflag:s18], $0x1800  }
0x152: {  	[sflag:s18] =	ssyncset.done $0x0  }
0x153: {  	[sflag:s18] =	ssyncadd.s32 $0xFFFFE800  }
0x154: {  	[spmem:s2] =	stream.indirect.scatter.add.f32 [tilespmem:s14], [sflag:$0x6], $0x20, s0, s12, $0xb8;
	[tilespmem:$0x1FA00] =	vst v63  }
0x155: {  	_ =	swait.ge [sflag:s19], $0x1800  }
0x156: {  	[sflag:s19] =	ssyncset.done $0x0  }
0x157: {  	[sflag:s19] =	ssyncadd.s32 $0xFFFFE800  }
0x158: {  	_ =	swait.ge [sflag:s20], $0x1800  }
0x159: {  	[sflag:s20] =	ssyncset.done $0x0  }
0x15a: {  	[sflag:s20] =	ssyncadd.s32 $0xFFFFE800  }
0x15b: {  	[spmem:s2] =	stream.indirect.scatter.add.f32 [tilespmem:s15], [sflag:$0x7], $0x20, s1, s12, $0xb8;
	[tilespmem:$0x1FA00] =	vst v63  }
0x15c: {  	_ =	swait.ge [sflag:s21], $0x1800  }
0x15d: {  	[sflag:s21] =	ssyncset.done $0x0  }
0x15e: {  	[sflag:s21] =	ssyncadd.s32 $0xFFFFE800  }
0x15f: {  	_ =	swait.ge [sflag:s22], $0x1800  }
0x160: {  	[sflag:s22] =	ssyncset.done $0x0  }
0x161: {  	[sflag:s22] =	ssyncadd.s32 $0xFFFFE800  }
0x162: {  	[spmem:s2] =	stream.indirect.scatter.add.f32 [tilespmem:s17], [sflag:$0x8], $0x20, s5, s12, $0xb8;
	[tilespmem:$0x1FA00] =	vst v63  }
0x163: {  	_ =	swait.ge [sflag:s23], $0x1800  }
0x164: {  	[sflag:s23] =	ssyncset.done $0x0  }
0x165: {  	[sflag:s23] =	ssyncadd.s32 $0xFFFFE800  }
0x166: {  	_ =	swait.ge [sflag:s24], $0x1800  }
0x167: {  	[sflag:s24] =	ssyncset.done $0x0  }
0x168: {  	[sflag:s24] =	ssyncadd.s32 $0xFFFFE800  }
0x169: {  	[bflag:$0x0] =	sbarrier.arrive $0xFFFF  }
0x16a: {  	s8 =	rddreg [dreg:$0x12]  }
0x16b: {  	s9 =	rddreg [dreg:$0x13]  }
0x16c: {  	s7 =	rddreg [dreg:$0x15]  }
0x16d: {  	[hbm:s9], [sflag:s8] =	dma.local [spmem:s7], $0x3100  }
0x16e: {  	_ =	swait.ge [sflag:s10], $0x3100  }
0x16f: {  	s6 =	rddreg [dreg:$0x16]  }
0x170: {  	s9 =	sadd.s32 $0x1, s6;
	s6 =	rddreg [dreg:$0x14]  }
0x171: {  	p0 =	sne.s32 s9, s6  }
.Ltmp1:
0x172: {  	_ = 	snop;
	(pc) =	sbr.rel @p0 .LBB2_1-.Ltmp1, $3  }
0x173: {  	_ =	sdelay $0x1  }
0x174: {  	[sflag:s10] =	ssyncset.done $0x0  }
0x175: {  	[sflag:s10] =	ssyncadd.s32 $0xFFFFCF00  }
0x176: {  	_ =	sfence.sel $0x180000  }
0x177: {  	[bflag:$0x0] =	sbarrier.arrive $0xFFFF  }
0x178: {  	_ =	strace $0x9000004A  }
0x179: {  	s0 =	stileid.u32;
	[bflag:$0x2] =	sbarrier.arrive $0xFFFF  }
0x17a: {  	p0 =	sne.s32 s0, $0x0;
	s0 =	rddreg [dreg:$0x2]  }
0x17b: {  	s0 =	sadd.s32 @!p0 $0x100000, s0  }
0x17c: {  	[sflag:s0] =	ssyncadd.tile.s32 @!p0 $0x1;
	_ =	shalt  }
.Lfunc_end2:
_tile_overlayer_lowered:
.L_overlay_start_2:
0x17d: {  	(tag) =	ssettag $0x2  }
0x17e: {  	s0 =	rddreg [dreg:$0x0];
	s2 =	stileid.u32  }
0x17f: {  	s1 =	rddreg [dreg:$0x1];
	p0 =	sne.s32 s2, $0x0  }
0x180: {  	s3 =	rddreg [dreg:$0x2];
	[bflag:$0x3] =	sbarrier.arrive $0xFFFF;
	s2 =	simm.s32 @!p0 $0x1C09  }
0x181: {  	[timem:s3], [sflag:s2] =	dma.local @!p0 [hbm:s0], s1  }
0x182: {  	s0 =	simm.s32 @!p0 $0x9  }
0x183: {  	_ =	swait.ge @!p0 [sflag:s0], s1  }
0x184: {  	s1 =	ssub.s32 @!p0 $0x0, s1;
	[sflag:s0] =	ssyncset.done @!p0 $0x0  }
0x185: {  	[sflag:s0] =	ssyncadd.s32 @!p0 s1  }
0x186: {  	[bflag:$0x3] =	sbarrier.arrive $0xFFFF  }
0x187: {  	_ =	shalt  }

</sc_bundles>
